<compile_context>
chip_gen: v7x
topology: tpu7x:2x2x1
jax: 0.10.2.dev20260603
libtpu: 0.0.44.dev20260713+nightly
codegen_flags: <defaults>
</compile_context>

<pallas_src>
import functools

import jax
import jax.numpy as jnp
from jax import lax
from jax.experimental import pallas as pl
from jax.experimental.pallas import tpu as pltpu
from jax.experimental.pallas import tpu_sc as plsc

D = 256
R = 4
HALF = 128
NC = 2
NS = 16
L = 16
K = 128
NB = 2
NI = 2 * NB
NP = 10112
RT = NP // NS


def _mm1_body(x_ref, w_ref, o_ref):
    o_ref[...] = jnp.dot(x_ref[...], w_ref[...],
                         preferred_element_type=jnp.float32)


def _mm2_body(a_ref, w_ref, o_ref):
    h = jnp.maximum(a_ref[...], 0.0)
    o_ref[...] = jnp.dot(h, w_ref[...], preferred_element_type=jnp.float32)


def _mm1(x, wt, bn=1000):
    n = x.shape[0]
    return pl.pallas_call(
        _mm1_body,
        grid=(n // bn,),
        in_specs=[pl.BlockSpec((bn, D), lambda i: (i, 0)),
                  pl.BlockSpec((D, NC * R * HALF), lambda i: (0, 0))],
        out_specs=pl.BlockSpec((bn, NC * R * HALF), lambda i: (i, 0)),
        out_shape=jax.ShapeDtypeStruct((n, NC * R * HALF), jnp.float32),
    )(x, wt)


def _mm2(agg, wt, n, bn=1000):
    return pl.pallas_call(
        _mm2_body,
        grid=(n // bn,),
        in_specs=[pl.BlockSpec((bn, D), lambda i: (i, 0)),
                  pl.BlockSpec((D, NC * R * HALF), lambda i: (0, 0))],
        out_specs=pl.BlockSpec((bn, NC * R * HALF), lambda i: (i, 0)),
        out_shape=jax.ShapeDtypeStruct((n, NC * R * HALF), jnp.float32),
    )(agg, wt)


def _sc_aggregate(table, cidxall, dstp, binit, tp, ch, n):
    mesh = plsc.VectorSubcoreMesh(core_axis_name="c", subcore_axis_name="s")
    rounds = ch // NB
    ep = NS * tp
    last_rows = n - (NS - 1) * RT

    @functools.partial(
        pl.kernel, mesh=mesh,
        out_type=jax.ShapeDtypeStruct((n, NC * HALF), jnp.float32),
        scratch_types=[
            pltpu.VMEM_SHARED((NP, HALF), jnp.float32),
            pltpu.VMEM((NI, K), jnp.int32),
            pltpu.VMEM((NI, K), jnp.int32),
            pltpu.VMEM((NB, K, HALF), jnp.float32),
            pltpu.SemaphoreType.DMA((NI,)),
            pltpu.SemaphoreType.DMA((NB,)),
            pltpu.SemaphoreType.DMA((NB,)),
        ],
    )
    def k(table_h, cidx_h, dst_h, binit_h, out_h,
          acc, cidx_v, didx_v, rows_v, isem, gsem, ssem):
        c = lax.axis_index("c")
        s = lax.axis_index("s")
        r0 = s * RT
        e0 = s * tp
        pltpu.sync_copy(binit_h.at[pl.ds(c * RT, RT)], acc.at[pl.ds(r0, RT)])
        plsc.subcore_barrier()

        def fire_idx(j, i):
            pltpu.async_copy(cidx_h.at[pl.ds(c * ep + e0 + j * K, K)],
                             cidx_v.at[i], isem.at[i])
            pltpu.async_copy(dst_h.at[pl.ds(e0 + j * K, K)],
                             didx_v.at[i], isem.at[i])

        def wait_idx(i):
            pltpu.make_async_copy(cidx_h.at[pl.ds(e0, K)], cidx_v.at[i],
                                  isem.at[i]).wait()
            pltpu.make_async_copy(dst_h.at[pl.ds(e0, K)], didx_v.at[i],
                                  isem.at[i]).wait()

        def fire_gather(i, b):
            pltpu.async_copy(table_h.at[cidx_v.at[i]], rows_v.at[b], gsem.at[b])

        def wait_gather(b):
            pltpu.make_async_copy(table_h.at[cidx_v.at[0]], rows_v.at[b],
                                  gsem.at[b]).wait()

        def fire_scatter(i, b):
            pltpu.async_copy(rows_v.at[b], acc.at[didx_v.at[i]], ssem.at[b],
                             add=True)

        def wait_scatter(i, b):
            pltpu.make_async_copy(rows_v.at[b], acc.at[didx_v.at[i]],
                                  ssem.at[b]).wait()

        for j in range(2 * NB):
            fire_idx(j, j)
        for b in range(NB):
            wait_idx(b)
            fire_gather(b, b)

        def round_body(jj, carry):
            par = ((jj - 1) % 2) * NB
            cur = (jj % 2) * NB
            for b in range(NB):
                wait_gather(b)
                fire_scatter(par + b, b)
            for b in range(NB):
                wait_scatter(par + b, b)
                wait_idx(cur + b)
                fire_gather(cur + b, b)
            for b in range(NB):
                fire_idx(jnp.minimum((jj + 1) * NB + b, ch - 1), par + b)
            return carry

        lax.fori_loop(1, rounds, round_body, 0)
        parf = ((rounds - 1) % 2) * NB
        for b in range(NB):
            wait_gather(b)
            fire_scatter(parf + b, b)
        for b in range(NB):
            wait_scatter(parf + b, b)
        for b in range(NB):
            wait_idx((rounds % 2) * NB + b)
        plsc.subcore_barrier()

        @pl.when(s < NS - 1)
        def _():
            pltpu.sync_copy(acc.at[pl.ds(r0, RT)],
                            out_h.at[pl.ds(r0, RT),
                                     pl.ds(pl.multiple_of(c * HALF, HALF), HALF)])

        @pl.when(s == NS - 1)
        def _():
            pltpu.sync_copy(acc.at[pl.ds(r0, last_rows)],
                            out_h.at[pl.ds(r0, last_rows),
                                     pl.ds(pl.multiple_of(c * HALF, HALF), HALF)])

    return k(table, cidxall, dstp, binit)


def kernel(x, edge_index, edge_type, W1, b1, W2, b2):
    n = x.shape[0]
    e = edge_index.shape[1]
    src = edge_index[0]
    dst = edge_index[1]

    ch = -(-e // (NS * K))
    ch = -(-ch // NB) * NB
    tp = ch * K
    padn = NS * tp - e
    srcp = jnp.concatenate([src, jnp.zeros((padn,), jnp.int32)])
    dstp = jnp.concatenate([dst, jnp.full((padn,), n, jnp.int32)])
    relp = jnp.concatenate([edge_type, jnp.zeros((padn,), jnp.int32)])
    base_idx = srcp * (R * NC) + relp * NC
    cidxall = jnp.concatenate([base_idx, base_idx + 1])

    w1t = jnp.transpose(W1, (2, 0, 1)).reshape(D, R * D)
    w2t = jnp.transpose(W2, (2, 0, 1)).reshape(D, R * D)
    binit1 = jnp.broadcast_to(b1.reshape(NC, 1, HALF), (NC, RT, HALF)).reshape(NC * RT, HALF)
    binit2 = jnp.broadcast_to(b2.reshape(NC, 1, HALF), (NC, RT, HALF)).reshape(NC * RT, HALF)

    t1 = _mm1(x, w1t).reshape(n * R * NC, HALF)
    agg1 = _sc_aggregate(t1, cidxall, dstp, binit1, tp, ch, n)
    t2 = _mm2(agg1, w2t, n).reshape(n * R * NC, HALF)
    agg2 = _sc_aggregate(t2, cidxall, dstp, binit2, tp, ch, n)
    return agg2

# --- scband reference (transcript-rebuilt; emitter-appended) ---
"""Pipeline reference for scband-gnn-48395691491755 (READ-ONLY COPY).

The authoritative reference and input builder live on the scoring server;
editing this copy changes nothing except your own understanding.
"""

import jax, jax.numpy as jnp
import numpy as np

N_NODES = 10000
N_EDGES = 160000
D_FEAT = 256
D_HID = 256
N_REL = 4


def setup_inputs(seed: int = 0) -> dict:
    key = jax.random.key(seed)
    ks = jax.random.split(key, 8)
    x = jax.random.normal(ks[0], (N_NODES, D_FEAT), dtype=jnp.float32)
    edge_index = jax.random.randint(ks[1], (2, N_EDGES), 0, N_NODES, dtype=jnp.int32)
    edge_type = jax.random.randint(ks[2], (N_EDGES,), 0, N_REL, dtype=jnp.int32)
    scale1 = 1.0 / np.sqrt(D_FEAT)
    scale2 = 1.0 / np.sqrt(D_HID)
    W1 = jax.random.normal(ks[3], (N_REL, D_HID, D_FEAT), dtype=jnp.float32) * scale1
    b1 = jnp.zeros((D_HID,), dtype=jnp.float32)
    W2 = jax.random.normal(ks[4], (N_REL, D_HID, D_HID), dtype=jnp.float32) * scale2
    b2 = jnp.zeros((D_HID,), dtype=jnp.float32)
    return {"x": x, "edge_index": edge_index, "edge_type": edge_type,
            "W1": W1, "b1": b1, "W2": W2, "b2": b2}


def _relational_layer(h, edge_index, edge_type, W, b):
    # Relation-specific linear transform of all node features: [R, N, D_out]
    transformed = jnp.einsum('rij,nj->rni', W, h)
    src = edge_index[0]
    dst = edge_index[1]
    # Gather per-edge messages: message(feat_i) = W_{rel(e)} @ x[src(e)]
    msgs = transformed[edge_type, src]  # [E, D_out]
    # aggr='add': scatter-add messages into destination nodes
    agg = jnp.zeros((h.shape[0], W.shape[1]), dtype=h.dtype).at[dst].add(msgs)
    return agg + b


def reference(x, edge_index, edge_type, W1, b1, W2, b2):
    h = jax.nn.relu(_relational_layer(x, edge_index, edge_type, W1, b1))
    out = _relational_layer(h, edge_index, edge_type, W2, b2)
    return out

if __name__ == "__main__":
    import jax
    _d = setup_inputs()
    print(jax.jit(kernel)(*tuple(_d.values())))

</pallas_src>

<mosaic_0001>
#map = affine_map<(d0, d1) -> (0, 0)>
#map1 = affine_map<(d0, d1) -> (0)>
module attributes {stable_mosaic.version = 14 : i64} {
  func.func @k(%arg0: i32, %arg1: i32, %arg2: memref<80000x128xf32, #tpu.memory_space<hbm>>, %arg3: memref<327680xi32, #tpu.memory_space<hbm>>, %arg4: memref<163840xi32, #tpu.memory_space<hbm>>, %arg5: memref<1264x128xf32, #tpu.memory_space<hbm>>, %arg6: memref<10000x256xf32, #tpu.memory_space<hbm>>, %arg7: memref<10112x128xf32, #tpu.memory_space<vmem_shared>>, %arg8: memref<4x128xi32, #tpu.memory_space<vmem>>, %arg9: memref<4x128xi32, #tpu.memory_space<vmem>>, %arg10: memref<2x128x128xf32, #tpu.memory_space<vmem>>, %arg11: memref<4x!tpu.dma_semaphore, #tpu.memory_space<semaphore_mem>>, %arg12: memref<2x!tpu.dma_semaphore, #tpu.memory_space<semaphore_mem>>, %arg13: memref<2x!tpu.dma_semaphore, #tpu.memory_space<semaphore_mem>>) attributes {dimension_semantics = [#tpu.dimension_semantics<core_parallel>, #tpu.dimension_semantics<subcore_parallel>], iteration_bounds = array<i64: 2, 16>, scalar_prefetch = 0 : i64, scratch_operands = 7 : i64, tpu.core_type = #tpu.core_type<sc_vector_subcore>, window_params = [{transform_indices = #map}, {transform_indices = #map1}, {transform_indices = #map1}, {transform_indices = #map}, {transform_indices = #map}]} {
    %mul3A = arith.constant 632 : i32
    %mul3A_0 = arith.muli %arg1, %mul3A : i32
    %mul3A_1 = arith.constant 10240 : i32
    %mul3A_2 = arith.muli %arg1, %mul3A_1 : i32
    %mul3A_3 = arith.constant 632 : i32
    %mul3A_4 = arith.muli %arg0, %mul3A_3 : i32
    "tpu.region"() ({
      %run_scoped3A = tpu.sem_alloc : memref<!tpu.dma_semaphore, #tpu.memory_space<semaphore_mem>>
      %dma_start3A_354 = arith.constant 0 : i32
      %dma_start3A_355 = tpu.memref_slice %arg7[%mul3A_0, %dma_start3A_354] : memref<10112x128xf32, #tpu.memory_space<vmem_shared>> -> memref<632x128xf32, #tpu.memory_space<vmem_shared>>
      %dma_start3A_356 = arith.constant 0 : i32
      %dma_start3A_357 = tpu.memref_slice %arg5[%mul3A_4, %dma_start3A_356] : memref<1264x128xf32, #tpu.memory_space<hbm>> -> memref<632x128xf32, #tpu.memory_space<hbm>>
      tpu.enqueue_dma source(%dma_start3A_357 : memref<632x128xf32, #tpu.memory_space<hbm>>) target(%dma_start3A_355 : memref<632x128xf32, #tpu.memory_space<vmem_shared>>) target_semaphore(%run_scoped3A : memref<!tpu.dma_semaphore, #tpu.memory_space<semaphore_mem>>)
      %dma_wait3A_358 = arith.constant 0 : i32
      %dma_wait3A_359 = tpu.memref_slice %arg7[%mul3A_0, %dma_wait3A_358] : memref<10112x128xf32, #tpu.memory_space<vmem_shared>> -> memref<632x128xf32, #tpu.memory_space<vmem_shared>>
      %dma_wait3A_360 = arith.constant 0 : i32
      %dma_wait3A_361 = tpu.memref_slice %arg5[%mul3A_4, %dma_wait3A_360] : memref<1264x128xf32, #tpu.memory_space<hbm>> -> memref<632x128xf32, #tpu.memory_space<hbm>>
      tpu.wait_dma2 semaphore(%run_scoped3A : memref<!tpu.dma_semaphore, #tpu.memory_space<semaphore_mem>>) src(%dma_wait3A_361 : memref<632x128xf32, #tpu.memory_space<hbm>>) dst(%dma_wait3A_359 : memref<632x128xf32, #tpu.memory_space<vmem_shared>>)
      tpu.yield
    }) : () -> ()
    %barrier3A = arith.constant 0 : index
    tpu.barrier barrier_id(%barrier3A)
    %mul3A_5 = arith.constant 163840 : i32
    %mul3A_6 = arith.muli %arg0, %mul3A_5 : i32
    %add3A = arith.addi %mul3A_6, %mul3A_2 : i32
    %add3A_7 = arith.constant 0 : i32
    %add3A_8 = arith.addi %add3A, %add3A_7 : i32
    %dma_start3A = arith.constant 0 : i32
    %dma_start3A_9 = arith.constant 0 : i32
    %dma_start3A_10 = arith.constant 0 : i32
    %dma_start3A_11 = tpu.memref_slice %arg8[%dma_start3A, %dma_start3A_10] : memref<4x128xi32, #tpu.memory_space<vmem>> -> memref<1x128xi32, #tpu.memory_space<vmem>>
    %dma_start3A_12 = tpu.memref_squeeze %dma_start3A_11 : memref<1x128xi32, #tpu.memory_space<vmem>> -> memref<128xi32, #tpu.memory_space<vmem>>
    %dma_start3A_13 = tpu.memref_slice %arg3[%add3A_8] : memref<327680xi32, #tpu.memory_space<hbm>> -> memref<128xi32, #tpu.memory_space<hbm>>
    %dma_start3A_14 = tpu.memref_slice %arg11[%dma_start3A_9] : memref<4x!tpu.dma_semaphore, #tpu.memory_space<semaphore_mem>> -> memref<1x!tpu.dma_semaphore, #tpu.memory_space<semaphore_mem>>
    %dma_start3A_15 = tpu.memref_squeeze %dma_start3A_14 : memref<1x!tpu.dma_semaphore, #tpu.memory_space<semaphore_mem>> -> memref<!tpu.dma_semaphore, #tpu.memory_space<semaphore_mem>>
    %dma_start3A_16 = arith.constant 0 : i32
    %dma_start3A_17 = tpu.memref_slice %arg8[%dma_start3A, %dma_start3A_16] : memref<4x128xi32, #tpu.memory_space<vmem>> -> memref<1x128xi32, #tpu.memory_space<vmem>>
    %dma_start3A_18 = tpu.memref_squeeze %dma_start3A_17 : memref<1x128xi32, #tpu.memory_space<vmem>> -> memref<128xi32, #tpu.memory_space<vmem>>
    %dma_start3A_19 = tpu.memref_slice %arg3[%add3A_8] : memref<327680xi32, #tpu.memory_space<hbm>> -> memref<128xi32, #tpu.memory_space<hbm>>
    tpu.enqueue_dma source(%dma_start3A_19 : memref<128xi32, #tpu.memory_space<hbm>>) target(%dma_start3A_18 : memref<128xi32, #tpu.memory_space<vmem>>) target_semaphore(%dma_start3A_15 : memref<!tpu.dma_semaphore, #tpu.memory_space<semaphore_mem>>)
    %add3A_20 = arith.constant 0 : i32
    %add3A_21 = arith.addi %mul3A_2, %add3A_20 : i32
    %dma_start3A_22 = arith.constant 0 : i32
    %dma_start3A_23 = arith.constant 0 : i32
    %dma_start3A_24 = arith.constant 0 : i32
    %dma_start3A_25 = tpu.memref_slice %arg9[%dma_start3A_22, %dma_start3A_24] : memref<4x128xi32, #tpu.memory_space<vmem>> -> memref<1x128xi32, #tpu.memory_space<vmem>>
    %dma_start3A_26 = tpu.memref_squeeze %dma_start3A_25 : memref<1x128xi32, #tpu.memory_space<vmem>> -> memref<128xi32, #tpu.memory_space<vmem>>
    %dma_start3A_27 = tpu.memref_slice %arg4[%add3A_21] : memref<163840xi32, #tpu.memory_space<hbm>> -> memref<128xi32, #tpu.memory_space<hbm>>
    %dma_start3A_28 = tpu.memref_slice %arg11[%dma_start3A_23] : memref<4x!tpu.dma_semaphore, #tpu.memory_space<semaphore_mem>> -> memref<1x!tpu.dma_semaphore, #tpu.memory_space<semaphore_mem>>
    %dma_start3A_29 = tpu.memref_squeeze %dma_start3A_28 : memref<1x!tpu.dma_semaphore, #tpu.memory_space<semaphore_mem>> -> memref<!tpu.dma_semaphore, #tpu.memory_space<semaphore_mem>>
    %dma_start3A_30 = arith.constant 0 : i32
    %dma_start3A_31 = tpu.memref_slice %arg9[%dma_start3A_22, %dma_start3A_30] : memref<4x128xi32, #tpu.memory_space<vmem>> -> memref<1x128xi32, #tpu.memory_space<vmem>>
    %dma_start3A_32 = tpu.memref_squeeze %dma_start3A_31 : memref<1x128xi32, #tpu.memory_space<vmem>> -> memref<128xi32, #tpu.memory_space<vmem>>
    %dma_start3A_33 = tpu.memref_slice %arg4[%add3A_21] : memref<163840xi32, #tpu.memory_space<hbm>> -> memref<128xi32, #tpu.memory_space<hbm>>
    tpu.enqueue_dma source(%dma_start3A_33 : memref<128xi32, #tpu.memory_space<hbm>>) target(%dma_start3A_32 : memref<128xi32, #tpu.memory_space<vmem>>) target_semaphore(%dma_start3A_29 : memref<!tpu.dma_semaphore, #tpu.memory_space<semaphore_mem>>)
    %mul3A_34 = arith.constant 163840 : i32
    %mul3A_35 = arith.muli %arg0, %mul3A_34 : i32
    %add3A_36 = arith.addi %mul3A_35, %mul3A_2 : i32
    %add3A_37 = arith.constant 128 : i32
    %add3A_38 = arith.addi %add3A_36, %add3A_37 : i32
    %dma_start3A_39 = arith.constant 1 : i32
    %dma_start3A_40 = arith.constant 1 : i32
    %dma_start3A_41 = arith.constant 0 : i32
    %dma_start3A_42 = tpu.memref_slice %arg8[%dma_start3A_39, %dma_start3A_41] : memref<4x128xi32, #tpu.memory_space<vmem>> -> memref<1x128xi32, #tpu.memory_space<vmem>>
    %dma_start3A_43 = tpu.memref_squeeze %dma_start3A_42 : memref<1x128xi32, #tpu.memory_space<vmem>> -> memref<128xi32, #tpu.memory_space<vmem>>
    %dma_start3A_44 = tpu.memref_slice %arg3[%add3A_38] : memref<327680xi32, #tpu.memory_space<hbm>> -> memref<128xi32, #tpu.memory_space<hbm>>
    %dma_start3A_45 = tpu.memref_slice %arg11[%dma_start3A_40] : memref<4x!tpu.dma_semaphore, #tpu.memory_space<semaphore_mem>> -> memref<1x!tpu.dma_semaphore, #tpu.memory_space<semaphore_mem>>
    %dma_start3A_46 = tpu.memref_squeeze %dma_start3A_45 : memref<1x!tpu.dma_semaphore, #tpu.memory_space<semaphore_mem>> -> memref<!tpu.dma_semaphore, #tpu.memory_space<semaphore_mem>>
    %dma_start3A_47 = arith.constant 0 : i32
    %dma_start3A_48 = tpu.memref_slice %arg8[%dma_start3A_39, %dma_start3A_47] : memref<4x128xi32, #tpu.memory_space<vmem>> -> memref<1x128xi32, #tpu.memory_space<vmem>>
    %dma_start3A_49 = tpu.memref_squeeze %dma_start3A_48 : memref<1x128xi32, #tpu.memory_space<vmem>> -> memref<128xi32, #tpu.memory_space<vmem>>
    %dma_start3A_50 = tpu.memref_slice %arg3[%add3A_38] : memref<327680xi32, #tpu.memory_space<hbm>> -> memref<128xi32, #tpu.memory_space<hbm>>
    tpu.enqueue_dma source(%dma_start3A_50 : memref<128xi32, #tpu.memory_space<hbm>>) target(%dma_start3A_49 : memref<128xi32, #tpu.memory_space<vmem>>) target_semaphore(%dma_start3A_46 : memref<!tpu.dma_semaphore, #tpu.memory_space<semaphore_mem>>)
    %add3A_51 = arith.constant 128 : i32
    %add3A_52 = arith.addi %mul3A_2, %add3A_51 : i32
    %dma_start3A_53 = arith.constant 1 : i32
    %dma_start3A_54 = arith.constant 1 : i32
    %dma_start3A_55 = arith.constant 0 : i32
    %dma_start3A_56 = tpu.memref_slice %arg9[%dma_start3A_53, %dma_start3A_55] : memref<4x128xi32, #tpu.memory_space<vmem>> -> memref<1x128xi32, #tpu.memory_space<vmem>>
    %dma_start3A_57 = tpu.memref_squeeze %dma_start3A_56 : memref<1x128xi32, #tpu.memory_space<vmem>> -> memref<128xi32, #tpu.memory_space<vmem>>
    %dma_start3A_58 = tpu.memref_slice %arg4[%add3A_52] : memref<163840xi32, #tpu.memory_space<hbm>> -> memref<128xi32, #tpu.memory_space<hbm>>
    %dma_start3A_59 = tpu.memref_slice %arg11[%dma_start3A_54] : memref<4x!tpu.dma_semaphore, #tpu.memory_space<semaphore_mem>> -> memref<1x!tpu.dma_semaphore, #tpu.memory_space<semaphore_mem>>
    %dma_start3A_60 = tpu.memref_squeeze %dma_start3A_59 : memref<1x!tpu.dma_semaphore, #tpu.memory_space<semaphore_mem>> -> memref<!tpu.dma_semaphore, #tpu.memory_space<semaphore_mem>>
    %dma_start3A_61 = arith.constant 0 : i32
    %dma_start3A_62 = tpu.memref_slice %arg9[%dma_start3A_53, %dma_start3A_61] : memref<4x128xi32, #tpu.memory_space<vmem>> -> memref<1x128xi32, #tpu.memory_space<vmem>>
    %dma_start3A_63 = tpu.memref_squeeze %dma_start3A_62 : memref<1x128xi32, #tpu.memory_space<vmem>> -> memref<128xi32, #tpu.memory_space<vmem>>
    %dma_start3A_64 = tpu.memref_slice %arg4[%add3A_52] : memref<163840xi32, #tpu.memory_space<hbm>> -> memref<128xi32, #tpu.memory_space<hbm>>
    tpu.enqueue_dma source(%dma_start3A_64 : memref<128xi32, #tpu.memory_space<hbm>>) target(%dma_start3A_63 : memref<128xi32, #tpu.memory_space<vmem>>) target_semaphore(%dma_start3A_60 : memref<!tpu.dma_semaphore, #tpu.memory_space<semaphore_mem>>)
    %mul3A_65 = arith.constant 163840 : i32
    %mul3A_66 = arith.muli %arg0, %mul3A_65 : i32
    %add3A_67 = arith.addi %mul3A_66, %mul3A_2 : i32
    %add3A_68 = arith.constant 256 : i32
    %add3A_69 = arith.addi %add3A_67, %add3A_68 : i32
    %dma_start3A_70 = arith.constant 2 : i32
    %dma_start3A_71 = arith.constant 2 : i32
    %dma_start3A_72 = arith.constant 0 : i32
    %dma_start3A_73 = tpu.memref_slice %arg8[%dma_start3A_70, %dma_start3A_72] : memref<4x128xi32, #tpu.memory_space<vmem>> -> memref<1x128xi32, #tpu.memory_space<vmem>>
    %dma_start3A_74 = tpu.memref_squeeze %dma_start3A_73 : memref<1x128xi32, #tpu.memory_space<vmem>> -> memref<128xi32, #tpu.memory_space<vmem>>
    %dma_start3A_75 = tpu.memref_slice %arg3[%add3A_69] : memref<327680xi32, #tpu.memory_space<hbm>> -> memref<128xi32, #tpu.memory_space<hbm>>
    %dma_start3A_76 = tpu.memref_slice %arg11[%dma_start3A_71] : memref<4x!tpu.dma_semaphore, #tpu.memory_space<semaphore_mem>> -> memref<1x!tpu.dma_semaphore, #tpu.memory_space<semaphore_mem>>
    %dma_start3A_77 = tpu.memref_squeeze %dma_start3A_76 : memref<1x!tpu.dma_semaphore, #tpu.memory_space<semaphore_mem>> -> memref<!tpu.dma_semaphore, #tpu.memory_space<semaphore_mem>>
    %dma_start3A_78 = arith.constant 0 : i32
    %dma_start3A_79 = tpu.memref_slice %arg8[%dma_start3A_70, %dma_start3A_78] : memref<4x128xi32, #tpu.memory_space<vmem>> -> memref<1x128xi32, #tpu.memory_space<vmem>>
    %dma_start3A_80 = tpu.memref_squeeze %dma_start3A_79 : memref<1x128xi32, #tpu.memory_space<vmem>> -> memref<128xi32, #tpu.memory_space<vmem>>
    %dma_start3A_81 = tpu.memref_slice %arg3[%add3A_69] : memref<327680xi32, #tpu.memory_space<hbm>> -> memref<128xi32, #tpu.memory_space<hbm>>
    tpu.enqueue_dma source(%dma_start3A_81 : memref<128xi32, #tpu.memory_space<hbm>>) target(%dma_start3A_80 : memref<128xi32, #tpu.memory_space<vmem>>) target_semaphore(%dma_start3A_77 : memref<!tpu.dma_semaphore, #tpu.memory_space<semaphore_mem>>)
    %add3A_82 = arith.constant 256 : i32
    %add3A_83 = arith.addi %mul3A_2, %add3A_82 : i32
    %dma_start3A_84 = arith.constant 2 : i32
    %dma_start3A_85 = arith.constant 2 : i32
    %dma_start3A_86 = arith.constant 0 : i32
    %dma_start3A_87 = tpu.memref_slice %arg9[%dma_start3A_84, %dma_start3A_86] : memref<4x128xi32, #tpu.memory_space<vmem>> -> memref<1x128xi32, #tpu.memory_space<vmem>>
    %dma_start3A_88 = tpu.memref_squeeze %dma_start3A_87 : memref<1x128xi32, #tpu.memory_space<vmem>> -> memref<128xi32, #tpu.memory_space<vmem>>
    %dma_start3A_89 = tpu.memref_slice %arg4[%add3A_83] : memref<163840xi32, #tpu.memory_space<hbm>> -> memref<128xi32, #tpu.memory_space<hbm>>
    %dma_start3A_90 = tpu.memref_slice %arg11[%dma_start3A_85] : memref<4x!tpu.dma_semaphore, #tpu.memory_space<semaphore_mem>> -> memref<1x!tpu.dma_semaphore, #tpu.memory_space<semaphore_mem>>
    %dma_start3A_91 = tpu.memref_squeeze %dma_start3A_90 : memref<1x!tpu.dma_semaphore, #tpu.memory_space<semaphore_mem>> -> memref<!tpu.dma_semaphore, #tpu.memory_space<semaphore_mem>>
    %dma_start3A_92 = arith.constant 0 : i32
    %dma_start3A_93 = tpu.memref_slice %arg9[%dma_start3A_84, %dma_start3A_92] : memref<4x128xi32, #tpu.memory_space<vmem>> -> memref<1x128xi32, #tpu.memory_space<vmem>>
    %dma_start3A_94 = tpu.memref_squeeze %dma_start3A_93 : memref<1x128xi32, #tpu.memory_space<vmem>> -> memref<128xi32, #tpu.memory_space<vmem>>
    %dma_start3A_95 = tpu.memref_slice %arg4[%add3A_83] : memref<163840xi32, #tpu.memory_space<hbm>> -> memref<128xi32, #tpu.memory_space<hbm>>
    tpu.enqueue_dma source(%dma_start3A_95 : memref<128xi32, #tpu.memory_space<hbm>>) target(%dma_start3A_94 : memref<128xi32, #tpu.memory_space<vmem>>) target_semaphore(%dma_start3A_91 : memref<!tpu.dma_semaphore, #tpu.memory_space<semaphore_mem>>)
    %mul3A_96 = arith.constant 163840 : i32
    %mul3A_97 = arith.muli %arg0, %mul3A_96 : i32
    %add3A_98 = arith.addi %mul3A_97, %mul3A_2 : i32
    %add3A_99 = arith.constant 384 : i32
    %add3A_100 = arith.addi %add3A_98, %add3A_99 : i32
    %dma_start3A_101 = arith.constant 3 : i32
    %dma_start3A_102 = arith.constant 3 : i32
    %dma_start3A_103 = arith.constant 0 : i32
    %dma_start3A_104 = tpu.memref_slice %arg8[%dma_start3A_101, %dma_start3A_103] : memref<4x128xi32, #tpu.memory_space<vmem>> -> memref<1x128xi32, #tpu.memory_space<vmem>>
    %dma_start3A_105 = tpu.memref_squeeze %dma_start3A_104 : memref<1x128xi32, #tpu.memory_space<vmem>> -> memref<128xi32, #tpu.memory_space<vmem>>
    %dma_start3A_106 = tpu.memref_slice %arg3[%add3A_100] : memref<327680xi32, #tpu.memory_space<hbm>> -> memref<128xi32, #tpu.memory_space<hbm>>
    %dma_start3A_107 = tpu.memref_slice %arg11[%dma_start3A_102] : memref<4x!tpu.dma_semaphore, #tpu.memory_space<semaphore_mem>> -> memref<1x!tpu.dma_semaphore, #tpu.memory_space<semaphore_mem>>
    %dma_start3A_108 = tpu.memref_squeeze %dma_start3A_107 : memref<1x!tpu.dma_semaphore, #tpu.memory_space<semaphore_mem>> -> memref<!tpu.dma_semaphore, #tpu.memory_space<semaphore_mem>>
    %dma_start3A_109 = arith.constant 0 : i32
    %dma_start3A_110 = tpu.memref_slice %arg8[%dma_start3A_101, %dma_start3A_109] : memref<4x128xi32, #tpu.memory_space<vmem>> -> memref<1x128xi32, #tpu.memory_space<vmem>>
    %dma_start3A_111 = tpu.memref_squeeze %dma_start3A_110 : memref<1x128xi32, #tpu.memory_space<vmem>> -> memref<128xi32, #tpu.memory_space<vmem>>
    %dma_start3A_112 = tpu.memref_slice %arg3[%add3A_100] : memref<327680xi32, #tpu.memory_space<hbm>> -> memref<128xi32, #tpu.memory_space<hbm>>
    tpu.enqueue_dma source(%dma_start3A_112 : memref<128xi32, #tpu.memory_space<hbm>>) target(%dma_start3A_111 : memref<128xi32, #tpu.memory_space<vmem>>) target_semaphore(%dma_start3A_108 : memref<!tpu.dma_semaphore, #tpu.memory_space<semaphore_mem>>)
    %add3A_113 = arith.constant 384 : i32
    %add3A_114 = arith.addi %mul3A_2, %add3A_113 : i32
    %dma_start3A_115 = arith.constant 3 : i32
    %dma_start3A_116 = arith.constant 3 : i32
    %dma_start3A_117 = arith.constant 0 : i32
    %dma_start3A_118 = tpu.memref_slice %arg9[%dma_start3A_115, %dma_start3A_117] : memref<4x128xi32, #tpu.memory_space<vmem>> -> memref<1x128xi32, #tpu.memory_space<vmem>>
    %dma_start3A_119 = tpu.memref_squeeze %dma_start3A_118 : memref<1x128xi32, #tpu.memory_space<vmem>> -> memref<128xi32, #tpu.memory_space<vmem>>
    %dma_start3A_120 = tpu.memref_slice %arg4[%add3A_114] : memref<163840xi32, #tpu.memory_space<hbm>> -> memref<128xi32, #tpu.memory_space<hbm>>
    %dma_start3A_121 = tpu.memref_slice %arg11[%dma_start3A_116] : memref<4x!tpu.dma_semaphore, #tpu.memory_space<semaphore_mem>> -> memref<1x!tpu.dma_semaphore, #tpu.memory_space<semaphore_mem>>
    %dma_start3A_122 = tpu.memref_squeeze %dma_start3A_121 : memref<1x!tpu.dma_semaphore, #tpu.memory_space<semaphore_mem>> -> memref<!tpu.dma_semaphore, #tpu.memory_space<semaphore_mem>>
    %dma_start3A_123 = arith.constant 0 : i32
    %dma_start3A_124 = tpu.memref_slice %arg9[%dma_start3A_115, %dma_start3A_123] : memref<4x128xi32, #tpu.memory_space<vmem>> -> memref<1x128xi32, #tpu.memory_space<vmem>>
    %dma_start3A_125 = tpu.memref_squeeze %dma_start3A_124 : memref<1x128xi32, #tpu.memory_space<vmem>> -> memref<128xi32, #tpu.memory_space<vmem>>
    %dma_start3A_126 = tpu.memref_slice %arg4[%add3A_114] : memref<163840xi32, #tpu.memory_space<hbm>> -> memref<128xi32, #tpu.memory_space<hbm>>
    tpu.enqueue_dma source(%dma_start3A_126 : memref<128xi32, #tpu.memory_space<hbm>>) target(%dma_start3A_125 : memref<128xi32, #tpu.memory_space<vmem>>) target_semaphore(%dma_start3A_122 : memref<!tpu.dma_semaphore, #tpu.memory_space<semaphore_mem>>)
    %dma_wait3A = arith.constant 0 : i32
    %dma_wait3A_127 = arith.constant 0 : i32
    %dma_wait3A_128 = arith.constant 0 : i32
    %dma_wait3A_129 = tpu.memref_slice %arg8[%dma_wait3A, %dma_wait3A_128] : memref<4x128xi32, #tpu.memory_space<vmem>> -> memref<1x128xi32, #tpu.memory_space<vmem>>
    %dma_wait3A_130 = tpu.memref_squeeze %dma_wait3A_129 : memref<1x128xi32, #tpu.memory_space<vmem>> -> memref<128xi32, #tpu.memory_space<vmem>>
    %dma_wait3A_131 = tpu.memref_slice %arg3[%mul3A_2] : memref<327680xi32, #tpu.memory_space<hbm>> -> memref<128xi32, #tpu.memory_space<hbm>>
    %dma_wait3A_132 = tpu.memref_slice %arg11[%dma_wait3A_127] : memref<4x!tpu.dma_semaphore, #tpu.memory_space<semaphore_mem>> -> memref<1x!tpu.dma_semaphore, #tpu.memory_space<semaphore_mem>>
    %dma_wait3A_133 = tpu.memref_squeeze %dma_wait3A_132 : memref<1x!tpu.dma_semaphore, #tpu.memory_space<semaphore_mem>> -> memref<!tpu.dma_semaphore, #tpu.memory_space<semaphore_mem>>
    %dma_wait3A_134 = arith.constant 0 : i32
    %dma_wait3A_135 = tpu.memref_slice %arg8[%dma_wait3A, %dma_wait3A_134] : memref<4x128xi32, #tpu.memory_space<vmem>> -> memref<1x128xi32, #tpu.memory_space<vmem>>
    %dma_wait3A_136 = tpu.memref_squeeze %dma_wait3A_135 : memref<1x128xi32, #tpu.memory_space<vmem>> -> memref<128xi32, #tpu.memory_space<vmem>>
    %dma_wait3A_137 = tpu.memref_slice %arg3[%mul3A_2] : memref<327680xi32, #tpu.memory_space<hbm>> -> memref<128xi32, #tpu.memory_space<hbm>>
    tpu.wait_dma2 semaphore(%dma_wait3A_133 : memref<!tpu.dma_semaphore, #tpu.memory_space<semaphore_mem>>) src(%dma_wait3A_137 : memref<128xi32, #tpu.memory_space<hbm>>) dst(%dma_wait3A_136 : memref<128xi32, #tpu.memory_space<vmem>>)
    %dma_wait3A_138 = arith.constant 0 : i32
    %dma_wait3A_139 = arith.constant 0 : i32
    %dma_wait3A_140 = arith.constant 0 : i32
    %dma_wait3A_141 = tpu.memref_slice %arg9[%dma_wait3A_138, %dma_wait3A_140] : memref<4x128xi32, #tpu.memory_space<vmem>> -> memref<1x128xi32, #tpu.memory_space<vmem>>
    %dma_wait3A_142 = tpu.memref_squeeze %dma_wait3A_141 : memref<1x128xi32, #tpu.memory_space<vmem>> -> memref<128xi32, #tpu.memory_space<vmem>>
    %dma_wait3A_143 = tpu.memref_slice %arg4[%mul3A_2] : memref<163840xi32, #tpu.memory_space<hbm>> -> memref<128xi32, #tpu.memory_space<hbm>>
    %dma_wait3A_144 = tpu.memref_slice %arg11[%dma_wait3A_139] : memref<4x!tpu.dma_semaphore, #tpu.memory_space<semaphore_mem>> -> memref<1x!tpu.dma_semaphore, #tpu.memory_space<semaphore_mem>>
    %dma_wait3A_145 = tpu.memref_squeeze %dma_wait3A_144 : memref<1x!tpu.dma_semaphore, #tpu.memory_space<semaphore_mem>> -> memref<!tpu.dma_semaphore, #tpu.memory_space<semaphore_mem>>
    %dma_wait3A_146 = arith.constant 0 : i32
    %dma_wait3A_147 = tpu.memref_slice %arg9[%dma_wait3A_138, %dma_wait3A_146] : memref<4x128xi32, #tpu.memory_space<vmem>> -> memref<1x128xi32, #tpu.memory_space<vmem>>
    %dma_wait3A_148 = tpu.memref_squeeze %dma_wait3A_147 : memref<1x128xi32, #tpu.memory_space<vmem>> -> memref<128xi32, #tpu.memory_space<vmem>>
    %dma_wait3A_149 = tpu.memref_slice %arg4[%mul3A_2] : memref<163840xi32, #tpu.memory_space<hbm>> -> memref<128xi32, #tpu.memory_space<hbm>>
    tpu.wait_dma2 semaphore(%dma_wait3A_145 : memref<!tpu.dma_semaphore, #tpu.memory_space<semaphore_mem>>) src(%dma_wait3A_149 : memref<128xi32, #tpu.memory_space<hbm>>) dst(%dma_wait3A_148 : memref<128xi32, #tpu.memory_space<vmem>>)
    %dma_start3A_150 = arith.constant 0 : i32
    %dma_start3A_151 = arith.constant 0 : i32
    %dma_start3A_152 = arith.constant 0 : i32
    %dma_start3A_153 = arith.constant 0 : i32
    %dma_start3A_154 = arith.constant 0 : i32
    %dma_start3A_155 = tpu.memref_slice %arg10[%dma_start3A_151, %dma_start3A_153, %dma_start3A_154] : memref<2x128x128xf32, #tpu.memory_space<vmem>> -> memref<1x128x128xf32, #tpu.memory_space<vmem>>
    %dma_start3A_156 = tpu.memref_squeeze %dma_start3A_155 : memref<1x128x128xf32, #tpu.memory_space<vmem>> -> memref<128x128xf32, #tpu.memory_space<vmem>>
    %dma_start3A_157 = arith.constant 0 : i32
    %dma_start3A_158 = tpu.memref_slice %arg8[%dma_start3A_150, %dma_start3A_157] : memref<4x128xi32, #tpu.memory_space<vmem>> -> memref<1x128xi32, #tpu.memory_space<vmem>>
    %dma_start3A_159 = tpu.memref_squeeze %dma_start3A_158 : memref<1x128xi32, #tpu.memory_space<vmem>> -> memref<128xi32, #tpu.memory_space<vmem>>
    %dma_start3A_160 = arith.constant 0 : i32
    %dma_start3A_161 = arith.constant 0 : i32
    %dma_start3A_162 = tpu.memref_slice %arg2[%dma_start3A_160, %dma_start3A_161] : memref<80000x128xf32, #tpu.memory_space<hbm>> -> memref<80000x128xf32, #tpu.memory_space<hbm>>
    %dma_start3A_163 = tpu.memref_slice %arg12[%dma_start3A_152] : memref<2x!tpu.dma_semaphore, #tpu.memory_space<semaphore_mem>> -> memref<1x!tpu.dma_semaphore, #tpu.memory_space<semaphore_mem>>
    %dma_start3A_164 = tpu.memref_squeeze %dma_start3A_163 : memref<1x!tpu.dma_semaphore, #tpu.memory_space<semaphore_mem>> -> memref<!tpu.dma_semaphore, #tpu.memory_space<semaphore_mem>>
    tpu.enqueue_indirect_dma source(%dma_start3A_162 : memref<80000x128xf32, #tpu.memory_space<hbm>>) target(%dma_start3A_156 : memref<128x128xf32, #tpu.memory_space<vmem>>) offsets(%dma_start3A_159 : memref<128xi32, #tpu.memory_space<vmem>>) semaphore(%dma_start3A_164 : memref<!tpu.dma_semaphore, #tpu.memory_space<semaphore_mem>>)
    %dma_wait3A_165 = arith.constant 1 : i32
    %dma_wait3A_166 = arith.constant 1 : i32
    %dma_wait3A_167 = arith.constant 0 : i32
    %dma_wait3A_168 = tpu.memref_slice %arg8[%dma_wait3A_165, %dma_wait3A_167] : memref<4x128xi32, #tpu.memory_space<vmem>> -> memref<1x128xi32, #tpu.memory_space<vmem>>
    %dma_wait3A_169 = tpu.memref_squeeze %dma_wait3A_168 : memref<1x128xi32, #tpu.memory_space<vmem>> -> memref<128xi32, #tpu.memory_space<vmem>>
    %dma_wait3A_170 = tpu.memref_slice %arg3[%mul3A_2] : memref<327680xi32, #tpu.memory_space<hbm>> -> memref<128xi32, #tpu.memory_space<hbm>>
    %dma_wait3A_171 = tpu.memref_slice %arg11[%dma_wait3A_166] : memref<4x!tpu.dma_semaphore, #tpu.memory_space<semaphore_mem>> -> memref<1x!tpu.dma_semaphore, #tpu.memory_space<semaphore_mem>>
    %dma_wait3A_172 = tpu.memref_squeeze %dma_wait3A_171 : memref<1x!tpu.dma_semaphore, #tpu.memory_space<semaphore_mem>> -> memref<!tpu.dma_semaphore, #tpu.memory_space<semaphore_mem>>
    %dma_wait3A_173 = arith.constant 0 : i32
    %dma_wait3A_174 = tpu.memref_slice %arg8[%dma_wait3A_165, %dma_wait3A_173] : memref<4x128xi32, #tpu.memory_space<vmem>> -> memref<1x128xi32, #tpu.memory_space<vmem>>
    %dma_wait3A_175 = tpu.memref_squeeze %dma_wait3A_174 : memref<1x128xi32, #tpu.memory_space<vmem>> -> memref<128xi32, #tpu.memory_space<vmem>>
    %dma_wait3A_176 = tpu.memref_slice %arg3[%mul3A_2] : memref<327680xi32, #tpu.memory_space<hbm>> -> memref<128xi32, #tpu.memory_space<hbm>>
    tpu.wait_dma2 semaphore(%dma_wait3A_172 : memref<!tpu.dma_semaphore, #tpu.memory_space<semaphore_mem>>) src(%dma_wait3A_176 : memref<128xi32, #tpu.memory_space<hbm>>) dst(%dma_wait3A_175 : memref<128xi32, #tpu.memory_space<vmem>>)
    %dma_wait3A_177 = arith.constant 1 : i32
    %dma_wait3A_178 = arith.constant 1 : i32
    %dma_wait3A_179 = arith.constant 0 : i32
    %dma_wait3A_180 = tpu.memref_slice %arg9[%dma_wait3A_177, %dma_wait3A_179] : memref<4x128xi32, #tpu.memory_space<vmem>> -> memref<1x128xi32, #tpu.memory_space<vmem>>
    %dma_wait3A_181 = tpu.memref_squeeze %dma_wait3A_180 : memref<1x128xi32, #tpu.memory_space<vmem>> -> memref<128xi32, #tpu.memory_space<vmem>>
    %dma_wait3A_182 = tpu.memref_slice %arg4[%mul3A_2] : memref<163840xi32, #tpu.memory_space<hbm>> -> memref<128xi32, #tpu.memory_space<hbm>>
    %dma_wait3A_183 = tpu.memref_slice %arg11[%dma_wait3A_178] : memref<4x!tpu.dma_semaphore, #tpu.memory_space<semaphore_mem>> -> memref<1x!tpu.dma_semaphore, #tpu.memory_space<semaphore_mem>>
    %dma_wait3A_184 = tpu.memref_squeeze %dma_wait3A_183 : memref<1x!tpu.dma_semaphore, #tpu.memory_space<semaphore_mem>> -> memref<!tpu.dma_semaphore, #tpu.memory_space<semaphore_mem>>
    %dma_wait3A_185 = arith.constant 0 : i32
    %dma_wait3A_186 = tpu.memref_slice %arg9[%dma_wait3A_177, %dma_wait3A_185] : memref<4x128xi32, #tpu.memory_space<vmem>> -> memref<1x128xi32, #tpu.memory_space<vmem>>
    %dma_wait3A_187 = tpu.memref_squeeze %dma_wait3A_186 : memref<1x128xi32, #tpu.memory_space<vmem>> -> memref<128xi32, #tpu.memory_space<vmem>>
    %dma_wait3A_188 = tpu.memref_slice %arg4[%mul3A_2] : memref<163840xi32, #tpu.memory_space<hbm>> -> memref<128xi32, #tpu.memory_space<hbm>>
    tpu.wait_dma2 semaphore(%dma_wait3A_184 : memref<!tpu.dma_semaphore, #tpu.memory_space<semaphore_mem>>) src(%dma_wait3A_188 : memref<128xi32, #tpu.memory_space<hbm>>) dst(%dma_wait3A_187 : memref<128xi32, #tpu.memory_space<vmem>>)
    %dma_start3A_189 = arith.constant 1 : i32
    %dma_start3A_190 = arith.constant 1 : i32
    %dma_start3A_191 = arith.constant 1 : i32
    %dma_start3A_192 = arith.constant 0 : i32
    %dma_start3A_193 = arith.constant 0 : i32
    %dma_start3A_194 = tpu.memref_slice %arg10[%dma_start3A_190, %dma_start3A_192, %dma_start3A_193] : memref<2x128x128xf32, #tpu.memory_space<vmem>> -> memref<1x128x128xf32, #tpu.memory_space<vmem>>
    %dma_start3A_195 = tpu.memref_squeeze %dma_start3A_194 : memref<1x128x128xf32, #tpu.memory_space<vmem>> -> memref<128x128xf32, #tpu.memory_space<vmem>>
    %dma_start3A_196 = arith.constant 0 : i32
    %dma_start3A_197 = tpu.memref_slice %arg8[%dma_start3A_189, %dma_start3A_196] : memref<4x128xi32, #tpu.memory_space<vmem>> -> memref<1x128xi32, #tpu.memory_space<vmem>>
    %dma_start3A_198 = tpu.memref_squeeze %dma_start3A_197 : memref<1x128xi32, #tpu.memory_space<vmem>> -> memref<128xi32, #tpu.memory_space<vmem>>
    %dma_start3A_199 = arith.constant 0 : i32
    %dma_start3A_200 = arith.constant 0 : i32
    %dma_start3A_201 = tpu.memref_slice %arg2[%dma_start3A_199, %dma_start3A_200] : memref<80000x128xf32, #tpu.memory_space<hbm>> -> memref<80000x128xf32, #tpu.memory_space<hbm>>
    %dma_start3A_202 = tpu.memref_slice %arg12[%dma_start3A_191] : memref<2x!tpu.dma_semaphore, #tpu.memory_space<semaphore_mem>> -> memref<1x!tpu.dma_semaphore, #tpu.memory_space<semaphore_mem>>
    %dma_start3A_203 = tpu.memref_squeeze %dma_start3A_202 : memref<1x!tpu.dma_semaphore, #tpu.memory_space<semaphore_mem>> -> memref<!tpu.dma_semaphore, #tpu.memory_space<semaphore_mem>>
    tpu.enqueue_indirect_dma source(%dma_start3A_201 : memref<80000x128xf32, #tpu.memory_space<hbm>>) target(%dma_start3A_195 : memref<128x128xf32, #tpu.memory_space<vmem>>) offsets(%dma_start3A_198 : memref<128xi32, #tpu.memory_space<vmem>>) semaphore(%dma_start3A_203 : memref<!tpu.dma_semaphore, #tpu.memory_space<semaphore_mem>>)
    %scan3A = arith.constant 0 : i32
    %scan3A_204 = arith.constant 1 : i32
    %scan3A_205 = arith.constant 39 : i32
    %scan3A_206 = arith.addi %scan3A_204, %scan3A_205 : i32
    %scan3A_207 = arith.constant 1 : i32
    scf.for %scan3A_354 = %scan3A_204 to %scan3A_206 step %scan3A_207  : i32 {
      %sub3A = arith.constant 1 : i32
      %sub3A_355 = arith.subi %scan3A_354, %sub3A : i32
      %jit3A = arith.constant 2 : i32
      %eq3A_356 = arith.constant 0 : i32
      %eq3A_357 = arith.cmpi eq, %jit3A, %eq3A_356 : i32
      %jit3A_358 = arith.constant 1 : i32
      %select_n3A = arith.select %eq3A_357, %jit3A_358, %jit3A : i32
      %rem3A = arith.remsi %sub3A_355, %select_n3A : i32
      %ne3A = arith.constant 0 : i32
      %ne3A_359 = arith.cmpi ne, %rem3A, %ne3A : i32
      %lt3A_360 = arith.constant 0 : i32
      %lt3A_361 = arith.cmpi slt, %rem3A, %lt3A_360 : i32
      %lt3A_362 = arith.constant 0 : i32
      %lt3A_363 = arith.cmpi slt, %select_n3A, %lt3A_362 : i32
      %ne3A_364 = arith.xori %lt3A_361, %lt3A_363 : i1
      %and3A = arith.andi %ne3A_364, %ne3A_359 : i1
      %add3A_365 = arith.addi %rem3A, %select_n3A : i32
      %select_n3A_366 = arith.select %and3A, %add3A_365, %rem3A : i32
      %mul3A_367 = arith.constant 2 : i32
      %mul3A_368 = arith.muli %select_n3A_366, %mul3A_367 : i32
      %jit3A_369 = arith.constant 2 : i32
      %eq3A_370 = arith.constant 0 : i32
      %eq3A_371 = arith.cmpi eq, %jit3A_369, %eq3A_370 : i32
      %jit3A_372 = arith.constant 1 : i32
      %select_n3A_373 = arith.select %eq3A_371, %jit3A_372, %jit3A_369 : i32
      %rem3A_374 = arith.remsi %scan3A_354, %select_n3A_373 : i32
      %ne3A_375 = arith.constant 0 : i32
      %ne3A_376 = arith.cmpi ne, %rem3A_374, %ne3A_375 : i32
      %lt3A_377 = arith.constant 0 : i32
      %lt3A_378 = arith.cmpi slt, %rem3A_374, %lt3A_377 : i32
      %lt3A_379 = arith.constant 0 : i32
      %lt3A_380 = arith.cmpi slt, %select_n3A_373, %lt3A_379 : i32
      %ne3A_381 = arith.xori %lt3A_378, %lt3A_380 : i1
      %and3A_382 = arith.andi %ne3A_381, %ne3A_376 : i1
      %add3A_383 = arith.addi %rem3A_374, %select_n3A_373 : i32
      %select_n3A_384 = arith.select %and3A_382, %add3A_383, %rem3A_374 : i32
      %mul3A_385 = arith.constant 2 : i32
      %mul3A_386 = arith.muli %select_n3A_384, %mul3A_385 : i32
      %dma_wait3A_387 = arith.constant 0 : i32
      %dma_wait3A_388 = arith.constant 0 : i32
      %dma_wait3A_389 = arith.constant 0 : i32
      %dma_wait3A_390 = arith.constant 0 : i32
      %dma_wait3A_391 = arith.constant 0 : i32
      %dma_wait3A_392 = tpu.memref_slice %arg10[%dma_wait3A_388, %dma_wait3A_390, %dma_wait3A_391] : memref<2x128x128xf32, #tpu.memory_space<vmem>> -> memref<1x128x128xf32, #tpu.memory_space<vmem>>
      %dma_wait3A_393 = tpu.memref_squeeze %dma_wait3A_392 : memref<1x128x128xf32, #tpu.memory_space<vmem>> -> memref<128x128xf32, #tpu.memory_space<vmem>>
      %dma_wait3A_394 = arith.constant 0 : i32
      %dma_wait3A_395 = tpu.memref_slice %arg8[%dma_wait3A_387, %dma_wait3A_394] : memref<4x128xi32, #tpu.memory_space<vmem>> -> memref<1x128xi32, #tpu.memory_space<vmem>>
      %dma_wait3A_396 = tpu.memref_squeeze %dma_wait3A_395 : memref<1x128xi32, #tpu.memory_space<vmem>> -> memref<128xi32, #tpu.memory_space<vmem>>
      %dma_wait3A_397 = arith.constant 0 : i32
      %dma_wait3A_398 = arith.constant 0 : i32
      %dma_wait3A_399 = tpu.memref_slice %arg2[%dma_wait3A_397, %dma_wait3A_398] : memref<80000x128xf32, #tpu.memory_space<hbm>> -> memref<80000x128xf32, #tpu.memory_space<hbm>>
      %dma_wait3A_400 = tpu.memref_slice %arg12[%dma_wait3A_389] : memref<2x!tpu.dma_semaphore, #tpu.memory_space<semaphore_mem>> -> memref<1x!tpu.dma_semaphore, #tpu.memory_space<semaphore_mem>>
      %dma_wait3A_401 = tpu.memref_squeeze %dma_wait3A_400 : memref<1x!tpu.dma_semaphore, #tpu.memory_space<semaphore_mem>> -> memref<!tpu.dma_semaphore, #tpu.memory_space<semaphore_mem>>
      tpu.wait_indirect_dma semaphore(%dma_wait3A_401 : memref<!tpu.dma_semaphore, #tpu.memory_space<semaphore_mem>>) src(%dma_wait3A_399 : memref<80000x128xf32, #tpu.memory_space<hbm>>) dst(%dma_wait3A_393 : memref<128x128xf32, #tpu.memory_space<vmem>>)
      %add3A_402 = arith.constant 0 : i32
      %add3A_403 = arith.addi %mul3A_368, %add3A_402 : i32
      %dma_start3A_404 = arith.constant 0 : i32
      %dma_start3A_405 = arith.constant 0 : i32
      %dma_start3A_406 = arith.constant 0 : i32
      %dma_start3A_407 = arith.constant 0 : i32
      %dma_start3A_408 = tpu.memref_slice %arg10[%dma_start3A_404, %dma_start3A_406, %dma_start3A_407] : memref<2x128x128xf32, #tpu.memory_space<vmem>> -> memref<1x128x128xf32, #tpu.memory_space<vmem>>
      %dma_start3A_409 = tpu.memref_squeeze %dma_start3A_408 : memref<1x128x128xf32, #tpu.memory_space<vmem>> -> memref<128x128xf32, #tpu.memory_space<vmem>>
      %dma_start3A_410 = arith.constant 0 : i32
      %dma_start3A_411 = tpu.memref_slice %arg9[%add3A_403, %dma_start3A_410] : memref<4x128xi32, #tpu.memory_space<vmem>> -> memref<1x128xi32, #tpu.memory_space<vmem>>
      %dma_start3A_412 = tpu.memref_squeeze %dma_start3A_411 : memref<1x128xi32, #tpu.memory_space<vmem>> -> memref<128xi32, #tpu.memory_space<vmem>>
      %dma_start3A_413 = arith.constant 0 : i32
      %dma_start3A_414 = arith.constant 0 : i32
      %dma_start3A_415 = tpu.memref_slice %arg7[%dma_start3A_413, %dma_start3A_414] : memref<10112x128xf32, #tpu.memory_space<vmem_shared>> -> memref<10112x128xf32, #tpu.memory_space<vmem_shared>>
      %dma_start3A_416 = tpu.memref_slice %arg13[%dma_start3A_405] : memref<2x!tpu.dma_semaphore, #tpu.memory_space<semaphore_mem>> -> memref<1x!tpu.dma_semaphore, #tpu.memory_space<semaphore_mem>>
      %dma_start3A_417 = tpu.memref_squeeze %dma_start3A_416 : memref<1x!tpu.dma_semaphore, #tpu.memory_space<semaphore_mem>> -> memref<!tpu.dma_semaphore, #tpu.memory_space<semaphore_mem>>
      tpu.enqueue_indirect_dma source(%dma_start3A_409 : memref<128x128xf32, #tpu.memory_space<vmem>>) target(%dma_start3A_415 : memref<10112x128xf32, #tpu.memory_space<vmem_shared>>) offsets(%dma_start3A_412 : memref<128xi32, #tpu.memory_space<vmem>>) semaphore(%dma_start3A_417 : memref<!tpu.dma_semaphore, #tpu.memory_space<semaphore_mem>>) {add = true}
      %dma_wait3A_418 = arith.constant 0 : i32
      %dma_wait3A_419 = arith.constant 1 : i32
      %dma_wait3A_420 = arith.constant 1 : i32
      %dma_wait3A_421 = arith.constant 0 : i32
      %dma_wait3A_422 = arith.constant 0 : i32
      %dma_wait3A_423 = tpu.memref_slice %arg10[%dma_wait3A_419, %dma_wait3A_421, %dma_wait3A_422] : memref<2x128x128xf32, #tpu.memory_space<vmem>> -> memref<1x128x128xf32, #tpu.memory_space<vmem>>
      %dma_wait3A_424 = tpu.memref_squeeze %dma_wait3A_423 : memref<1x128x128xf32, #tpu.memory_space<vmem>> -> memref<128x128xf32, #tpu.memory_space<vmem>>
      %dma_wait3A_425 = arith.constant 0 : i32
      %dma_wait3A_426 = tpu.memref_slice %arg8[%dma_wait3A_418, %dma_wait3A_425] : memref<4x128xi32, #tpu.memory_space<vmem>> -> memref<1x128xi32, #tpu.memory_space<vmem>>
      %dma_wait3A_427 = tpu.memref_squeeze %dma_wait3A_426 : memref<1x128xi32, #tpu.memory_space<vmem>> -> memref<128xi32, #tpu.memory_space<vmem>>
      %dma_wait3A_428 = arith.constant 0 : i32
      %dma_wait3A_429 = arith.constant 0 : i32
      %dma_wait3A_430 = tpu.memref_slice %arg2[%dma_wait3A_428, %dma_wait3A_429] : memref<80000x128xf32, #tpu.memory_space<hbm>> -> memref<80000x128xf32, #tpu.memory_space<hbm>>
      %dma_wait3A_431 = tpu.memref_slice %arg12[%dma_wait3A_420] : memref<2x!tpu.dma_semaphore, #tpu.memory_space<semaphore_mem>> -> memref<1x!tpu.dma_semaphore, #tpu.memory_space<semaphore_mem>>
      %dma_wait3A_432 = tpu.memref_squeeze %dma_wait3A_431 : memref<1x!tpu.dma_semaphore, #tpu.memory_space<semaphore_mem>> -> memref<!tpu.dma_semaphore, #tpu.memory_space<semaphore_mem>>
      tpu.wait_indirect_dma semaphore(%dma_wait3A_432 : memref<!tpu.dma_semaphore, #tpu.memory_space<semaphore_mem>>) src(%dma_wait3A_430 : memref<80000x128xf32, #tpu.memory_space<hbm>>) dst(%dma_wait3A_424 : memref<128x128xf32, #tpu.memory_space<vmem>>)
      %add3A_433 = arith.constant 1 : i32
      %add3A_434 = arith.addi %mul3A_368, %add3A_433 : i32
      %dma_start3A_435 = arith.constant 1 : i32
      %dma_start3A_436 = arith.constant 1 : i32
      %dma_start3A_437 = arith.constant 0 : i32
      %dma_start3A_438 = arith.constant 0 : i32
      %dma_start3A_439 = tpu.memref_slice %arg10[%dma_start3A_435, %dma_start3A_437, %dma_start3A_438] : memref<2x128x128xf32, #tpu.memory_space<vmem>> -> memref<1x128x128xf32, #tpu.memory_space<vmem>>
      %dma_start3A_440 = tpu.memref_squeeze %dma_start3A_439 : memref<1x128x128xf32, #tpu.memory_space<vmem>> -> memref<128x128xf32, #tpu.memory_space<vmem>>
      %dma_start3A_441 = arith.constant 0 : i32
      %dma_start3A_442 = tpu.memref_slice %arg9[%add3A_434, %dma_start3A_441] : memref<4x128xi32, #tpu.memory_space<vmem>> -> memref<1x128xi32, #tpu.memory_space<vmem>>
      %dma_start3A_443 = tpu.memref_squeeze %dma_start3A_442 : memref<1x128xi32, #tpu.memory_space<vmem>> -> memref<128xi32, #tpu.memory_space<vmem>>
      %dma_start3A_444 = arith.constant 0 : i32
      %dma_start3A_445 = arith.constant 0 : i32
      %dma_start3A_446 = tpu.memref_slice %arg7[%dma_start3A_444, %dma_start3A_445] : memref<10112x128xf32, #tpu.memory_space<vmem_shared>> -> memref<10112x128xf32, #tpu.memory_space<vmem_shared>>
      %dma_start3A_447 = tpu.memref_slice %arg13[%dma_start3A_436] : memref<2x!tpu.dma_semaphore, #tpu.memory_space<semaphore_mem>> -> memref<1x!tpu.dma_semaphore, #tpu.memory_space<semaphore_mem>>
      %dma_start3A_448 = tpu.memref_squeeze %dma_start3A_447 : memref<1x!tpu.dma_semaphore, #tpu.memory_space<semaphore_mem>> -> memref<!tpu.dma_semaphore, #tpu.memory_space<semaphore_mem>>
      tpu.enqueue_indirect_dma source(%dma_start3A_440 : memref<128x128xf32, #tpu.memory_space<vmem>>) target(%dma_start3A_446 : memref<10112x128xf32, #tpu.memory_space<vmem_shared>>) offsets(%dma_start3A_443 : memref<128xi32, #tpu.memory_space<vmem>>) semaphore(%dma_start3A_448 : memref<!tpu.dma_semaphore, #tpu.memory_space<semaphore_mem>>) {add = true}
      %add3A_449 = arith.constant 0 : i32
      %add3A_450 = arith.addi %mul3A_368, %add3A_449 : i32
      %dma_wait3A_451 = arith.constant 0 : i32
      %dma_wait3A_452 = arith.constant 0 : i32
      %dma_wait3A_453 = arith.constant 0 : i32
      %dma_wait3A_454 = arith.constant 0 : i32
      %dma_wait3A_455 = tpu.memref_slice %arg10[%dma_wait3A_451, %dma_wait3A_453, %dma_wait3A_454] : memref<2x128x128xf32, #tpu.memory_space<vmem>> -> memref<1x128x128xf32, #tpu.memory_space<vmem>>
      %dma_wait3A_456 = tpu.memref_squeeze %dma_wait3A_455 : memref<1x128x128xf32, #tpu.memory_space<vmem>> -> memref<128x128xf32, #tpu.memory_space<vmem>>
      %dma_wait3A_457 = arith.constant 0 : i32
      %dma_wait3A_458 = tpu.memref_slice %arg9[%add3A_450, %dma_wait3A_457] : memref<4x128xi32, #tpu.memory_space<vmem>> -> memref<1x128xi32, #tpu.memory_space<vmem>>
      %dma_wait3A_459 = tpu.memref_squeeze %dma_wait3A_458 : memref<1x128xi32, #tpu.memory_space<vmem>> -> memref<128xi32, #tpu.memory_space<vmem>>
      %dma_wait3A_460 = arith.constant 0 : i32
      %dma_wait3A_461 = arith.constant 0 : i32
      %dma_wait3A_462 = tpu.memref_slice %arg7[%dma_wait3A_460, %dma_wait3A_461] : memref<10112x128xf32, #tpu.memory_space<vmem_shared>> -> memref<10112x128xf32, #tpu.memory_space<vmem_shared>>
      %dma_wait3A_463 = tpu.memref_slice %arg13[%dma_wait3A_452] : memref<2x!tpu.dma_semaphore, #tpu.memory_space<semaphore_mem>> -> memref<1x!tpu.dma_semaphore, #tpu.memory_space<semaphore_mem>>
      %dma_wait3A_464 = tpu.memref_squeeze %dma_wait3A_463 : memref<1x!tpu.dma_semaphore, #tpu.memory_space<semaphore_mem>> -> memref<!tpu.dma_semaphore, #tpu.memory_space<semaphore_mem>>
      tpu.wait_indirect_dma semaphore(%dma_wait3A_464 : memref<!tpu.dma_semaphore, #tpu.memory_space<semaphore_mem>>) src(%dma_wait3A_456 : memref<128x128xf32, #tpu.memory_space<vmem>>) dst(%dma_wait3A_462 : memref<10112x128xf32, #tpu.memory_space<vmem_shared>>)
      %add3A_465 = arith.constant 0 : i32
      %add3A_466 = arith.addi %mul3A_386, %add3A_465 : i32
      %dma_wait3A_467 = arith.constant 0 : i32
      %dma_wait3A_468 = tpu.memref_slice %arg8[%add3A_466, %dma_wait3A_467] : memref<4x128xi32, #tpu.memory_space<vmem>> -> memref<1x128xi32, #tpu.memory_space<vmem>>
      %dma_wait3A_469 = tpu.memref_squeeze %dma_wait3A_468 : memref<1x128xi32, #tpu.memory_space<vmem>> -> memref<128xi32, #tpu.memory_space<vmem>>
      %dma_wait3A_470 = tpu.memref_slice %arg3[%mul3A_2] : memref<327680xi32, #tpu.memory_space<hbm>> -> memref<128xi32, #tpu.memory_space<hbm>>
      %dma_wait3A_471 = tpu.memref_slice %arg11[%add3A_466] : memref<4x!tpu.dma_semaphore, #tpu.memory_space<semaphore_mem>> -> memref<1x!tpu.dma_semaphore, #tpu.memory_space<semaphore_mem>>
      %dma_wait3A_472 = tpu.memref_squeeze %dma_wait3A_471 : memref<1x!tpu.dma_semaphore, #tpu.memory_space<semaphore_mem>> -> memref<!tpu.dma_semaphore, #tpu.memory_space<semaphore_mem>>
      %dma_wait3A_473 = arith.constant 0 : i32
      %dma_wait3A_474 = tpu.memref_slice %arg8[%add3A_466, %dma_wait3A_473] : memref<4x128xi32, #tpu.memory_space<vmem>> -> memref<1x128xi32, #tpu.memory_space<vmem>>
      %dma_wait3A_475 = tpu.memref_squeeze %dma_wait3A_474 : memref<1x128xi32, #tpu.memory_space<vmem>> -> memref<128xi32, #tpu.memory_space<vmem>>
      %dma_wait3A_476 = tpu.memref_slice %arg3[%mul3A_2] : memref<327680xi32, #tpu.memory_space<hbm>> -> memref<128xi32, #tpu.memory_space<hbm>>
      tpu.wait_dma2 semaphore(%dma_wait3A_472 : memref<!tpu.dma_semaphore, #tpu.memory_space<semaphore_mem>>) src(%dma_wait3A_476 : memref<128xi32, #tpu.memory_space<hbm>>) dst(%dma_wait3A_475 : memref<128xi32, #tpu.memory_space<vmem>>)
      %dma_wait3A_477 = arith.constant 0 : i32
      %dma_wait3A_478 = tpu.memref_slice %arg9[%add3A_466, %dma_wait3A_477] : memref<4x128xi32, #tpu.memory_space<vmem>> -> memref<1x128xi32, #tpu.memory_space<vmem>>
      %dma_wait3A_479 = tpu.memref_squeeze %dma_wait3A_478 : memref<1x128xi32, #tpu.memory_space<vmem>> -> memref<128xi32, #tpu.memory_space<vmem>>
      %dma_wait3A_480 = tpu.memref_slice %arg4[%mul3A_2] : memref<163840xi32, #tpu.memory_space<hbm>> -> memref<128xi32, #tpu.memory_space<hbm>>
      %dma_wait3A_481 = tpu.memref_slice %arg11[%add3A_466] : memref<4x!tpu.dma_semaphore, #tpu.memory_space<semaphore_mem>> -> memref<1x!tpu.dma_semaphore, #tpu.memory_space<semaphore_mem>>
      %dma_wait3A_482 = tpu.memref_squeeze %dma_wait3A_481 : memref<1x!tpu.dma_semaphore, #tpu.memory_space<semaphore_mem>> -> memref<!tpu.dma_semaphore, #tpu.memory_space<semaphore_mem>>
      %dma_wait3A_483 = arith.constant 0 : i32
      %dma_wait3A_484 = tpu.memref_slice %arg9[%add3A_466, %dma_wait3A_483] : memref<4x128xi32, #tpu.memory_space<vmem>> -> memref<1x128xi32, #tpu.memory_space<vmem>>
      %dma_wait3A_485 = tpu.memref_squeeze %dma_wait3A_484 : memref<1x128xi32, #tpu.memory_space<vmem>> -> memref<128xi32, #tpu.memory_space<vmem>>
      %dma_wait3A_486 = tpu.memref_slice %arg4[%mul3A_2] : memref<163840xi32, #tpu.memory_space<hbm>> -> memref<128xi32, #tpu.memory_space<hbm>>
      tpu.wait_dma2 semaphore(%dma_wait3A_482 : memref<!tpu.dma_semaphore, #tpu.memory_space<semaphore_mem>>) src(%dma_wait3A_486 : memref<128xi32, #tpu.memory_space<hbm>>) dst(%dma_wait3A_485 : memref<128xi32, #tpu.memory_space<vmem>>)
      %add3A_487 = arith.constant 0 : i32
      %add3A_488 = arith.addi %mul3A_386, %add3A_487 : i32
      %dma_start3A_489 = arith.constant 0 : i32
      %dma_start3A_490 = arith.constant 0 : i32
      %dma_start3A_491 = arith.constant 0 : i32
      %dma_start3A_492 = arith.constant 0 : i32
      %dma_start3A_493 = tpu.memref_slice %arg10[%dma_start3A_489, %dma_start3A_491, %dma_start3A_492] : memref<2x128x128xf32, #tpu.memory_space<vmem>> -> memref<1x128x128xf32, #tpu.memory_space<vmem>>
      %dma_start3A_494 = tpu.memref_squeeze %dma_start3A_493 : memref<1x128x128xf32, #tpu.memory_space<vmem>> -> memref<128x128xf32, #tpu.memory_space<vmem>>
      %dma_start3A_495 = arith.constant 0 : i32
      %dma_start3A_496 = tpu.memref_slice %arg8[%add3A_488, %dma_start3A_495] : memref<4x128xi32, #tpu.memory_space<vmem>> -> memref<1x128xi32, #tpu.memory_space<vmem>>
      %dma_start3A_497 = tpu.memref_squeeze %dma_start3A_496 : memref<1x128xi32, #tpu.memory_space<vmem>> -> memref<128xi32, #tpu.memory_space<vmem>>
      %dma_start3A_498 = arith.constant 0 : i32
      %dma_start3A_499 = arith.constant 0 : i32
      %dma_start3A_500 = tpu.memref_slice %arg2[%dma_start3A_498, %dma_start3A_499] : memref<80000x128xf32, #tpu.memory_space<hbm>> -> memref<80000x128xf32, #tpu.memory_space<hbm>>
      %dma_start3A_501 = tpu.memref_slice %arg12[%dma_start3A_490] : memref<2x!tpu.dma_semaphore, #tpu.memory_space<semaphore_mem>> -> memref<1x!tpu.dma_semaphore, #tpu.memory_space<semaphore_mem>>
      %dma_start3A_502 = tpu.memref_squeeze %dma_start3A_501 : memref<1x!tpu.dma_semaphore, #tpu.memory_space<semaphore_mem>> -> memref<!tpu.dma_semaphore, #tpu.memory_space<semaphore_mem>>
      tpu.enqueue_indirect_dma source(%dma_start3A_500 : memref<80000x128xf32, #tpu.memory_space<hbm>>) target(%dma_start3A_494 : memref<128x128xf32, #tpu.memory_space<vmem>>) offsets(%dma_start3A_497 : memref<128xi32, #tpu.memory_space<vmem>>) semaphore(%dma_start3A_502 : memref<!tpu.dma_semaphore, #tpu.memory_space<semaphore_mem>>)
      %add3A_503 = arith.constant 1 : i32
      %add3A_504 = arith.addi %mul3A_368, %add3A_503 : i32
      %dma_wait3A_505 = arith.constant 1 : i32
      %dma_wait3A_506 = arith.constant 1 : i32
      %dma_wait3A_507 = arith.constant 0 : i32
      %dma_wait3A_508 = arith.constant 0 : i32
      %dma_wait3A_509 = tpu.memref_slice %arg10[%dma_wait3A_505, %dma_wait3A_507, %dma_wait3A_508] : memref<2x128x128xf32, #tpu.memory_space<vmem>> -> memref<1x128x128xf32, #tpu.memory_space<vmem>>
      %dma_wait3A_510 = tpu.memref_squeeze %dma_wait3A_509 : memref<1x128x128xf32, #tpu.memory_space<vmem>> -> memref<128x128xf32, #tpu.memory_space<vmem>>
      %dma_wait3A_511 = arith.constant 0 : i32
      %dma_wait3A_512 = tpu.memref_slice %arg9[%add3A_504, %dma_wait3A_511] : memref<4x128xi32, #tpu.memory_space<vmem>> -> memref<1x128xi32, #tpu.memory_space<vmem>>
      %dma_wait3A_513 = tpu.memref_squeeze %dma_wait3A_512 : memref<1x128xi32, #tpu.memory_space<vmem>> -> memref<128xi32, #tpu.memory_space<vmem>>
      %dma_wait3A_514 = arith.constant 0 : i32
      %dma_wait3A_515 = arith.constant 0 : i32
      %dma_wait3A_516 = tpu.memref_slice %arg7[%dma_wait3A_514, %dma_wait3A_515] : memref<10112x128xf32, #tpu.memory_space<vmem_shared>> -> memref<10112x128xf32, #tpu.memory_space<vmem_shared>>
      %dma_wait3A_517 = tpu.memref_slice %arg13[%dma_wait3A_506] : memref<2x!tpu.dma_semaphore, #tpu.memory_space<semaphore_mem>> -> memref<1x!tpu.dma_semaphore, #tpu.memory_space<semaphore_mem>>
      %dma_wait3A_518 = tpu.memref_squeeze %dma_wait3A_517 : memref<1x!tpu.dma_semaphore, #tpu.memory_space<semaphore_mem>> -> memref<!tpu.dma_semaphore, #tpu.memory_space<semaphore_mem>>
      tpu.wait_indirect_dma semaphore(%dma_wait3A_518 : memref<!tpu.dma_semaphore, #tpu.memory_space<semaphore_mem>>) src(%dma_wait3A_510 : memref<128x128xf32, #tpu.memory_space<vmem>>) dst(%dma_wait3A_516 : memref<10112x128xf32, #tpu.memory_space<vmem_shared>>)
      %add3A_519 = arith.constant 1 : i32
      %add3A_520 = arith.addi %mul3A_386, %add3A_519 : i32
      %dma_wait3A_521 = arith.constant 0 : i32
      %dma_wait3A_522 = tpu.memref_slice %arg8[%add3A_520, %dma_wait3A_521] : memref<4x128xi32, #tpu.memory_space<vmem>> -> memref<1x128xi32, #tpu.memory_space<vmem>>
      %dma_wait3A_523 = tpu.memref_squeeze %dma_wait3A_522 : memref<1x128xi32, #tpu.memory_space<vmem>> -> memref<128xi32, #tpu.memory_space<vmem>>
      %dma_wait3A_524 = tpu.memref_slice %arg3[%mul3A_2] : memref<327680xi32, #tpu.memory_space<hbm>> -> memref<128xi32, #tpu.memory_space<hbm>>
      %dma_wait3A_525 = tpu.memref_slice %arg11[%add3A_520] : memref<4x!tpu.dma_semaphore, #tpu.memory_space<semaphore_mem>> -> memref<1x!tpu.dma_semaphore, #tpu.memory_space<semaphore_mem>>
      %dma_wait3A_526 = tpu.memref_squeeze %dma_wait3A_525 : memref<1x!tpu.dma_semaphore, #tpu.memory_space<semaphore_mem>> -> memref<!tpu.dma_semaphore, #tpu.memory_space<semaphore_mem>>
      %dma_wait3A_527 = arith.constant 0 : i32
      %dma_wait3A_528 = tpu.memref_slice %arg8[%add3A_520, %dma_wait3A_527] : memref<4x128xi32, #tpu.memory_space<vmem>> -> memref<1x128xi32, #tpu.memory_space<vmem>>
      %dma_wait3A_529 = tpu.memref_squeeze %dma_wait3A_528 : memref<1x128xi32, #tpu.memory_space<vmem>> -> memref<128xi32, #tpu.memory_space<vmem>>
      %dma_wait3A_530 = tpu.memref_slice %arg3[%mul3A_2] : memref<327680xi32, #tpu.memory_space<hbm>> -> memref<128xi32, #tpu.memory_space<hbm>>
      tpu.wait_dma2 semaphore(%dma_wait3A_526 : memref<!tpu.dma_semaphore, #tpu.memory_space<semaphore_mem>>) src(%dma_wait3A_530 : memref<128xi32, #tpu.memory_space<hbm>>) dst(%dma_wait3A_529 : memref<128xi32, #tpu.memory_space<vmem>>)
      %dma_wait3A_531 = arith.constant 0 : i32
      %dma_wait3A_532 = tpu.memref_slice %arg9[%add3A_520, %dma_wait3A_531] : memref<4x128xi32, #tpu.memory_space<vmem>> -> memref<1x128xi32, #tpu.memory_space<vmem>>
      %dma_wait3A_533 = tpu.memref_squeeze %dma_wait3A_532 : memref<1x128xi32, #tpu.memory_space<vmem>> -> memref<128xi32, #tpu.memory_space<vmem>>
      %dma_wait3A_534 = tpu.memref_slice %arg4[%mul3A_2] : memref<163840xi32, #tpu.memory_space<hbm>> -> memref<128xi32, #tpu.memory_space<hbm>>
      %dma_wait3A_535 = tpu.memref_slice %arg11[%add3A_520] : memref<4x!tpu.dma_semaphore, #tpu.memory_space<semaphore_mem>> -> memref<1x!tpu.dma_semaphore, #tpu.memory_space<semaphore_mem>>
      %dma_wait3A_536 = tpu.memref_squeeze %dma_wait3A_535 : memref<1x!tpu.dma_semaphore, #tpu.memory_space<semaphore_mem>> -> memref<!tpu.dma_semaphore, #tpu.memory_space<semaphore_mem>>
      %dma_wait3A_537 = arith.constant 0 : i32
      %dma_wait3A_538 = tpu.memref_slice %arg9[%add3A_520, %dma_wait3A_537] : memref<4x128xi32, #tpu.memory_space<vmem>> -> memref<1x128xi32, #tpu.memory_space<vmem>>
      %dma_wait3A_539 = tpu.memref_squeeze %dma_wait3A_538 : memref<1x128xi32, #tpu.memory_space<vmem>> -> memref<128xi32, #tpu.memory_space<vmem>>
      %dma_wait3A_540 = tpu.memref_slice %arg4[%mul3A_2] : memref<163840xi32, #tpu.memory_space<hbm>> -> memref<128xi32, #tpu.memory_space<hbm>>
      tpu.wait_dma2 semaphore(%dma_wait3A_536 : memref<!tpu.dma_semaphore, #tpu.memory_space<semaphore_mem>>) src(%dma_wait3A_540 : memref<128xi32, #tpu.memory_space<hbm>>) dst(%dma_wait3A_539 : memref<128xi32, #tpu.memory_space<vmem>>)
      %add3A_541 = arith.constant 1 : i32
      %add3A_542 = arith.addi %mul3A_386, %add3A_541 : i32
      %dma_start3A_543 = arith.constant 1 : i32
      %dma_start3A_544 = arith.constant 1 : i32
      %dma_start3A_545 = arith.constant 0 : i32
      %dma_start3A_546 = arith.constant 0 : i32
      %dma_start3A_547 = tpu.memref_slice %arg10[%dma_start3A_543, %dma_start3A_545, %dma_start3A_546] : memref<2x128x128xf32, #tpu.memory_space<vmem>> -> memref<1x128x128xf32, #tpu.memory_space<vmem>>
      %dma_start3A_548 = tpu.memref_squeeze %dma_start3A_547 : memref<1x128x128xf32, #tpu.memory_space<vmem>> -> memref<128x128xf32, #tpu.memory_space<vmem>>
      %dma_start3A_549 = arith.constant 0 : i32
      %dma_start3A_550 = tpu.memref_slice %arg8[%add3A_542, %dma_start3A_549] : memref<4x128xi32, #tpu.memory_space<vmem>> -> memref<1x128xi32, #tpu.memory_space<vmem>>
      %dma_start3A_551 = tpu.memref_squeeze %dma_start3A_550 : memref<1x128xi32, #tpu.memory_space<vmem>> -> memref<128xi32, #tpu.memory_space<vmem>>
      %dma_start3A_552 = arith.constant 0 : i32
      %dma_start3A_553 = arith.constant 0 : i32
      %dma_start3A_554 = tpu.memref_slice %arg2[%dma_start3A_552, %dma_start3A_553] : memref<80000x128xf32, #tpu.memory_space<hbm>> -> memref<80000x128xf32, #tpu.memory_space<hbm>>
      %dma_start3A_555 = tpu.memref_slice %arg12[%dma_start3A_544] : memref<2x!tpu.dma_semaphore, #tpu.memory_space<semaphore_mem>> -> memref<1x!tpu.dma_semaphore, #tpu.memory_space<semaphore_mem>>
      %dma_start3A_556 = tpu.memref_squeeze %dma_start3A_555 : memref<1x!tpu.dma_semaphore, #tpu.memory_space<semaphore_mem>> -> memref<!tpu.dma_semaphore, #tpu.memory_space<semaphore_mem>>
      tpu.enqueue_indirect_dma source(%dma_start3A_554 : memref<80000x128xf32, #tpu.memory_space<hbm>>) target(%dma_start3A_548 : memref<128x128xf32, #tpu.memory_space<vmem>>) offsets(%dma_start3A_551 : memref<128xi32, #tpu.memory_space<vmem>>) semaphore(%dma_start3A_556 : memref<!tpu.dma_semaphore, #tpu.memory_space<semaphore_mem>>)
      %add3A_557 = arith.constant 1 : i32
      %add3A_558 = arith.addi %scan3A_354, %add3A_557 : i32
      %mul3A_559 = arith.constant 2 : i32
      %mul3A_560 = arith.muli %add3A_558, %mul3A_559 : i32
      %add3A_561 = arith.constant 0 : i32
      %add3A_562 = arith.addi %mul3A_560, %add3A_561 : i32
      %min3A = arith.constant 79 : i32
      %min3A_563 = arith.minsi %add3A_562, %min3A : i32
      %add3A_564 = arith.constant 0 : i32
      %add3A_565 = arith.addi %mul3A_368, %add3A_564 : i32
      %mul3A_566 = arith.constant 163840 : i32
      %mul3A_567 = arith.muli %arg0, %mul3A_566 : i32
      %add3A_568 = arith.addi %mul3A_567, %mul3A_2 : i32
      %mul3A_569 = arith.constant 128 : i32
      %mul3A_570 = arith.muli %min3A_563, %mul3A_569 : i32
      %add3A_571 = arith.addi %add3A_568, %mul3A_570 : i32
      %dma_start3A_572 = arith.constant 0 : i32
      %dma_start3A_573 = tpu.memref_slice %arg8[%add3A_565, %dma_start3A_572] : memref<4x128xi32, #tpu.memory_space<vmem>> -> memref<1x128xi32, #tpu.memory_space<vmem>>
      %dma_start3A_574 = tpu.memref_squeeze %dma_start3A_573 : memref<1x128xi32, #tpu.memory_space<vmem>> -> memref<128xi32, #tpu.memory_space<vmem>>
      %dma_start3A_575 = tpu.memref_slice %arg3[%add3A_571] : memref<327680xi32, #tpu.memory_space<hbm>> -> memref<128xi32, #tpu.memory_space<hbm>>
      %dma_start3A_576 = tpu.memref_slice %arg11[%add3A_565] : memref<4x!tpu.dma_semaphore, #tpu.memory_space<semaphore_mem>> -> memref<1x!tpu.dma_semaphore, #tpu.memory_space<semaphore_mem>>
      %dma_start3A_577 = tpu.memref_squeeze %dma_start3A_576 : memref<1x!tpu.dma_semaphore, #tpu.memory_space<semaphore_mem>> -> memref<!tpu.dma_semaphore, #tpu.memory_space<semaphore_mem>>
      %dma_start3A_578 = arith.constant 0 : i32
      %dma_start3A_579 = tpu.memref_slice %arg8[%add3A_565, %dma_start3A_578] : memref<4x128xi32, #tpu.memory_space<vmem>> -> memref<1x128xi32, #tpu.memory_space<vmem>>
      %dma_start3A_580 = tpu.memref_squeeze %dma_start3A_579 : memref<1x128xi32, #tpu.memory_space<vmem>> -> memref<128xi32, #tpu.memory_space<vmem>>
      %dma_start3A_581 = tpu.memref_slice %arg3[%add3A_571] : memref<327680xi32, #tpu.memory_space<hbm>> -> memref<128xi32, #tpu.memory_space<hbm>>
      tpu.enqueue_dma source(%dma_start3A_581 : memref<128xi32, #tpu.memory_space<hbm>>) target(%dma_start3A_580 : memref<128xi32, #tpu.memory_space<vmem>>) target_semaphore(%dma_start3A_577 : memref<!tpu.dma_semaphore, #tpu.memory_space<semaphore_mem>>)
      %mul3A_582 = arith.constant 128 : i32
      %mul3A_583 = arith.muli %min3A_563, %mul3A_582 : i32
      %add3A_584 = arith.addi %mul3A_2, %mul3A_583 : i32
      %dma_start3A_585 = arith.constant 0 : i32
      %dma_start3A_586 = tpu.memref_slice %arg9[%add3A_565, %dma_start3A_585] : memref<4x128xi32, #tpu.memory_space<vmem>> -> memref<1x128xi32, #tpu.memory_space<vmem>>
      %dma_start3A_587 = tpu.memref_squeeze %dma_start3A_586 : memref<1x128xi32, #tpu.memory_space<vmem>> -> memref<128xi32, #tpu.memory_space<vmem>>
      %dma_start3A_588 = tpu.memref_slice %arg4[%add3A_584] : memref<163840xi32, #tpu.memory_space<hbm>> -> memref<128xi32, #tpu.memory_space<hbm>>
      %dma_start3A_589 = tpu.memref_slice %arg11[%add3A_565] : memref<4x!tpu.dma_semaphore, #tpu.memory_space<semaphore_mem>> -> memref<1x!tpu.dma_semaphore, #tpu.memory_space<semaphore_mem>>
      %dma_start3A_590 = tpu.memref_squeeze %dma_start3A_589 : memref<1x!tpu.dma_semaphore, #tpu.memory_space<semaphore_mem>> -> memref<!tpu.dma_semaphore, #tpu.memory_space<semaphore_mem>>
      %dma_start3A_591 = arith.constant 0 : i32
      %dma_start3A_592 = tpu.memref_slice %arg9[%add3A_565, %dma_start3A_591] : memref<4x128xi32, #tpu.memory_space<vmem>> -> memref<1x128xi32, #tpu.memory_space<vmem>>
      %dma_start3A_593 = tpu.memref_squeeze %dma_start3A_592 : memref<1x128xi32, #tpu.memory_space<vmem>> -> memref<128xi32, #tpu.memory_space<vmem>>
      %dma_start3A_594 = tpu.memref_slice %arg4[%add3A_584] : memref<163840xi32, #tpu.memory_space<hbm>> -> memref<128xi32, #tpu.memory_space<hbm>>
      tpu.enqueue_dma source(%dma_start3A_594 : memref<128xi32, #tpu.memory_space<hbm>>) target(%dma_start3A_593 : memref<128xi32, #tpu.memory_space<vmem>>) target_semaphore(%dma_start3A_590 : memref<!tpu.dma_semaphore, #tpu.memory_space<semaphore_mem>>)
      %add3A_595 = arith.constant 1 : i32
      %add3A_596 = arith.addi %scan3A_354, %add3A_595 : i32
      %mul3A_597 = arith.constant 2 : i32
      %mul3A_598 = arith.muli %add3A_596, %mul3A_597 : i32
      %add3A_599 = arith.constant 1 : i32
      %add3A_600 = arith.addi %mul3A_598, %add3A_599 : i32
      %min3A_601 = arith.constant 79 : i32
      %min3A_602 = arith.minsi %add3A_600, %min3A_601 : i32
      %add3A_603 = arith.constant 1 : i32
      %add3A_604 = arith.addi %mul3A_368, %add3A_603 : i32
      %mul3A_605 = arith.constant 163840 : i32
      %mul3A_606 = arith.muli %arg0, %mul3A_605 : i32
      %add3A_607 = arith.addi %mul3A_606, %mul3A_2 : i32
      %mul3A_608 = arith.constant 128 : i32
      %mul3A_609 = arith.muli %min3A_602, %mul3A_608 : i32
      %add3A_610 = arith.addi %add3A_607, %mul3A_609 : i32
      %dma_start3A_611 = arith.constant 0 : i32
      %dma_start3A_612 = tpu.memref_slice %arg8[%add3A_604, %dma_start3A_611] : memref<4x128xi32, #tpu.memory_space<vmem>> -> memref<1x128xi32, #tpu.memory_space<vmem>>
      %dma_start3A_613 = tpu.memref_squeeze %dma_start3A_612 : memref<1x128xi32, #tpu.memory_space<vmem>> -> memref<128xi32, #tpu.memory_space<vmem>>
      %dma_start3A_614 = tpu.memref_slice %arg3[%add3A_610] : memref<327680xi32, #tpu.memory_space<hbm>> -> memref<128xi32, #tpu.memory_space<hbm>>
      %dma_start3A_615 = tpu.memref_slice %arg11[%add3A_604] : memref<4x!tpu.dma_semaphore, #tpu.memory_space<semaphore_mem>> -> memref<1x!tpu.dma_semaphore, #tpu.memory_space<semaphore_mem>>
      %dma_start3A_616 = tpu.memref_squeeze %dma_start3A_615 : memref<1x!tpu.dma_semaphore, #tpu.memory_space<semaphore_mem>> -> memref<!tpu.dma_semaphore, #tpu.memory_space<semaphore_mem>>
      %dma_start3A_617 = arith.constant 0 : i32
      %dma_start3A_618 = tpu.memref_slice %arg8[%add3A_604, %dma_start3A_617] : memref<4x128xi32, #tpu.memory_space<vmem>> -> memref<1x128xi32, #tpu.memory_space<vmem>>
      %dma_start3A_619 = tpu.memref_squeeze %dma_start3A_618 : memref<1x128xi32, #tpu.memory_space<vmem>> -> memref<128xi32, #tpu.memory_space<vmem>>
      %dma_start3A_620 = tpu.memref_slice %arg3[%add3A_610] : memref<327680xi32, #tpu.memory_space<hbm>> -> memref<128xi32, #tpu.memory_space<hbm>>
      tpu.enqueue_dma source(%dma_start3A_620 : memref<128xi32, #tpu.memory_space<hbm>>) target(%dma_start3A_619 : memref<128xi32, #tpu.memory_space<vmem>>) target_semaphore(%dma_start3A_616 : memref<!tpu.dma_semaphore, #tpu.memory_space<semaphore_mem>>)
      %mul3A_621 = arith.constant 128 : i32
      %mul3A_622 = arith.muli %min3A_602, %mul3A_621 : i32
      %add3A_623 = arith.addi %mul3A_2, %mul3A_622 : i32
      %dma_start3A_624 = arith.constant 0 : i32
      %dma_start3A_625 = tpu.memref_slice %arg9[%add3A_604, %dma_start3A_624] : memref<4x128xi32, #tpu.memory_space<vmem>> -> memref<1x128xi32, #tpu.memory_space<vmem>>
      %dma_start3A_626 = tpu.memref_squeeze %dma_start3A_625 : memref<1x128xi32, #tpu.memory_space<vmem>> -> memref<128xi32, #tpu.memory_space<vmem>>
      %dma_start3A_627 = tpu.memref_slice %arg4[%add3A_623] : memref<163840xi32, #tpu.memory_space<hbm>> -> memref<128xi32, #tpu.memory_space<hbm>>
      %dma_start3A_628 = tpu.memref_slice %arg11[%add3A_604] : memref<4x!tpu.dma_semaphore, #tpu.memory_space<semaphore_mem>> -> memref<1x!tpu.dma_semaphore, #tpu.memory_space<semaphore_mem>>
      %dma_start3A_629 = tpu.memref_squeeze %dma_start3A_628 : memref<1x!tpu.dma_semaphore, #tpu.memory_space<semaphore_mem>> -> memref<!tpu.dma_semaphore, #tpu.memory_space<semaphore_mem>>
      %dma_start3A_630 = arith.constant 0 : i32
      %dma_start3A_631 = tpu.memref_slice %arg9[%add3A_604, %dma_start3A_630] : memref<4x128xi32, #tpu.memory_space<vmem>> -> memref<1x128xi32, #tpu.memory_space<vmem>>
      %dma_start3A_632 = tpu.memref_squeeze %dma_start3A_631 : memref<1x128xi32, #tpu.memory_space<vmem>> -> memref<128xi32, #tpu.memory_space<vmem>>
      %dma_start3A_633 = tpu.memref_slice %arg4[%add3A_623] : memref<163840xi32, #tpu.memory_space<hbm>> -> memref<128xi32, #tpu.memory_space<hbm>>
      tpu.enqueue_dma source(%dma_start3A_633 : memref<128xi32, #tpu.memory_space<hbm>>) target(%dma_start3A_632 : memref<128xi32, #tpu.memory_space<vmem>>) target_semaphore(%dma_start3A_629 : memref<!tpu.dma_semaphore, #tpu.memory_space<semaphore_mem>>)
    }
    %scan3A_208 = arith.constant 39 : i32
    %dma_wait3A_209 = arith.constant 0 : i32
    %dma_wait3A_210 = arith.constant 0 : i32
    %dma_wait3A_211 = arith.constant 0 : i32
    %dma_wait3A_212 = arith.constant 0 : i32
    %dma_wait3A_213 = arith.constant 0 : i32
    %dma_wait3A_214 = tpu.memref_slice %arg10[%dma_wait3A_210, %dma_wait3A_212, %dma_wait3A_213] : memref<2x128x128xf32, #tpu.memory_space<vmem>> -> memref<1x128x128xf32, #tpu.memory_space<vmem>>
    %dma_wait3A_215 = tpu.memref_squeeze %dma_wait3A_214 : memref<1x128x128xf32, #tpu.memory_space<vmem>> -> memref<128x128xf32, #tpu.memory_space<vmem>>
    %dma_wait3A_216 = arith.constant 0 : i32
    %dma_wait3A_217 = tpu.memref_slice %arg8[%dma_wait3A_209, %dma_wait3A_216] : memref<4x128xi32, #tpu.memory_space<vmem>> -> memref<1x128xi32, #tpu.memory_space<vmem>>
    %dma_wait3A_218 = tpu.memref_squeeze %dma_wait3A_217 : memref<1x128xi32, #tpu.memory_space<vmem>> -> memref<128xi32, #tpu.memory_space<vmem>>
    %dma_wait3A_219 = arith.constant 0 : i32
    %dma_wait3A_220 = arith.constant 0 : i32
    %dma_wait3A_221 = tpu.memref_slice %arg2[%dma_wait3A_219, %dma_wait3A_220] : memref<80000x128xf32, #tpu.memory_space<hbm>> -> memref<80000x128xf32, #tpu.memory_space<hbm>>
    %dma_wait3A_222 = tpu.memref_slice %arg12[%dma_wait3A_211] : memref<2x!tpu.dma_semaphore, #tpu.memory_space<semaphore_mem>> -> memref<1x!tpu.dma_semaphore, #tpu.memory_space<semaphore_mem>>
    %dma_wait3A_223 = tpu.memref_squeeze %dma_wait3A_222 : memref<1x!tpu.dma_semaphore, #tpu.memory_space<semaphore_mem>> -> memref<!tpu.dma_semaphore, #tpu.memory_space<semaphore_mem>>
    tpu.wait_indirect_dma semaphore(%dma_wait3A_223 : memref<!tpu.dma_semaphore, #tpu.memory_space<semaphore_mem>>) src(%dma_wait3A_221 : memref<80000x128xf32, #tpu.memory_space<hbm>>) dst(%dma_wait3A_215 : memref<128x128xf32, #tpu.memory_space<vmem>>)
    %dma_start3A_224 = arith.constant 0 : i32
    %dma_start3A_225 = arith.constant 2 : i32
    %dma_start3A_226 = arith.constant 0 : i32
    %dma_start3A_227 = arith.constant 0 : i32
    %dma_start3A_228 = arith.constant 0 : i32
    %dma_start3A_229 = tpu.memref_slice %arg10[%dma_start3A_224, %dma_start3A_227, %dma_start3A_228] : memref<2x128x128xf32, #tpu.memory_space<vmem>> -> memref<1x128x128xf32, #tpu.memory_space<vmem>>
    %dma_start3A_230 = tpu.memref_squeeze %dma_start3A_229 : memref<1x128x128xf32, #tpu.memory_space<vmem>> -> memref<128x128xf32, #tpu.memory_space<vmem>>
    %dma_start3A_231 = arith.constant 0 : i32
    %dma_start3A_232 = tpu.memref_slice %arg9[%dma_start3A_225, %dma_start3A_231] : memref<4x128xi32, #tpu.memory_space<vmem>> -> memref<1x128xi32, #tpu.memory_space<vmem>>
    %dma_start3A_233 = tpu.memref_squeeze %dma_start3A_232 : memref<1x128xi32, #tpu.memory_space<vmem>> -> memref<128xi32, #tpu.memory_space<vmem>>
    %dma_start3A_234 = arith.constant 0 : i32
    %dma_start3A_235 = arith.constant 0 : i32
    %dma_start3A_236 = tpu.memref_slice %arg7[%dma_start3A_234, %dma_start3A_235] : memref<10112x128xf32, #tpu.memory_space<vmem_shared>> -> memref<10112x128xf32, #tpu.memory_space<vmem_shared>>
    %dma_start3A_237 = tpu.memref_slice %arg13[%dma_start3A_226] : memref<2x!tpu.dma_semaphore, #tpu.memory_space<semaphore_mem>> -> memref<1x!tpu.dma_semaphore, #tpu.memory_space<semaphore_mem>>
    %dma_start3A_238 = tpu.memref_squeeze %dma_start3A_237 : memref<1x!tpu.dma_semaphore, #tpu.memory_space<semaphore_mem>> -> memref<!tpu.dma_semaphore, #tpu.memory_space<semaphore_mem>>
    tpu.enqueue_indirect_dma source(%dma_start3A_230 : memref<128x128xf32, #tpu.memory_space<vmem>>) target(%dma_start3A_236 : memref<10112x128xf32, #tpu.memory_space<vmem_shared>>) offsets(%dma_start3A_233 : memref<128xi32, #tpu.memory_space<vmem>>) semaphore(%dma_start3A_238 : memref<!tpu.dma_semaphore, #tpu.memory_space<semaphore_mem>>) {add = true}
    %dma_wait3A_239 = arith.constant 0 : i32
    %dma_wait3A_240 = arith.constant 1 : i32
    %dma_wait3A_241 = arith.constant 1 : i32
    %dma_wait3A_242 = arith.constant 0 : i32
    %dma_wait3A_243 = arith.constant 0 : i32
    %dma_wait3A_244 = tpu.memref_slice %arg10[%dma_wait3A_240, %dma_wait3A_242, %dma_wait3A_243] : memref<2x128x128xf32, #tpu.memory_space<vmem>> -> memref<1x128x128xf32, #tpu.memory_space<vmem>>
    %dma_wait3A_245 = tpu.memref_squeeze %dma_wait3A_244 : memref<1x128x128xf32, #tpu.memory_space<vmem>> -> memref<128x128xf32, #tpu.memory_space<vmem>>
    %dma_wait3A_246 = arith.constant 0 : i32
    %dma_wait3A_247 = tpu.memref_slice %arg8[%dma_wait3A_239, %dma_wait3A_246] : memref<4x128xi32, #tpu.memory_space<vmem>> -> memref<1x128xi32, #tpu.memory_space<vmem>>
    %dma_wait3A_248 = tpu.memref_squeeze %dma_wait3A_247 : memref<1x128xi32, #tpu.memory_space<vmem>> -> memref<128xi32, #tpu.memory_space<vmem>>
    %dma_wait3A_249 = arith.constant 0 : i32
    %dma_wait3A_250 = arith.constant 0 : i32
    %dma_wait3A_251 = tpu.memref_slice %arg2[%dma_wait3A_249, %dma_wait3A_250] : memref<80000x128xf32, #tpu.memory_space<hbm>> -> memref<80000x128xf32, #tpu.memory_space<hbm>>
    %dma_wait3A_252 = tpu.memref_slice %arg12[%dma_wait3A_241] : memref<2x!tpu.dma_semaphore, #tpu.memory_space<semaphore_mem>> -> memref<1x!tpu.dma_semaphore, #tpu.memory_space<semaphore_mem>>
    %dma_wait3A_253 = tpu.memref_squeeze %dma_wait3A_252 : memref<1x!tpu.dma_semaphore, #tpu.memory_space<semaphore_mem>> -> memref<!tpu.dma_semaphore, #tpu.memory_space<semaphore_mem>>
    tpu.wait_indirect_dma semaphore(%dma_wait3A_253 : memref<!tpu.dma_semaphore, #tpu.memory_space<semaphore_mem>>) src(%dma_wait3A_251 : memref<80000x128xf32, #tpu.memory_space<hbm>>) dst(%dma_wait3A_245 : memref<128x128xf32, #tpu.memory_space<vmem>>)
    %dma_start3A_254 = arith.constant 1 : i32
    %dma_start3A_255 = arith.constant 3 : i32
    %dma_start3A_256 = arith.constant 1 : i32
    %dma_start3A_257 = arith.constant 0 : i32
    %dma_start3A_258 = arith.constant 0 : i32
    %dma_start3A_259 = tpu.memref_slice %arg10[%dma_start3A_254, %dma_start3A_257, %dma_start3A_258] : memref<2x128x128xf32, #tpu.memory_space<vmem>> -> memref<1x128x128xf32, #tpu.memory_space<vmem>>
    %dma_start3A_260 = tpu.memref_squeeze %dma_start3A_259 : memref<1x128x128xf32, #tpu.memory_space<vmem>> -> memref<128x128xf32, #tpu.memory_space<vmem>>
    %dma_start3A_261 = arith.constant 0 : i32
    %dma_start3A_262 = tpu.memref_slice %arg9[%dma_start3A_255, %dma_start3A_261] : memref<4x128xi32, #tpu.memory_space<vmem>> -> memref<1x128xi32, #tpu.memory_space<vmem>>
    %dma_start3A_263 = tpu.memref_squeeze %dma_start3A_262 : memref<1x128xi32, #tpu.memory_space<vmem>> -> memref<128xi32, #tpu.memory_space<vmem>>
    %dma_start3A_264 = arith.constant 0 : i32
    %dma_start3A_265 = arith.constant 0 : i32
    %dma_start3A_266 = tpu.memref_slice %arg7[%dma_start3A_264, %dma_start3A_265] : memref<10112x128xf32, #tpu.memory_space<vmem_shared>> -> memref<10112x128xf32, #tpu.memory_space<vmem_shared>>
    %dma_start3A_267 = tpu.memref_slice %arg13[%dma_start3A_256] : memref<2x!tpu.dma_semaphore, #tpu.memory_space<semaphore_mem>> -> memref<1x!tpu.dma_semaphore, #tpu.memory_space<semaphore_mem>>
    %dma_start3A_268 = tpu.memref_squeeze %dma_start3A_267 : memref<1x!tpu.dma_semaphore, #tpu.memory_space<semaphore_mem>> -> memref<!tpu.dma_semaphore, #tpu.memory_space<semaphore_mem>>
    tpu.enqueue_indirect_dma source(%dma_start3A_260 : memref<128x128xf32, #tpu.memory_space<vmem>>) target(%dma_start3A_266 : memref<10112x128xf32, #tpu.memory_space<vmem_shared>>) offsets(%dma_start3A_263 : memref<128xi32, #tpu.memory_space<vmem>>) semaphore(%dma_start3A_268 : memref<!tpu.dma_semaphore, #tpu.memory_space<semaphore_mem>>) {add = true}
    %dma_wait3A_269 = arith.constant 0 : i32
    %dma_wait3A_270 = arith.constant 2 : i32
    %dma_wait3A_271 = arith.constant 0 : i32
    %dma_wait3A_272 = arith.constant 0 : i32
    %dma_wait3A_273 = arith.constant 0 : i32
    %dma_wait3A_274 = tpu.memref_slice %arg10[%dma_wait3A_269, %dma_wait3A_272, %dma_wait3A_273] : memref<2x128x128xf32, #tpu.memory_space<vmem>> -> memref<1x128x128xf32, #tpu.memory_space<vmem>>
    %dma_wait3A_275 = tpu.memref_squeeze %dma_wait3A_274 : memref<1x128x128xf32, #tpu.memory_space<vmem>> -> memref<128x128xf32, #tpu.memory_space<vmem>>
    %dma_wait3A_276 = arith.constant 0 : i32
    %dma_wait3A_277 = tpu.memref_slice %arg9[%dma_wait3A_270, %dma_wait3A_276] : memref<4x128xi32, #tpu.memory_space<vmem>> -> memref<1x128xi32, #tpu.memory_space<vmem>>
    %dma_wait3A_278 = tpu.memref_squeeze %dma_wait3A_277 : memref<1x128xi32, #tpu.memory_space<vmem>> -> memref<128xi32, #tpu.memory_space<vmem>>
    %dma_wait3A_279 = arith.constant 0 : i32
    %dma_wait3A_280 = arith.constant 0 : i32
    %dma_wait3A_281 = tpu.memref_slice %arg7[%dma_wait3A_279, %dma_wait3A_280] : memref<10112x128xf32, #tpu.memory_space<vmem_shared>> -> memref<10112x128xf32, #tpu.memory_space<vmem_shared>>
    %dma_wait3A_282 = tpu.memref_slice %arg13[%dma_wait3A_271] : memref<2x!tpu.dma_semaphore, #tpu.memory_space<semaphore_mem>> -> memref<1x!tpu.dma_semaphore, #tpu.memory_space<semaphore_mem>>
    %dma_wait3A_283 = tpu.memref_squeeze %dma_wait3A_282 : memref<1x!tpu.dma_semaphore, #tpu.memory_space<semaphore_mem>> -> memref<!tpu.dma_semaphore, #tpu.memory_space<semaphore_mem>>
    tpu.wait_indirect_dma semaphore(%dma_wait3A_283 : memref<!tpu.dma_semaphore, #tpu.memory_space<semaphore_mem>>) src(%dma_wait3A_275 : memref<128x128xf32, #tpu.memory_space<vmem>>) dst(%dma_wait3A_281 : memref<10112x128xf32, #tpu.memory_space<vmem_shared>>)
    %dma_wait3A_284 = arith.constant 1 : i32
    %dma_wait3A_285 = arith.constant 3 : i32
    %dma_wait3A_286 = arith.constant 1 : i32
    %dma_wait3A_287 = arith.constant 0 : i32
    %dma_wait3A_288 = arith.constant 0 : i32
    %dma_wait3A_289 = tpu.memref_slice %arg10[%dma_wait3A_284, %dma_wait3A_287, %dma_wait3A_288] : memref<2x128x128xf32, #tpu.memory_space<vmem>> -> memref<1x128x128xf32, #tpu.memory_space<vmem>>
    %dma_wait3A_290 = tpu.memref_squeeze %dma_wait3A_289 : memref<1x128x128xf32, #tpu.memory_space<vmem>> -> memref<128x128xf32, #tpu.memory_space<vmem>>
    %dma_wait3A_291 = arith.constant 0 : i32
    %dma_wait3A_292 = tpu.memref_slice %arg9[%dma_wait3A_285, %dma_wait3A_291] : memref<4x128xi32, #tpu.memory_space<vmem>> -> memref<1x128xi32, #tpu.memory_space<vmem>>
    %dma_wait3A_293 = tpu.memref_squeeze %dma_wait3A_292 : memref<1x128xi32, #tpu.memory_space<vmem>> -> memref<128xi32, #tpu.memory_space<vmem>>
    %dma_wait3A_294 = arith.constant 0 : i32
    %dma_wait3A_295 = arith.constant 0 : i32
    %dma_wait3A_296 = tpu.memref_slice %arg7[%dma_wait3A_294, %dma_wait3A_295] : memref<10112x128xf32, #tpu.memory_space<vmem_shared>> -> memref<10112x128xf32, #tpu.memory_space<vmem_shared>>
    %dma_wait3A_297 = tpu.memref_slice %arg13[%dma_wait3A_286] : memref<2x!tpu.dma_semaphore, #tpu.memory_space<semaphore_mem>> -> memref<1x!tpu.dma_semaphore, #tpu.memory_space<semaphore_mem>>
    %dma_wait3A_298 = tpu.memref_squeeze %dma_wait3A_297 : memref<1x!tpu.dma_semaphore, #tpu.memory_space<semaphore_mem>> -> memref<!tpu.dma_semaphore, #tpu.memory_space<semaphore_mem>>
    tpu.wait_indirect_dma semaphore(%dma_wait3A_298 : memref<!tpu.dma_semaphore, #tpu.memory_space<semaphore_mem>>) src(%dma_wait3A_290 : memref<128x128xf32, #tpu.memory_space<vmem>>) dst(%dma_wait3A_296 : memref<10112x128xf32, #tpu.memory_space<vmem_shared>>)
    %dma_wait3A_299 = arith.constant 0 : i32
    %dma_wait3A_300 = arith.constant 0 : i32
    %dma_wait3A_301 = arith.constant 0 : i32
    %dma_wait3A_302 = tpu.memref_slice %arg8[%dma_wait3A_299, %dma_wait3A_301] : memref<4x128xi32, #tpu.memory_space<vmem>> -> memref<1x128xi32, #tpu.memory_space<vmem>>
    %dma_wait3A_303 = tpu.memref_squeeze %dma_wait3A_302 : memref<1x128xi32, #tpu.memory_space<vmem>> -> memref<128xi32, #tpu.memory_space<vmem>>
    %dma_wait3A_304 = tpu.memref_slice %arg3[%mul3A_2] : memref<327680xi32, #tpu.memory_space<hbm>> -> memref<128xi32, #tpu.memory_space<hbm>>
    %dma_wait3A_305 = tpu.memref_slice %arg11[%dma_wait3A_300] : memref<4x!tpu.dma_semaphore, #tpu.memory_space<semaphore_mem>> -> memref<1x!tpu.dma_semaphore, #tpu.memory_space<semaphore_mem>>
    %dma_wait3A_306 = tpu.memref_squeeze %dma_wait3A_305 : memref<1x!tpu.dma_semaphore, #tpu.memory_space<semaphore_mem>> -> memref<!tpu.dma_semaphore, #tpu.memory_space<semaphore_mem>>
    %dma_wait3A_307 = arith.constant 0 : i32
    %dma_wait3A_308 = tpu.memref_slice %arg8[%dma_wait3A_299, %dma_wait3A_307] : memref<4x128xi32, #tpu.memory_space<vmem>> -> memref<1x128xi32, #tpu.memory_space<vmem>>
    %dma_wait3A_309 = tpu.memref_squeeze %dma_wait3A_308 : memref<1x128xi32, #tpu.memory_space<vmem>> -> memref<128xi32, #tpu.memory_space<vmem>>
    %dma_wait3A_310 = tpu.memref_slice %arg3[%mul3A_2] : memref<327680xi32, #tpu.memory_space<hbm>> -> memref<128xi32, #tpu.memory_space<hbm>>
    tpu.wait_dma2 semaphore(%dma_wait3A_306 : memref<!tpu.dma_semaphore, #tpu.memory_space<semaphore_mem>>) src(%dma_wait3A_310 : memref<128xi32, #tpu.memory_space<hbm>>) dst(%dma_wait3A_309 : memref<128xi32, #tpu.memory_space<vmem>>)
    %dma_wait3A_311 = arith.constant 0 : i32
    %dma_wait3A_312 = arith.constant 0 : i32
    %dma_wait3A_313 = arith.constant 0 : i32
    %dma_wait3A_314 = tpu.memref_slice %arg9[%dma_wait3A_311, %dma_wait3A_313] : memref<4x128xi32, #tpu.memory_space<vmem>> -> memref<1x128xi32, #tpu.memory_space<vmem>>
    %dma_wait3A_315 = tpu.memref_squeeze %dma_wait3A_314 : memref<1x128xi32, #tpu.memory_space<vmem>> -> memref<128xi32, #tpu.memory_space<vmem>>
    %dma_wait3A_316 = tpu.memref_slice %arg4[%mul3A_2] : memref<163840xi32, #tpu.memory_space<hbm>> -> memref<128xi32, #tpu.memory_space<hbm>>
    %dma_wait3A_317 = tpu.memref_slice %arg11[%dma_wait3A_312] : memref<4x!tpu.dma_semaphore, #tpu.memory_space<semaphore_mem>> -> memref<1x!tpu.dma_semaphore, #tpu.memory_space<semaphore_mem>>
    %dma_wait3A_318 = tpu.memref_squeeze %dma_wait3A_317 : memref<1x!tpu.dma_semaphore, #tpu.memory_space<semaphore_mem>> -> memref<!tpu.dma_semaphore, #tpu.memory_space<semaphore_mem>>
    %dma_wait3A_319 = arith.constant 0 : i32
    %dma_wait3A_320 = tpu.memref_slice %arg9[%dma_wait3A_311, %dma_wait3A_319] : memref<4x128xi32, #tpu.memory_space<vmem>> -> memref<1x128xi32, #tpu.memory_space<vmem>>
    %dma_wait3A_321 = tpu.memref_squeeze %dma_wait3A_320 : memref<1x128xi32, #tpu.memory_space<vmem>> -> memref<128xi32, #tpu.memory_space<vmem>>
    %dma_wait3A_322 = tpu.memref_slice %arg4[%mul3A_2] : memref<163840xi32, #tpu.memory_space<hbm>> -> memref<128xi32, #tpu.memory_space<hbm>>
    tpu.wait_dma2 semaphore(%dma_wait3A_318 : memref<!tpu.dma_semaphore, #tpu.memory_space<semaphore_mem>>) src(%dma_wait3A_322 : memref<128xi32, #tpu.memory_space<hbm>>) dst(%dma_wait3A_321 : memref<128xi32, #tpu.memory_space<vmem>>)
    %dma_wait3A_323 = arith.constant 1 : i32
    %dma_wait3A_324 = arith.constant 1 : i32
    %dma_wait3A_325 = arith.constant 0 : i32
    %dma_wait3A_326 = tpu.memref_slice %arg8[%dma_wait3A_323, %dma_wait3A_325] : memref<4x128xi32, #tpu.memory_space<vmem>> -> memref<1x128xi32, #tpu.memory_space<vmem>>
    %dma_wait3A_327 = tpu.memref_squeeze %dma_wait3A_326 : memref<1x128xi32, #tpu.memory_space<vmem>> -> memref<128xi32, #tpu.memory_space<vmem>>
    %dma_wait3A_328 = tpu.memref_slice %arg3[%mul3A_2] : memref<327680xi32, #tpu.memory_space<hbm>> -> memref<128xi32, #tpu.memory_space<hbm>>
    %dma_wait3A_329 = tpu.memref_slice %arg11[%dma_wait3A_324] : memref<4x!tpu.dma_semaphore, #tpu.memory_space<semaphore_mem>> -> memref<1x!tpu.dma_semaphore, #tpu.memory_space<semaphore_mem>>
    %dma_wait3A_330 = tpu.memref_squeeze %dma_wait3A_329 : memref<1x!tpu.dma_semaphore, #tpu.memory_space<semaphore_mem>> -> memref<!tpu.dma_semaphore, #tpu.memory_space<semaphore_mem>>
    %dma_wait3A_331 = arith.constant 0 : i32
    %dma_wait3A_332 = tpu.memref_slice %arg8[%dma_wait3A_323, %dma_wait3A_331] : memref<4x128xi32, #tpu.memory_space<vmem>> -> memref<1x128xi32, #tpu.memory_space<vmem>>
    %dma_wait3A_333 = tpu.memref_squeeze %dma_wait3A_332 : memref<1x128xi32, #tpu.memory_space<vmem>> -> memref<128xi32, #tpu.memory_space<vmem>>
    %dma_wait3A_334 = tpu.memref_slice %arg3[%mul3A_2] : memref<327680xi32, #tpu.memory_space<hbm>> -> memref<128xi32, #tpu.memory_space<hbm>>
    tpu.wait_dma2 semaphore(%dma_wait3A_330 : memref<!tpu.dma_semaphore, #tpu.memory_space<semaphore_mem>>) src(%dma_wait3A_334 : memref<128xi32, #tpu.memory_space<hbm>>) dst(%dma_wait3A_333 : memref<128xi32, #tpu.memory_space<vmem>>)
    %dma_wait3A_335 = arith.constant 1 : i32
    %dma_wait3A_336 = arith.constant 1 : i32
    %dma_wait3A_337 = arith.constant 0 : i32
    %dma_wait3A_338 = tpu.memref_slice %arg9[%dma_wait3A_335, %dma_wait3A_337] : memref<4x128xi32, #tpu.memory_space<vmem>> -> memref<1x128xi32, #tpu.memory_space<vmem>>
    %dma_wait3A_339 = tpu.memref_squeeze %dma_wait3A_338 : memref<1x128xi32, #tpu.memory_space<vmem>> -> memref<128xi32, #tpu.memory_space<vmem>>
    %dma_wait3A_340 = tpu.memref_slice %arg4[%mul3A_2] : memref<163840xi32, #tpu.memory_space<hbm>> -> memref<128xi32, #tpu.memory_space<hbm>>
    %dma_wait3A_341 = tpu.memref_slice %arg11[%dma_wait3A_336] : memref<4x!tpu.dma_semaphore, #tpu.memory_space<semaphore_mem>> -> memref<1x!tpu.dma_semaphore, #tpu.memory_space<semaphore_mem>>
    %dma_wait3A_342 = tpu.memref_squeeze %dma_wait3A_341 : memref<1x!tpu.dma_semaphore, #tpu.memory_space<semaphore_mem>> -> memref<!tpu.dma_semaphore, #tpu.memory_space<semaphore_mem>>
    %dma_wait3A_343 = arith.constant 0 : i32
    %dma_wait3A_344 = tpu.memref_slice %arg9[%dma_wait3A_335, %dma_wait3A_343] : memref<4x128xi32, #tpu.memory_space<vmem>> -> memref<1x128xi32, #tpu.memory_space<vmem>>
    %dma_wait3A_345 = tpu.memref_squeeze %dma_wait3A_344 : memref<1x128xi32, #tpu.memory_space<vmem>> -> memref<128xi32, #tpu.memory_space<vmem>>
    %dma_wait3A_346 = tpu.memref_slice %arg4[%mul3A_2] : memref<163840xi32, #tpu.memory_space<hbm>> -> memref<128xi32, #tpu.memory_space<hbm>>
    tpu.wait_dma2 semaphore(%dma_wait3A_342 : memref<!tpu.dma_semaphore, #tpu.memory_space<semaphore_mem>>) src(%dma_wait3A_346 : memref<128xi32, #tpu.memory_space<hbm>>) dst(%dma_wait3A_345 : memref<128xi32, #tpu.memory_space<vmem>>)
    %barrier3A_347 = arith.constant 0 : index
    tpu.barrier barrier_id(%barrier3A_347)
    %lt3A = arith.constant 15 : i32
    %lt3A_348 = arith.cmpi slt, %arg1, %lt3A : i32
    %convert_element_type3A = arith.extui %lt3A_348 : i1 to i32
    %cond3A = arith.constant 0 : i32
    %cond3A_349 = arith.cmpi ne, %convert_element_type3A, %cond3A : i32
    scf.if %cond3A_349 {
      %mul3A_354 = arith.constant 128 : i32
      %mul3A_355 = arith.muli %arg0, %mul3A_354 : i32
      %multiple_of3A = tpu.assume_multiple %mul3A_355, 128 : i32
      "tpu.region"() ({
        %run_scoped3A = tpu.sem_alloc : memref<!tpu.dma_semaphore, #tpu.memory_space<semaphore_mem>>
        %dma_start3A_356 = tpu.memref_slice %arg6[%mul3A_0, %multiple_of3A] : memref<10000x256xf32, #tpu.memory_space<hbm>> -> memref<632x128xf32, #tpu.memory_space<hbm>>
        %dma_start3A_357 = arith.constant 0 : i32
        %dma_start3A_358 = tpu.memref_slice %arg7[%mul3A_0, %dma_start3A_357] : memref<10112x128xf32, #tpu.memory_space<vmem_shared>> -> memref<632x128xf32, #tpu.memory_space<vmem_shared>>
        tpu.enqueue_dma source(%dma_start3A_358 : memref<632x128xf32, #tpu.memory_space<vmem_shared>>) target(%dma_start3A_356 : memref<632x128xf32, #tpu.memory_space<hbm>>) target_semaphore(%run_scoped3A : memref<!tpu.dma_semaphore, #tpu.memory_space<semaphore_mem>>)
        %dma_wait3A_359 = tpu.memref_slice %arg6[%mul3A_0, %multiple_of3A] : memref<10000x256xf32, #tpu.memory_space<hbm>> -> memref<632x128xf32, #tpu.memory_space<hbm>>
        %dma_wait3A_360 = arith.constant 0 : i32
        %dma_wait3A_361 = tpu.memref_slice %arg7[%mul3A_0, %dma_wait3A_360] : memref<10112x128xf32, #tpu.memory_space<vmem_shared>> -> memref<632x128xf32, #tpu.memory_space<vmem_shared>>
        tpu.wait_dma2 semaphore(%run_scoped3A : memref<!tpu.dma_semaphore, #tpu.memory_space<semaphore_mem>>) src(%dma_wait3A_361 : memref<632x128xf32, #tpu.memory_space<vmem_shared>>) dst(%dma_wait3A_359 : memref<632x128xf32, #tpu.memory_space<hbm>>)
        tpu.yield
      }) : () -> ()
    } else {
    }
    %eq3A = arith.constant 15 : i32
    %eq3A_350 = arith.cmpi eq, %arg1, %eq3A : i32
    %convert_element_type3A_351 = arith.extui %eq3A_350 : i1 to i32
    %cond3A_352 = arith.constant 0 : i32
    %cond3A_353 = arith.cmpi ne, %convert_element_type3A_351, %cond3A_352 : i32
    scf.if %cond3A_353 {
      %mul3A_354 = arith.constant 128 : i32
      %mul3A_355 = arith.muli %arg0, %mul3A_354 : i32
      %multiple_of3A = tpu.assume_multiple %mul3A_355, 128 : i32
      "tpu.region"() ({
        %run_scoped3A = tpu.sem_alloc : memref<!tpu.dma_semaphore, #tpu.memory_space<semaphore_mem>>
        %dma_start3A_356 = tpu.memref_slice %arg6[%mul3A_0, %multiple_of3A] : memref<10000x256xf32, #tpu.memory_space<hbm>> -> memref<520x128xf32, #tpu.memory_space<hbm>>
        %dma_start3A_357 = arith.constant 0 : i32
        %dma_start3A_358 = tpu.memref_slice %arg7[%mul3A_0, %dma_start3A_357] : memref<10112x128xf32, #tpu.memory_space<vmem_shared>> -> memref<520x128xf32, #tpu.memory_space<vmem_shared>>
        tpu.enqueue_dma source(%dma_start3A_358 : memref<520x128xf32, #tpu.memory_space<vmem_shared>>) target(%dma_start3A_356 : memref<520x128xf32, #tpu.memory_space<hbm>>) target_semaphore(%run_scoped3A : memref<!tpu.dma_semaphore, #tpu.memory_space<semaphore_mem>>)
        %dma_wait3A_359 = tpu.memref_slice %arg6[%mul3A_0, %multiple_of3A] : memref<10000x256xf32, #tpu.memory_space<hbm>> -> memref<520x128xf32, #tpu.memory_space<hbm>>
        %dma_wait3A_360 = arith.constant 0 : i32
        %dma_wait3A_361 = tpu.memref_slice %arg7[%mul3A_0, %dma_wait3A_360] : memref<10112x128xf32, #tpu.memory_space<vmem_shared>> -> memref<520x128xf32, #tpu.memory_space<vmem_shared>>
        tpu.wait_dma2 semaphore(%run_scoped3A : memref<!tpu.dma_semaphore, #tpu.memory_space<semaphore_mem>>) src(%dma_wait3A_361 : memref<520x128xf32, #tpu.memory_space<vmem_shared>>) dst(%dma_wait3A_359 : memref<520x128xf32, #tpu.memory_space<hbm>>)
        tpu.yield
      }) : () -> ()
    } else {
    }
    return
  }
}

#map = affine_map<(d0, d1) -> (0, 0)>
#map1 = affine_map<(d0, d1) -> (0)>
module attributes {stable_mosaic.version = 14 : i64} {
  func.func @k(%arg0: i32, %arg1: i32, %arg2: memref<80000x128xf32, #tpu.memory_space<hbm>>, %arg3: memref<327680xi32, #tpu.memory_space<hbm>>, %arg4: memref<163840xi32, #tpu.memory_space<hbm>>, %arg5: memref<1264x128xf32, #tpu.memory_space<hbm>>, %arg6: memref<10000x256xf32, #tpu.memory_space<hbm>>, %arg7: memref<10112x128xf32, #tpu.memory_space<vmem_shared>>, %arg8: memref<4x128xi32, #tpu.memory_space<vmem>>, %arg9: memref<4x128xi32, #tpu.memory_space<vmem>>, %arg10: memref<2x128x128xf32, #tpu.memory_space<vmem>>, %arg11: memref<4x!tpu.dma_semaphore, #tpu.memory_space<semaphore_mem>>, %arg12: memref<2x!tpu.dma_semaphore, #tpu.memory_space<semaphore_mem>>, %arg13: memref<2x!tpu.dma_semaphore, #tpu.memory_space<semaphore_mem>>) attributes {dimension_semantics = [#tpu.dimension_semantics<core_parallel>, #tpu.dimension_semantics<subcore_parallel>], iteration_bounds = array<i64: 2, 16>, scalar_prefetch = 0 : i64, scratch_operands = 7 : i64, tpu.core_type = #tpu.core_type<sc_vector_subcore>, window_params = [{transform_indices = #map}, {transform_indices = #map1}, {transform_indices = #map1}, {transform_indices = #map}, {transform_indices = #map}]} {
    %mul3A = arith.constant 632 : i32
    %mul3A_0 = arith.muli %arg1, %mul3A : i32
    %mul3A_1 = arith.constant 10240 : i32
    %mul3A_2 = arith.muli %arg1, %mul3A_1 : i32
    %mul3A_3 = arith.constant 632 : i32
    %mul3A_4 = arith.muli %arg0, %mul3A_3 : i32
    "tpu.region"() ({
      %run_scoped3A = tpu.sem_alloc : memref<!tpu.dma_semaphore, #tpu.memory_space<semaphore_mem>>
      %dma_start3A_354 = arith.constant 0 : i32
      %dma_start3A_355 = tpu.memref_slice %arg7[%mul3A_0, %dma_start3A_354] : memref<10112x128xf32, #tpu.memory_space<vmem_shared>> -> memref<632x128xf32, #tpu.memory_space<vmem_shared>>
      %dma_start3A_356 = arith.constant 0 : i32
      %dma_start3A_357 = tpu.memref_slice %arg5[%mul3A_4, %dma_start3A_356] : memref<1264x128xf32, #tpu.memory_space<hbm>> -> memref<632x128xf32, #tpu.memory_space<hbm>>
      tpu.enqueue_dma source(%dma_start3A_357 : memref<632x128xf32, #tpu.memory_space<hbm>>) target(%dma_start3A_355 : memref<632x128xf32, #tpu.memory_space<vmem_shared>>) target_semaphore(%run_scoped3A : memref<!tpu.dma_semaphore, #tpu.memory_space<semaphore_mem>>)
      %dma_wait3A_358 = arith.constant 0 : i32
      %dma_wait3A_359 = tpu.memref_slice %arg7[%mul3A_0, %dma_wait3A_358] : memref<10112x128xf32, #tpu.memory_space<vmem_shared>> -> memref<632x128xf32, #tpu.memory_space<vmem_shared>>
      %dma_wait3A_360 = arith.constant 0 : i32
      %dma_wait3A_361 = tpu.memref_slice %arg5[%mul3A_4, %dma_wait3A_360] : memref<1264x128xf32, #tpu.memory_space<hbm>> -> memref<632x128xf32, #tpu.memory_space<hbm>>
      tpu.wait_dma2 semaphore(%run_scoped3A : memref<!tpu.dma_semaphore, #tpu.memory_space<semaphore_mem>>) src(%dma_wait3A_361 : memref<632x128xf32, #tpu.memory_space<hbm>>) dst(%dma_wait3A_359 : memref<632x128xf32, #tpu.memory_space<vmem_shared>>)
      tpu.yield
    }) : () -> ()
    %barrier3A = arith.constant 0 : index
    tpu.barrier barrier_id(%barrier3A)
    %mul3A_5 = arith.constant 163840 : i32
    %mul3A_6 = arith.muli %arg0, %mul3A_5 : i32
    %add3A = arith.addi %mul3A_6, %mul3A_2 : i32
    %add3A_7 = arith.constant 0 : i32
    %add3A_8 = arith.addi %add3A, %add3A_7 : i32
    %dma_start3A = arith.constant 0 : i32
    %dma_start3A_9 = arith.constant 0 : i32
    %dma_start3A_10 = arith.constant 0 : i32
    %dma_start3A_11 = tpu.memref_slice %arg8[%dma_start3A, %dma_start3A_10] : memref<4x128xi32, #tpu.memory_space<vmem>> -> memref<1x128xi32, #tpu.memory_space<vmem>>
    %dma_start3A_12 = tpu.memref_squeeze %dma_start3A_11 : memref<1x128xi32, #tpu.memory_space<vmem>> -> memref<128xi32, #tpu.memory_space<vmem>>
    %dma_start3A_13 = tpu.memref_slice %arg3[%add3A_8] : memref<327680xi32, #tpu.memory_space<hbm>> -> memref<128xi32, #tpu.memory_space<hbm>>
    %dma_start3A_14 = tpu.memref_slice %arg11[%dma_start3A_9] : memref<4x!tpu.dma_semaphore, #tpu.memory_space<semaphore_mem>> -> memref<1x!tpu.dma_semaphore, #tpu.memory_space<semaphore_mem>>
    %dma_start3A_15 = tpu.memref_squeeze %dma_start3A_14 : memref<1x!tpu.dma_semaphore, #tpu.memory_space<semaphore_mem>> -> memref<!tpu.dma_semaphore, #tpu.memory_space<semaphore_mem>>
    %dma_start3A_16 = arith.constant 0 : i32
    %dma_start3A_17 = tpu.memref_slice %arg8[%dma_start3A, %dma_start3A_16] : memref<4x128xi32, #tpu.memory_space<vmem>> -> memref<1x128xi32, #tpu.memory_space<vmem>>
    %dma_start3A_18 = tpu.memref_squeeze %dma_start3A_17 : memref<1x128xi32, #tpu.memory_space<vmem>> -> memref<128xi32, #tpu.memory_space<vmem>>
    %dma_start3A_19 = tpu.memref_slice %arg3[%add3A_8] : memref<327680xi32, #tpu.memory_space<hbm>> -> memref<128xi32, #tpu.memory_space<hbm>>
    tpu.enqueue_dma source(%dma_start3A_19 : memref<128xi32, #tpu.memory_space<hbm>>) target(%dma_start3A_18 : memref<128xi32, #tpu.memory_space<vmem>>) target_semaphore(%dma_start3A_15 : memref<!tpu.dma_semaphore, #tpu.memory_space<semaphore_mem>>)
    %add3A_20 = arith.constant 0 : i32
    %add3A_21 = arith.addi %mul3A_2, %add3A_20 : i32
    %dma_start3A_22 = arith.constant 0 : i32
    %dma_start3A_23 = arith.constant 0 : i32
    %dma_start3A_24 = arith.constant 0 : i32
    %dma_start3A_25 = tpu.memref_slice %arg9[%dma_start3A_22, %dma_start3A_24] : memref<4x128xi32, #tpu.memory_space<vmem>> -> memref<1x128xi32, #tpu.memory_space<vmem>>
    %dma_start3A_26 = tpu.memref_squeeze %dma_start3A_25 : memref<1x128xi32, #tpu.memory_space<vmem>> -> memref<128xi32, #tpu.memory_space<vmem>>
    %dma_start3A_27 = tpu.memref_slice %arg4[%add3A_21] : memref<163840xi32, #tpu.memory_space<hbm>> -> memref<128xi32, #tpu.memory_space<hbm>>
    %dma_start3A_28 = tpu.memref_slice %arg11[%dma_start3A_23] : memref<4x!tpu.dma_semaphore, #tpu.memory_space<semaphore_mem>> -> memref<1x!tpu.dma_semaphore, #tpu.memory_space<semaphore_mem>>
    %dma_start3A_29 = tpu.memref_squeeze %dma_start3A_28 : memref<1x!tpu.dma_semaphore, #tpu.memory_space<semaphore_mem>> -> memref<!tpu.dma_semaphore, #tpu.memory_space<semaphore_mem>>
    %dma_start3A_30 = arith.constant 0 : i32
    %dma_start3A_31 = tpu.memref_slice %arg9[%dma_start3A_22, %dma_start3A_30] : memref<4x128xi32, #tpu.memory_space<vmem>> -> memref<1x128xi32, #tpu.memory_space<vmem>>
    %dma_start3A_32 = tpu.memref_squeeze %dma_start3A_31 : memref<1x128xi32, #tpu.memory_space<vmem>> -> memref<128xi32, #tpu.memory_space<vmem>>
    %dma_start3A_33 = tpu.memref_slice %arg4[%add3A_21] : memref<163840xi32, #tpu.memory_space<hbm>> -> memref<128xi32, #tpu.memory_space<hbm>>
    tpu.enqueue_dma source(%dma_start3A_33 : memref<128xi32, #tpu.memory_space<hbm>>) target(%dma_start3A_32 : memref<128xi32, #tpu.memory_space<vmem>>) target_semaphore(%dma_start3A_29 : memref<!tpu.dma_semaphore, #tpu.memory_space<semaphore_mem>>)
    %mul3A_34 = arith.constant 163840 : i32
    %mul3A_35 = arith.muli %arg0, %mul3A_34 : i32
    %add3A_36 = arith.addi %mul3A_35, %mul3A_2 : i32
    %add3A_37 = arith.constant 128 : i32
    %add3A_38 = arith.addi %add3A_36, %add3A_37 : i32
    %dma_start3A_39 = arith.constant 1 : i32
    %dma_start3A_40 = arith.constant 1 : i32
    %dma_start3A_41 = arith.constant 0 : i32
    %dma_start3A_42 = tpu.memref_slice %arg8[%dma_start3A_39, %dma_start3A_41] : memref<4x128xi32, #tpu.memory_space<vmem>> -> memref<1x128xi32, #tpu.memory_space<vmem>>
    %dma_start3A_43 = tpu.memref_squeeze %dma_start3A_42 : memref<1x128xi32, #tpu.memory_space<vmem>> -> memref<128xi32, #tpu.memory_space<vmem>>
    %dma_start3A_44 = tpu.memref_slice %arg3[%add3A_38] : memref<327680xi32, #tpu.memory_space<hbm>> -> memref<128xi32, #tpu.memory_space<hbm>>
    %dma_start3A_45 = tpu.memref_slice %arg11[%dma_start3A_40] : memref<4x!tpu.dma_semaphore, #tpu.memory_space<semaphore_mem>> -> memref<1x!tpu.dma_semaphore, #tpu.memory_space<semaphore_mem>>
    %dma_start3A_46 = tpu.memref_squeeze %dma_start3A_45 : memref<1x!tpu.dma_semaphore, #tpu.memory_space<semaphore_mem>> -> memref<!tpu.dma_semaphore, #tpu.memory_space<semaphore_mem>>
    %dma_start3A_47 = arith.constant 0 : i32
    %dma_start3A_48 = tpu.memref_slice %arg8[%dma_start3A_39, %dma_start3A_47] : memref<4x128xi32, #tpu.memory_space<vmem>> -> memref<1x128xi32, #tpu.memory_space<vmem>>
    %dma_start3A_49 = tpu.memref_squeeze %dma_start3A_48 : memref<1x128xi32, #tpu.memory_space<vmem>> -> memref<128xi32, #tpu.memory_space<vmem>>
    %dma_start3A_50 = tpu.memref_slice %arg3[%add3A_38] : memref<327680xi32, #tpu.memory_space<hbm>> -> memref<128xi32, #tpu.memory_space<hbm>>
    tpu.enqueue_dma source(%dma_start3A_50 : memref<128xi32, #tpu.memory_space<hbm>>) target(%dma_start3A_49 : memref<128xi32, #tpu.memory_space<vmem>>) target_semaphore(%dma_start3A_46 : memref<!tpu.dma_semaphore, #tpu.memory_space<semaphore_mem>>)
    %add3A_51 = arith.constant 128 : i32
    %add3A_52 = arith.addi %mul3A_2, %add3A_51 : i32
    %dma_start3A_53 = arith.constant 1 : i32
    %dma_start3A_54 = arith.constant 1 : i32
    %dma_start3A_55 = arith.constant 0 : i32
    %dma_start3A_56 = tpu.memref_slice %arg9[%dma_start3A_53, %dma_start3A_55] : memref<4x128xi32, #tpu.memory_space<vmem>> -> memref<1x128xi32, #tpu.memory_space<vmem>>
    %dma_start3A_57 = tpu.memref_squeeze %dma_start3A_56 : memref<1x128xi32, #tpu.memory_space<vmem>> -> memref<128xi32, #tpu.memory_space<vmem>>
    %dma_start3A_58 = tpu.memref_slice %arg4[%add3A_52] : memref<163840xi32, #tpu.memory_space<hbm>> -> memref<128xi32, #tpu.memory_space<hbm>>
    %dma_start3A_59 = tpu.memref_slice %arg11[%dma_start3A_54] : memref<4x!tpu.dma_semaphore, #tpu.memory_space<semaphore_mem>> -> memref<1x!tpu.dma_semaphore, #tpu.memory_space<semaphore_mem>>
    %dma_start3A_60 = tpu.memref_squeeze %dma_start3A_59 : memref<1x!tpu.dma_semaphore, #tpu.memory_space<semaphore_mem>> -> memref<!tpu.dma_semaphore, #tpu.memory_space<semaphore_mem>>
    %dma_start3A_61 = arith.constant 0 : i32
    %dma_start3A_62 = tpu.memref_slice %arg9[%dma_start3A_53, %dma_start3A_61] : memref<4x128xi32, #tpu.memory_space<vmem>> -> memref<1x128xi32, #tpu.memory_space<vmem>>
    %dma_start3A_63 = tpu.memref_squeeze %dma_start3A_62 : memref<1x128xi32, #tpu.memory_space<vmem>> -> memref<128xi32, #tpu.memory_space<vmem>>
    %dma_start3A_64 = tpu.memref_slice %arg4[%add3A_52] : memref<163840xi32, #tpu.memory_space<hbm>> -> memref<128xi32, #tpu.memory_space<hbm>>
    tpu.enqueue_dma source(%dma_start3A_64 : memref<128xi32, #tpu.memory_space<hbm>>) target(%dma_start3A_63 : memref<128xi32, #tpu.memory_space<vmem>>) target_semaphore(%dma_start3A_60 : memref<!tpu.dma_semaphore, #tpu.memory_space<semaphore_mem>>)
    %mul3A_65 = arith.constant 163840 : i32
    %mul3A_66 = arith.muli %arg0, %mul3A_65 : i32
    %add3A_67 = arith.addi %mul3A_66, %mul3A_2 : i32
    %add3A_68 = arith.constant 256 : i32
    %add3A_69 = arith.addi %add3A_67, %add3A_68 : i32
    %dma_start3A_70 = arith.constant 2 : i32
    %dma_start3A_71 = arith.constant 2 : i32
    %dma_start3A_72 = arith.constant 0 : i32
    %dma_start3A_73 = tpu.memref_slice %arg8[%dma_start3A_70, %dma_start3A_72] : memref<4x128xi32, #tpu.memory_space<vmem>> -> memref<1x128xi32, #tpu.memory_space<vmem>>
    %dma_start3A_74 = tpu.memref_squeeze %dma_start3A_73 : memref<1x128xi32, #tpu.memory_space<vmem>> -> memref<128xi32, #tpu.memory_space<vmem>>
    %dma_start3A_75 = tpu.memref_slice %arg3[%add3A_69] : memref<327680xi32, #tpu.memory_space<hbm>> -> memref<128xi32, #tpu.memory_space<hbm>>
    %dma_start3A_76 = tpu.memref_slice %arg11[%dma_start3A_71] : memref<4x!tpu.dma_semaphore, #tpu.memory_space<semaphore_mem>> -> memref<1x!tpu.dma_semaphore, #tpu.memory_space<semaphore_mem>>
    %dma_start3A_77 = tpu.memref_squeeze %dma_start3A_76 : memref<1x!tpu.dma_semaphore, #tpu.memory_space<semaphore_mem>> -> memref<!tpu.dma_semaphore, #tpu.memory_space<semaphore_mem>>
    %dma_start3A_78 = arith.constant 0 : i32
    %dma_start3A_79 = tpu.memref_slice %arg8[%dma_start3A_70, %dma_start3A_78] : memref<4x128xi32, #tpu.memory_space<vmem>> -> memref<1x128xi32, #tpu.memory_space<vmem>>
    %dma_start3A_80 = tpu.memref_squeeze %dma_start3A_79 : memref<1x128xi32, #tpu.memory_space<vmem>> -> memref<128xi32, #tpu.memory_space<vmem>>
    %dma_start3A_81 = tpu.memref_slice %arg3[%add3A_69] : memref<327680xi32, #tpu.memory_space<hbm>> -> memref<128xi32, #tpu.memory_space<hbm>>
    tpu.enqueue_dma source(%dma_start3A_81 : memref<128xi32, #tpu.memory_space<hbm>>) target(%dma_start3A_80 : memref<128xi32, #tpu.memory_space<vmem>>) target_semaphore(%dma_start3A_77 : memref<!tpu.dma_semaphore, #tpu.memory_space<semaphore_mem>>)
    %add3A_82 = arith.constant 256 : i32
    %add3A_83 = arith.addi %mul3A_2, %add3A_82 : i32
    %dma_start3A_84 = arith.constant 2 : i32
    %dma_start3A_85 = arith.constant 2 : i32
    %dma_start3A_86 = arith.constant 0 : i32
    %dma_start3A_87 = tpu.memref_slice %arg9[%dma_start3A_84, %dma_start3A_86] : memref<4x128xi32, #tpu.memory_space<vmem>> -> memref<1x128xi32, #tpu.memory_space<vmem>>
    %dma_start3A_88 = tpu.memref_squeeze %dma_start3A_87 : memref<1x128xi32, #tpu.memory_space<vmem>> -> memref<128xi32, #tpu.memory_space<vmem>>
    %dma_start3A_89 = tpu.memref_slice %arg4[%add3A_83] : memref<163840xi32, #tpu.memory_space<hbm>> -> memref<128xi32, #tpu.memory_space<hbm>>
    %dma_start3A_90 = tpu.memref_slice %arg11[%dma_start3A_85] : memref<4x!tpu.dma_semaphore, #tpu.memory_space<semaphore_mem>> -> memref<1x!tpu.dma_semaphore, #tpu.memory_space<semaphore_mem>>
    %dma_start3A_91 = tpu.memref_squeeze %dma_start3A_90 : memref<1x!tpu.dma_semaphore, #tpu.memory_space<semaphore_mem>> -> memref<!tpu.dma_semaphore, #tpu.memory_space<semaphore_mem>>
    %dma_start3A_92 = arith.constant 0 : i32
    %dma_start3A_93 = tpu.memref_slice %arg9[%dma_start3A_84, %dma_start3A_92] : memref<4x128xi32, #tpu.memory_space<vmem>> -> memref<1x128xi32, #tpu.memory_space<vmem>>
    %dma_start3A_94 = tpu.memref_squeeze %dma_start3A_93 : memref<1x128xi32, #tpu.memory_space<vmem>> -> memref<128xi32, #tpu.memory_space<vmem>>
    %dma_start3A_95 = tpu.memref_slice %arg4[%add3A_83] : memref<163840xi32, #tpu.memory_space<hbm>> -> memref<128xi32, #tpu.memory_space<hbm>>
    tpu.enqueue_dma source(%dma_start3A_95 : memref<128xi32, #tpu.memory_space<hbm>>) target(%dma_start3A_94 : memref<128xi32, #tpu.memory_space<vmem>>) target_semaphore(%dma_start3A_91 : memref<!tpu.dma_semaphore, #tpu.memory_space<semaphore_mem>>)
    %mul3A_96 = arith.constant 163840 : i32
    %mul3A_97 = arith.muli %arg0, %mul3A_96 : i32
    %add3A_98 = arith.addi %mul3A_97, %mul3A_2 : i32
    %add3A_99 = arith.constant 384 : i32
    %add3A_100 = arith.addi %add3A_98, %add3A_99 : i32
    %dma_start3A_101 = arith.constant 3 : i32
    %dma_start3A_102 = arith.constant 3 : i32
    %dma_start3A_103 = arith.constant 0 : i32
    %dma_start3A_104 = tpu.memref_slice %arg8[%dma_start3A_101, %dma_start3A_103] : memref<4x128xi32, #tpu.memory_space<vmem>> -> memref<1x128xi32, #tpu.memory_space<vmem>>
    %dma_start3A_105 = tpu.memref_squeeze %dma_start3A_104 : memref<1x128xi32, #tpu.memory_space<vmem>> -> memref<128xi32, #tpu.memory_space<vmem>>
    %dma_start3A_106 = tpu.memref_slice %arg3[%add3A_100] : memref<327680xi32, #tpu.memory_space<hbm>> -> memref<128xi32, #tpu.memory_space<hbm>>
    %dma_start3A_107 = tpu.memref_slice %arg11[%dma_start3A_102] : memref<4x!tpu.dma_semaphore, #tpu.memory_space<semaphore_mem>> -> memref<1x!tpu.dma_semaphore, #tpu.memory_space<semaphore_mem>>
    %dma_start3A_108 = tpu.memref_squeeze %dma_start3A_107 : memref<1x!tpu.dma_semaphore, #tpu.memory_space<semaphore_mem>> -> memref<!tpu.dma_semaphore, #tpu.memory_space<semaphore_mem>>
    %dma_start3A_109 = arith.constant 0 : i32
    %dma_start3A_110 = tpu.memref_slice %arg8[%dma_start3A_101, %dma_start3A_109] : memref<4x128xi32, #tpu.memory_space<vmem>> -> memref<1x128xi32, #tpu.memory_space<vmem>>
    %dma_start3A_111 = tpu.memref_squeeze %dma_start3A_110 : memref<1x128xi32, #tpu.memory_space<vmem>> -> memref<128xi32, #tpu.memory_space<vmem>>
    %dma_start3A_112 = tpu.memref_slice %arg3[%add3A_100] : memref<327680xi32, #tpu.memory_space<hbm>> -> memref<128xi32, #tpu.memory_space<hbm>>
    tpu.enqueue_dma source(%dma_start3A_112 : memref<128xi32, #tpu.memory_space<hbm>>) target(%dma_start3A_111 : memref<128xi32, #tpu.memory_space<vmem>>) target_semaphore(%dma_start3A_108 : memref<!tpu.dma_semaphore, #tpu.memory_space<semaphore_mem>>)
    %add3A_113 = arith.constant 384 : i32
    %add3A_114 = arith.addi %mul3A_2, %add3A_113 : i32
    %dma_start3A_115 = arith.constant 3 : i32
    %dma_start3A_116 = arith.constant 3 : i32
    %dma_start3A_117 = arith.constant 0 : i32
    %dma_start3A_118 = tpu.memref_slice %arg9[%dma_start3A_115, %dma_start3A_117] : memref<4x128xi32, #tpu.memory_space<vmem>> -> memref<1x128xi32, #tpu.memory_space<vmem>>
    %dma_start3A_119 = tpu.memref_squeeze %dma_start3A_118 : memref<1x128xi32, #tpu.memory_space<vmem>> -> memref<128xi32, #tpu.memory_space<vmem>>
    %dma_start3A_120 = tpu.memref_slice %arg4[%add3A_114] : memref<163840xi32, #tpu.memory_space<hbm>> -> memref<128xi32, #tpu.memory_space<hbm>>
    %dma_start3A_121 = tpu.memref_slice %arg11[%dma_start3A_116] : memref<4x!tpu.dma_semaphore, #tpu.memory_space<semaphore_mem>> -> memref<1x!tpu.dma_semaphore, #tpu.memory_space<semaphore_mem>>
    %dma_start3A_122 = tpu.memref_squeeze %dma_start3A_121 : memref<1x!tpu.dma_semaphore, #tpu.memory_space<semaphore_mem>> -> memref<!tpu.dma_semaphore, #tpu.memory_space<semaphore_mem>>
    %dma_start3A_123 = arith.constant 0 : i32
    %dma_start3A_124 = tpu.memref_slice %arg9[%dma_start3A_115, %dma_start3A_123] : memref<4x128xi32, #tpu.memory_space<vmem>> -> memref<1x128xi32, #tpu.memory_space<vmem>>
    %dma_start3A_125 = tpu.memref_squeeze %dma_start3A_124 : memref<1x128xi32, #tpu.memory_space<vmem>> -> memref<128xi32, #tpu.memory_space<vmem>>
    %dma_start3A_126 = tpu.memref_slice %arg4[%add3A_114] : memref<163840xi32, #tpu.memory_space<hbm>> -> memref<128xi32, #tpu.memory_space<hbm>>
    tpu.enqueue_dma source(%dma_start3A_126 : memref<128xi32, #tpu.memory_space<hbm>>) target(%dma_start3A_125 : memref<128xi32, #tpu.memory_space<vmem>>) target_semaphore(%dma_start3A_122 : memref<!tpu.dma_semaphore, #tpu.memory_space<semaphore_mem>>)
    %dma_wait3A = arith.constant 0 : i32
    %dma_wait3A_127 = arith.constant 0 : i32
    %dma_wait3A_128 = arith.constant 0 : i32
    %dma_wait3A_129 = tpu.memref_slice %arg8[%dma_wait3A, %dma_wait3A_128] : memref<4x128xi32, #tpu.memory_space<vmem>> -> memref<1x128xi32, #tpu.memory_space<vmem>>
    %dma_wait3A_130 = tpu.memref_squeeze %dma_wait3A_129 : memref<1x128xi32, #tpu.memory_space<vmem>> -> memref<128xi32, #tpu.memory_space<vmem>>
    %dma_wait3A_131 = tpu.memref_slice %arg3[%mul3A_2] : memref<327680xi32, #tpu.memory_space<hbm>> -> memref<128xi32, #tpu.memory_space<hbm>>
    %dma_wait3A_132 = tpu.memref_slice %arg11[%dma_wait3A_127] : memref<4x!tpu.dma_semaphore, #tpu.memory_space<semaphore_mem>> -> memref<1x!tpu.dma_semaphore, #tpu.memory_space<semaphore_mem>>
    %dma_wait3A_133 = tpu.memref_squeeze %dma_wait3A_132 : memref<1x!tpu.dma_semaphore, #tpu.memory_space<semaphore_mem>> -> memref<!tpu.dma_semaphore, #tpu.memory_space<semaphore_mem>>
    %dma_wait3A_134 = arith.constant 0 : i32
    %dma_wait3A_135 = tpu.memref_slice %arg8[%dma_wait3A, %dma_wait3A_134] : memref<4x128xi32, #tpu.memory_space<vmem>> -> memref<1x128xi32, #tpu.memory_space<vmem>>
    %dma_wait3A_136 = tpu.memref_squeeze %dma_wait3A_135 : memref<1x128xi32, #tpu.memory_space<vmem>> -> memref<128xi32, #tpu.memory_space<vmem>>
    %dma_wait3A_137 = tpu.memref_slice %arg3[%mul3A_2] : memref<327680xi32, #tpu.memory_space<hbm>> -> memref<128xi32, #tpu.memory_space<hbm>>
    tpu.wait_dma2 semaphore(%dma_wait3A_133 : memref<!tpu.dma_semaphore, #tpu.memory_space<semaphore_mem>>) src(%dma_wait3A_137 : memref<128xi32, #tpu.memory_space<hbm>>) dst(%dma_wait3A_136 : memref<128xi32, #tpu.memory_space<vmem>>)
    %dma_wait3A_138 = arith.constant 0 : i32
    %dma_wait3A_139 = arith.constant 0 : i32
    %dma_wait3A_140 = arith.constant 0 : i32
    %dma_wait3A_141 = tpu.memref_slice %arg9[%dma_wait3A_138, %dma_wait3A_140] : memref<4x128xi32, #tpu.memory_space<vmem>> -> memref<1x128xi32, #tpu.memory_space<vmem>>
    %dma_wait3A_142 = tpu.memref_squeeze %dma_wait3A_141 : memref<1x128xi32, #tpu.memory_space<vmem>> -> memref<128xi32, #tpu.memory_space<vmem>>
    %dma_wait3A_143 = tpu.memref_slice %arg4[%mul3A_2] : memref<163840xi32, #tpu.memory_space<hbm>> -> memref<128xi32, #tpu.memory_space<hbm>>
    %dma_wait3A_144 = tpu.memref_slice %arg11[%dma_wait3A_139] : memref<4x!tpu.dma_semaphore, #tpu.memory_space<semaphore_mem>> -> memref<1x!tpu.dma_semaphore, #tpu.memory_space<semaphore_mem>>
    %dma_wait3A_145 = tpu.memref_squeeze %dma_wait3A_144 : memref<1x!tpu.dma_semaphore, #tpu.memory_space<semaphore_mem>> -> memref<!tpu.dma_semaphore, #tpu.memory_space<semaphore_mem>>
    %dma_wait3A_146 = arith.constant 0 : i32
    %dma_wait3A_147 = tpu.memref_slice %arg9[%dma_wait3A_138, %dma_wait3A_146] : memref<4x128xi32, #tpu.memory_space<vmem>> -> memref<1x128xi32, #tpu.memory_space<vmem>>
    %dma_wait3A_148 = tpu.memref_squeeze %dma_wait3A_147 : memref<1x128xi32, #tpu.memory_space<vmem>> -> memref<128xi32, #tpu.memory_space<vmem>>
    %dma_wait3A_149 = tpu.memref_slice %arg4[%mul3A_2] : memref<163840xi32, #tpu.memory_space<hbm>> -> memref<128xi32, #tpu.memory_space<hbm>>
    tpu.wait_dma2 semaphore(%dma_wait3A_145 : memref<!tpu.dma_semaphore, #tpu.memory_space<semaphore_mem>>) src(%dma_wait3A_149 : memref<128xi32, #tpu.memory_space<hbm>>) dst(%dma_wait3A_148 : memref<128xi32, #tpu.memory_space<vmem>>)
    %dma_start3A_150 = arith.constant 0 : i32
    %dma_start3A_151 = arith.constant 0 : i32
    %dma_start3A_152 = arith.constant 0 : i32
    %dma_start3A_153 = arith.constant 0 : i32
    %dma_start3A_154 = arith.constant 0 : i32
    %dma_start3A_155 = tpu.memref_slice %arg10[%dma_start3A_151, %dma_start3A_153, %dma_start3A_154] : memref<2x128x128xf32, #tpu.memory_space<vmem>> -> memref<1x128x128xf32, #tpu.memory_space<vmem>>
    %dma_start3A_156 = tpu.memref_squeeze %dma_start3A_155 : memref<1x128x128xf32, #tpu.memory_space<vmem>> -> memref<128x128xf32, #tpu.memory_space<vmem>>
    %dma_start3A_157 = arith.constant 0 : i32
    %dma_start3A_158 = tpu.memref_slice %arg8[%dma_start3A_150, %dma_start3A_157] : memref<4x128xi32, #tpu.memory_space<vmem>> -> memref<1x128xi32, #tpu.memory_space<vmem>>
    %dma_start3A_159 = tpu.memref_squeeze %dma_start3A_158 : memref<1x128xi32, #tpu.memory_space<vmem>> -> memref<128xi32, #tpu.memory_space<vmem>>
    %dma_start3A_160 = arith.constant 0 : i32
    %dma_start3A_161 = arith.constant 0 : i32
    %dma_start3A_162 = tpu.memref_slice %arg2[%dma_start3A_160, %dma_start3A_161] : memref<80000x128xf32, #tpu.memory_space<hbm>> -> memref<80000x128xf32, #tpu.memory_space<hbm>>
    %dma_start3A_163 = tpu.memref_slice %arg12[%dma_start3A_152] : memref<2x!tpu.dma_semaphore, #tpu.memory_space<semaphore_mem>> -> memref<1x!tpu.dma_semaphore, #tpu.memory_space<semaphore_mem>>
    %dma_start3A_164 = tpu.memref_squeeze %dma_start3A_163 : memref<1x!tpu.dma_semaphore, #tpu.memory_space<semaphore_mem>> -> memref<!tpu.dma_semaphore, #tpu.memory_space<semaphore_mem>>
    tpu.enqueue_indirect_dma source(%dma_start3A_162 : memref<80000x128xf32, #tpu.memory_space<hbm>>) target(%dma_start3A_156 : memref<128x128xf32, #tpu.memory_space<vmem>>) offsets(%dma_start3A_159 : memref<128xi32, #tpu.memory_space<vmem>>) semaphore(%dma_start3A_164 : memref<!tpu.dma_semaphore, #tpu.memory_space<semaphore_mem>>)
    %dma_wait3A_165 = arith.constant 1 : i32
    %dma_wait3A_166 = arith.constant 1 : i32
    %dma_wait3A_167 = arith.constant 0 : i32
    %dma_wait3A_168 = tpu.memref_slice %arg8[%dma_wait3A_165, %dma_wait3A_167] : memref<4x128xi32, #tpu.memory_space<vmem>> -> memref<1x128xi32, #tpu.memory_space<vmem>>
    %dma_wait3A_169 = tpu.memref_squeeze %dma_wait3A_168 : memref<1x128xi32, #tpu.memory_space<vmem>> -> memref<128xi32, #tpu.memory_space<vmem>>
    %dma_wait3A_170 = tpu.memref_slice %arg3[%mul3A_2] : memref<327680xi32, #tpu.memory_space<hbm>> -> memref<128xi32, #tpu.memory_space<hbm>>
    %dma_wait3A_171 = tpu.memref_slice %arg11[%dma_wait3A_166] : memref<4x!tpu.dma_semaphore, #tpu.memory_space<semaphore_mem>> -> memref<1x!tpu.dma_semaphore, #tpu.memory_space<semaphore_mem>>
    %dma_wait3A_172 = tpu.memref_squeeze %dma_wait3A_171 : memref<1x!tpu.dma_semaphore, #tpu.memory_space<semaphore_mem>> -> memref<!tpu.dma_semaphore, #tpu.memory_space<semaphore_mem>>
    %dma_wait3A_173 = arith.constant 0 : i32
    %dma_wait3A_174 = tpu.memref_slice %arg8[%dma_wait3A_165, %dma_wait3A_173] : memref<4x128xi32, #tpu.memory_space<vmem>> -> memref<1x128xi32, #tpu.memory_space<vmem>>
    %dma_wait3A_175 = tpu.memref_squeeze %dma_wait3A_174 : memref<1x128xi32, #tpu.memory_space<vmem>> -> memref<128xi32, #tpu.memory_space<vmem>>
    %dma_wait3A_176 = tpu.memref_slice %arg3[%mul3A_2] : memref<327680xi32, #tpu.memory_space<hbm>> -> memref<128xi32, #tpu.memory_space<hbm>>
    tpu.wait_dma2 semaphore(%dma_wait3A_172 : memref<!tpu.dma_semaphore, #tpu.memory_space<semaphore_mem>>) src(%dma_wait3A_176 : memref<128xi32, #tpu.memory_space<hbm>>) dst(%dma_wait3A_175 : memref<128xi32, #tpu.memory_space<vmem>>)
    %dma_wait3A_177 = arith.constant 1 : i32
    %dma_wait3A_178 = arith.constant 1 : i32
    %dma_wait3A_179 = arith.constant 0 : i32
    %dma_wait3A_180 = tpu.memref_slice %arg9[%dma_wait3A_177, %dma_wait3A_179] : memref<4x128xi32, #tpu.memory_space<vmem>> -> memref<1x128xi32, #tpu.memory_space<vmem>>
    %dma_wait3A_181 = tpu.memref_squeeze %dma_wait3A_180 : memref<1x128xi32, #tpu.memory_space<vmem>> -> memref<128xi32, #tpu.memory_space<vmem>>
    %dma_wait3A_182 = tpu.memref_slice %arg4[%mul3A_2] : memref<163840xi32, #tpu.memory_space<hbm>> -> memref<128xi32, #tpu.memory_space<hbm>>
    %dma_wait3A_183 = tpu.memref_slice %arg11[%dma_wait3A_178] : memref<4x!tpu.dma_semaphore, #tpu.memory_space<semaphore_mem>> -> memref<1x!tpu.dma_semaphore, #tpu.memory_space<semaphore_mem>>
    %dma_wait3A_184 = tpu.memref_squeeze %dma_wait3A_183 : memref<1x!tpu.dma_semaphore, #tpu.memory_space<semaphore_mem>> -> memref<!tpu.dma_semaphore, #tpu.memory_space<semaphore_mem>>
    %dma_wait3A_185 = arith.constant 0 : i32
    %dma_wait3A_186 = tpu.memref_slice %arg9[%dma_wait3A_177, %dma_wait3A_185] : memref<4x128xi32, #tpu.memory_space<vmem>> -> memref<1x128xi32, #tpu.memory_space<vmem>>
    %dma_wait3A_187 = tpu.memref_squeeze %dma_wait3A_186 : memref<1x128xi32, #tpu.memory_space<vmem>> -> memref<128xi32, #tpu.memory_space<vmem>>
    %dma_wait3A_188 = tpu.memref_slice %arg4[%mul3A_2] : memref<163840xi32, #tpu.memory_space<hbm>> -> memref<128xi32, #tpu.memory_space<hbm>>
    tpu.wait_dma2 semaphore(%dma_wait3A_184 : memref<!tpu.dma_semaphore, #tpu.memory_space<semaphore_mem>>) src(%dma_wait3A_188 : memref<128xi32, #tpu.memory_space<hbm>>) dst(%dma_wait3A_187 : memref<128xi32, #tpu.memory_space<vmem>>)
    %dma_start3A_189 = arith.constant 1 : i32
    %dma_start3A_190 = arith.constant 1 : i32
    %dma_start3A_191 = arith.constant 1 : i32
    %dma_start3A_192 = arith.constant 0 : i32
    %dma_start3A_193 = arith.constant 0 : i32
    %dma_start3A_194 = tpu.memref_slice %arg10[%dma_start3A_190, %dma_start3A_192, %dma_start3A_193] : memref<2x128x128xf32, #tpu.memory_space<vmem>> -> memref<1x128x128xf32, #tpu.memory_space<vmem>>
    %dma_start3A_195 = tpu.memref_squeeze %dma_start3A_194 : memref<1x128x128xf32, #tpu.memory_space<vmem>> -> memref<128x128xf32, #tpu.memory_space<vmem>>
    %dma_start3A_196 = arith.constant 0 : i32
    %dma_start3A_197 = tpu.memref_slice %arg8[%dma_start3A_189, %dma_start3A_196] : memref<4x128xi32, #tpu.memory_space<vmem>> -> memref<1x128xi32, #tpu.memory_space<vmem>>
    %dma_start3A_198 = tpu.memref_squeeze %dma_start3A_197 : memref<1x128xi32, #tpu.memory_space<vmem>> -> memref<128xi32, #tpu.memory_space<vmem>>
    %dma_start3A_199 = arith.constant 0 : i32
    %dma_start3A_200 = arith.constant 0 : i32
    %dma_start3A_201 = tpu.memref_slice %arg2[%dma_start3A_199, %dma_start3A_200] : memref<80000x128xf32, #tpu.memory_space<hbm>> -> memref<80000x128xf32, #tpu.memory_space<hbm>>
    %dma_start3A_202 = tpu.memref_slice %arg12[%dma_start3A_191] : memref<2x!tpu.dma_semaphore, #tpu.memory_space<semaphore_mem>> -> memref<1x!tpu.dma_semaphore, #tpu.memory_space<semaphore_mem>>
    %dma_start3A_203 = tpu.memref_squeeze %dma_start3A_202 : memref<1x!tpu.dma_semaphore, #tpu.memory_space<semaphore_mem>> -> memref<!tpu.dma_semaphore, #tpu.memory_space<semaphore_mem>>
    tpu.enqueue_indirect_dma source(%dma_start3A_201 : memref<80000x128xf32, #tpu.memory_space<hbm>>) target(%dma_start3A_195 : memref<128x128xf32, #tpu.memory_space<vmem>>) offsets(%dma_start3A_198 : memref<128xi32, #tpu.memory_space<vmem>>) semaphore(%dma_start3A_203 : memref<!tpu.dma_semaphore, #tpu.memory_space<semaphore_mem>>)
    %scan3A = arith.constant 0 : i32
    %scan3A_204 = arith.constant 1 : i32
    %scan3A_205 = arith.constant 39 : i32
    %scan3A_206 = arith.addi %scan3A_204, %scan3A_205 : i32
    %scan3A_207 = arith.constant 1 : i32
    scf.for %scan3A_354 = %scan3A_204 to %scan3A_206 step %scan3A_207  : i32 {
      %sub3A = arith.constant 1 : i32
      %sub3A_355 = arith.subi %scan3A_354, %sub3A : i32
      %jit3A = arith.constant 2 : i32
      %eq3A_356 = arith.constant 0 : i32
      %eq3A_357 = arith.cmpi eq, %jit3A, %eq3A_356 : i32
      %jit3A_358 = arith.constant 1 : i32
      %select_n3A = arith.select %eq3A_357, %jit3A_358, %jit3A : i32
      %rem3A = arith.remsi %sub3A_355, %select_n3A : i32
      %ne3A = arith.constant 0 : i32
      %ne3A_359 = arith.cmpi ne, %rem3A, %ne3A : i32
      %lt3A_360 = arith.constant 0 : i32
      %lt3A_361 = arith.cmpi slt, %rem3A, %lt3A_360 : i32
      %lt3A_362 = arith.constant 0 : i32
      %lt3A_363 = arith.cmpi slt, %select_n3A, %lt3A_362 : i32
      %ne3A_364 = arith.xori %lt3A_361, %lt3A_363 : i1
      %and3A = arith.andi %ne3A_364, %ne3A_359 : i1
      %add3A_365 = arith.addi %rem3A, %select_n3A : i32
      %select_n3A_366 = arith.select %and3A, %add3A_365, %rem3A : i32
      %mul3A_367 = arith.constant 2 : i32
      %mul3A_368 = arith.muli %select_n3A_366, %mul3A_367 : i32
      %jit3A_369 = arith.constant 2 : i32
      %eq3A_370 = arith.constant 0 : i32
      %eq3A_371 = arith.cmpi eq, %jit3A_369, %eq3A_370 : i32
      %jit3A_372 = arith.constant 1 : i32
      %select_n3A_373 = arith.select %eq3A_371, %jit3A_372, %jit3A_369 : i32
      %rem3A_374 = arith.remsi %scan3A_354, %select_n3A_373 : i32
      %ne3A_375 = arith.constant 0 : i32
      %ne3A_376 = arith.cmpi ne, %rem3A_374, %ne3A_375 : i32
      %lt3A_377 = arith.constant 0 : i32
      %lt3A_378 = arith.cmpi slt, %rem3A_374, %lt3A_377 : i32
      %lt3A_379 = arith.constant 0 : i32
      %lt3A_380 = arith.cmpi slt, %select_n3A_373, %lt3A_379 : i32
      %ne3A_381 = arith.xori %lt3A_378, %lt3A_380 : i1
      %and3A_382 = arith.andi %ne3A_381, %ne3A_376 : i1
      %add3A_383 = arith.addi %rem3A_374, %select_n3A_373 : i32
      %select_n3A_384 = arith.select %and3A_382, %add3A_383, %rem3A_374 : i32
      %mul3A_385 = arith.constant 2 : i32
      %mul3A_386 = arith.muli %select_n3A_384, %mul3A_385 : i32
      %dma_wait3A_387 = arith.constant 0 : i32
      %dma_wait3A_388 = arith.constant 0 : i32
      %dma_wait3A_389 = arith.constant 0 : i32
      %dma_wait3A_390 = arith.constant 0 : i32
      %dma_wait3A_391 = arith.constant 0 : i32
      %dma_wait3A_392 = tpu.memref_slice %arg10[%dma_wait3A_388, %dma_wait3A_390, %dma_wait3A_391] : memref<2x128x128xf32, #tpu.memory_space<vmem>> -> memref<1x128x128xf32, #tpu.memory_space<vmem>>
      %dma_wait3A_393 = tpu.memref_squeeze %dma_wait3A_392 : memref<1x128x128xf32, #tpu.memory_space<vmem>> -> memref<128x128xf32, #tpu.memory_space<vmem>>
      %dma_wait3A_394 = arith.constant 0 : i32
      %dma_wait3A_395 = tpu.memref_slice %arg8[%dma_wait3A_387, %dma_wait3A_394] : memref<4x128xi32, #tpu.memory_space<vmem>> -> memref<1x128xi32, #tpu.memory_space<vmem>>
      %dma_wait3A_396 = tpu.memref_squeeze %dma_wait3A_395 : memref<1x128xi32, #tpu.memory_space<vmem>> -> memref<128xi32, #tpu.memory_space<vmem>>
      %dma_wait3A_397 = arith.constant 0 : i32
      %dma_wait3A_398 = arith.constant 0 : i32
      %dma_wait3A_399 = tpu.memref_slice %arg2[%dma_wait3A_397, %dma_wait3A_398] : memref<80000x128xf32, #tpu.memory_space<hbm>> -> memref<80000x128xf32, #tpu.memory_space<hbm>>
      %dma_wait3A_400 = tpu.memref_slice %arg12[%dma_wait3A_389] : memref<2x!tpu.dma_semaphore, #tpu.memory_space<semaphore_mem>> -> memref<1x!tpu.dma_semaphore, #tpu.memory_space<semaphore_mem>>
      %dma_wait3A_401 = tpu.memref_squeeze %dma_wait3A_400 : memref<1x!tpu.dma_semaphore, #tpu.memory_space<semaphore_mem>> -> memref<!tpu.dma_semaphore, #tpu.memory_space<semaphore_mem>>
      tpu.wait_indirect_dma semaphore(%dma_wait3A_401 : memref<!tpu.dma_semaphore, #tpu.memory_space<semaphore_mem>>) src(%dma_wait3A_399 : memref<80000x128xf32, #tpu.memory_space<hbm>>) dst(%dma_wait3A_393 : memref<128x128xf32, #tpu.memory_space<vmem>>)
      %add3A_402 = arith.constant 0 : i32
      %add3A_403 = arith.addi %mul3A_368, %add3A_402 : i32
      %dma_start3A_404 = arith.constant 0 : i32
      %dma_start3A_405 = arith.constant 0 : i32
      %dma_start3A_406 = arith.constant 0 : i32
      %dma_start3A_407 = arith.constant 0 : i32
      %dma_start3A_408 = tpu.memref_slice %arg10[%dma_start3A_404, %dma_start3A_406, %dma_start3A_407] : memref<2x128x128xf32, #tpu.memory_space<vmem>> -> memref<1x128x128xf32, #tpu.memory_space<vmem>>
      %dma_start3A_409 = tpu.memref_squeeze %dma_start3A_408 : memref<1x128x128xf32, #tpu.memory_space<vmem>> -> memref<128x128xf32, #tpu.memory_space<vmem>>
      %dma_start3A_410 = arith.constant 0 : i32
      %dma_start3A_411 = tpu.memref_slice %arg9[%add3A_403, %dma_start3A_410] : memref<4x128xi32, #tpu.memory_space<vmem>> -> memref<1x128xi32, #tpu.memory_space<vmem>>
      %dma_start3A_412 = tpu.memref_squeeze %dma_start3A_411 : memref<1x128xi32, #tpu.memory_space<vmem>> -> memref<128xi32, #tpu.memory_space<vmem>>
      %dma_start3A_413 = arith.constant 0 : i32
      %dma_start3A_414 = arith.constant 0 : i32
      %dma_start3A_415 = tpu.memref_slice %arg7[%dma_start3A_413, %dma_start3A_414] : memref<10112x128xf32, #tpu.memory_space<vmem_shared>> -> memref<10112x128xf32, #tpu.memory_space<vmem_shared>>
      %dma_start3A_416 = tpu.memref_slice %arg13[%dma_start3A_405] : memref<2x!tpu.dma_semaphore, #tpu.memory_space<semaphore_mem>> -> memref<1x!tpu.dma_semaphore, #tpu.memory_space<semaphore_mem>>
      %dma_start3A_417 = tpu.memref_squeeze %dma_start3A_416 : memref<1x!tpu.dma_semaphore, #tpu.memory_space<semaphore_mem>> -> memref<!tpu.dma_semaphore, #tpu.memory_space<semaphore_mem>>
      tpu.enqueue_indirect_dma source(%dma_start3A_409 : memref<128x128xf32, #tpu.memory_space<vmem>>) target(%dma_start3A_415 : memref<10112x128xf32, #tpu.memory_space<vmem_shared>>) offsets(%dma_start3A_412 : memref<128xi32, #tpu.memory_space<vmem>>) semaphore(%dma_start3A_417 : memref<!tpu.dma_semaphore, #tpu.memory_space<semaphore_mem>>) {add = true}
      %dma_wait3A_418 = arith.constant 0 : i32
      %dma_wait3A_419 = arith.constant 1 : i32
      %dma_wait3A_420 = arith.constant 1 : i32
      %dma_wait3A_421 = arith.constant 0 : i32
      %dma_wait3A_422 = arith.constant 0 : i32
      %dma_wait3A_423 = tpu.memref_slice %arg10[%dma_wait3A_419, %dma_wait3A_421, %dma_wait3A_422] : memref<2x128x128xf32, #tpu.memory_space<vmem>> -> memref<1x128x128xf32, #tpu.memory_space<vmem>>
      %dma_wait3A_424 = tpu.memref_squeeze %dma_wait3A_423 : memref<1x128x128xf32, #tpu.memory_space<vmem>> -> memref<128x128xf32, #tpu.memory_space<vmem>>
      %dma_wait3A_425 = arith.constant 0 : i32
      %dma_wait3A_426 = tpu.memref_slice %arg8[%dma_wait3A_418, %dma_wait3A_425] : memref<4x128xi32, #tpu.memory_space<vmem>> -> memref<1x128xi32, #tpu.memory_space<vmem>>
      %dma_wait3A_427 = tpu.memref_squeeze %dma_wait3A_426 : memref<1x128xi32, #tpu.memory_space<vmem>> -> memref<128xi32, #tpu.memory_space<vmem>>
      %dma_wait3A_428 = arith.constant 0 : i32
      %dma_wait3A_429 = arith.constant 0 : i32
      %dma_wait3A_430 = tpu.memref_slice %arg2[%dma_wait3A_428, %dma_wait3A_429] : memref<80000x128xf32, #tpu.memory_space<hbm>> -> memref<80000x128xf32, #tpu.memory_space<hbm>>
      %dma_wait3A_431 = tpu.memref_slice %arg12[%dma_wait3A_420] : memref<2x!tpu.dma_semaphore, #tpu.memory_space<semaphore_mem>> -> memref<1x!tpu.dma_semaphore, #tpu.memory_space<semaphore_mem>>
      %dma_wait3A_432 = tpu.memref_squeeze %dma_wait3A_431 : memref<1x!tpu.dma_semaphore, #tpu.memory_space<semaphore_mem>> -> memref<!tpu.dma_semaphore, #tpu.memory_space<semaphore_mem>>
      tpu.wait_indirect_dma semaphore(%dma_wait3A_432 : memref<!tpu.dma_semaphore, #tpu.memory_space<semaphore_mem>>) src(%dma_wait3A_430 : memref<80000x128xf32, #tpu.memory_space<hbm>>) dst(%dma_wait3A_424 : memref<128x128xf32, #tpu.memory_space<vmem>>)
      %add3A_433 = arith.constant 1 : i32
      %add3A_434 = arith.addi %mul3A_368, %add3A_433 : i32
      %dma_start3A_435 = arith.constant 1 : i32
      %dma_start3A_436 = arith.constant 1 : i32
      %dma_start3A_437 = arith.constant 0 : i32
      %dma_start3A_438 = arith.constant 0 : i32
      %dma_start3A_439 = tpu.memref_slice %arg10[%dma_start3A_435, %dma_start3A_437, %dma_start3A_438] : memref<2x128x128xf32, #tpu.memory_space<vmem>> -> memref<1x128x128xf32, #tpu.memory_space<vmem>>
      %dma_start3A_440 = tpu.memref_squeeze %dma_start3A_439 : memref<1x128x128xf32, #tpu.memory_space<vmem>> -> memref<128x128xf32, #tpu.memory_space<vmem>>
      %dma_start3A_441 = arith.constant 0 : i32
      %dma_start3A_442 = tpu.memref_slice %arg9[%add3A_434, %dma_start3A_441] : memref<4x128xi32, #tpu.memory_space<vmem>> -> memref<1x128xi32, #tpu.memory_space<vmem>>
      %dma_start3A_443 = tpu.memref_squeeze %dma_start3A_442 : memref<1x128xi32, #tpu.memory_space<vmem>> -> memref<128xi32, #tpu.memory_space<vmem>>
      %dma_start3A_444 = arith.constant 0 : i32
      %dma_start3A_445 = arith.constant 0 : i32
      %dma_start3A_446 = tpu.memref_slice %arg7[%dma_start3A_444, %dma_start3A_445] : memref<10112x128xf32, #tpu.memory_space<vmem_shared>> -> memref<10112x128xf32, #tpu.memory_space<vmem_shared>>
      %dma_start3A_447 = tpu.memref_slice %arg13[%dma_start3A_436] : memref<2x!tpu.dma_semaphore, #tpu.memory_space<semaphore_mem>> -> memref<1x!tpu.dma_semaphore, #tpu.memory_space<semaphore_mem>>
      %dma_start3A_448 = tpu.memref_squeeze %dma_start3A_447 : memref<1x!tpu.dma_semaphore, #tpu.memory_space<semaphore_mem>> -> memref<!tpu.dma_semaphore, #tpu.memory_space<semaphore_mem>>
      tpu.enqueue_indirect_dma source(%dma_start3A_440 : memref<128x128xf32, #tpu.memory_space<vmem>>) target(%dma_start3A_446 : memref<10112x128xf32, #tpu.memory_space<vmem_shared>>) offsets(%dma_start3A_443 : memref<128xi32, #tpu.memory_space<vmem>>) semaphore(%dma_start3A_448 : memref<!tpu.dma_semaphore, #tpu.memory_space<semaphore_mem>>) {add = true}
      %add3A_449 = arith.constant 0 : i32
      %add3A_450 = arith.addi %mul3A_368, %add3A_449 : i32
      %dma_wait3A_451 = arith.constant 0 : i32
      %dma_wait3A_452 = arith.constant 0 : i32
      %dma_wait3A_453 = arith.constant 0 : i32
      %dma_wait3A_454 = arith.constant 0 : i32
      %dma_wait3A_455 = tpu.memref_slice %arg10[%dma_wait3A_451, %dma_wait3A_453, %dma_wait3A_454] : memref<2x128x128xf32, #tpu.memory_space<vmem>> -> memref<1x128x128xf32, #tpu.memory_space<vmem>>
      %dma_wait3A_456 = tpu.memref_squeeze %dma_wait3A_455 : memref<1x128x128xf32, #tpu.memory_space<vmem>> -> memref<128x128xf32, #tpu.memory_space<vmem>>
      %dma_wait3A_457 = arith.constant 0 : i32
      %dma_wait3A_458 = tpu.memref_slice %arg9[%add3A_450, %dma_wait3A_457] : memref<4x128xi32, #tpu.memory_space<vmem>> -> memref<1x128xi32, #tpu.memory_space<vmem>>
      %dma_wait3A_459 = tpu.memref_squeeze %dma_wait3A_458 : memref<1x128xi32, #tpu.memory_space<vmem>> -> memref<128xi32, #tpu.memory_space<vmem>>
      %dma_wait3A_460 = arith.constant 0 : i32
      %dma_wait3A_461 = arith.constant 0 : i32
      %dma_wait3A_462 = tpu.memref_slice %arg7[%dma_wait3A_460, %dma_wait3A_461] : memref<10112x128xf32, #tpu.memory_space<vmem_shared>> -> memref<10112x128xf32, #tpu.memory_space<vmem_shared>>
      %dma_wait3A_463 = tpu.memref_slice %arg13[%dma_wait3A_452] : memref<2x!tpu.dma_semaphore, #tpu.memory_space<semaphore_mem>> -> memref<1x!tpu.dma_semaphore, #tpu.memory_space<semaphore_mem>>
      %dma_wait3A_464 = tpu.memref_squeeze %dma_wait3A_463 : memref<1x!tpu.dma_semaphore, #tpu.memory_space<semaphore_mem>> -> memref<!tpu.dma_semaphore, #tpu.memory_space<semaphore_mem>>
      tpu.wait_indirect_dma semaphore(%dma_wait3A_464 : memref<!tpu.dma_semaphore, #tpu.memory_space<semaphore_mem>>) src(%dma_wait3A_456 : memref<128x128xf32, #tpu.memory_space<vmem>>) dst(%dma_wait3A_462 : memref<10112x128xf32, #tpu.memory_space<vmem_shared>>)
      %add3A_465 = arith.constant 0 : i32
      %add3A_466 = arith.addi %mul3A_386, %add3A_465 : i32
      %dma_wait3A_467 = arith.constant 0 : i32
      %dma_wait3A_468 = tpu.memref_slice %arg8[%add3A_466, %dma_wait3A_467] : memref<4x128xi32, #tpu.memory_space<vmem>> -> memref<1x128xi32, #tpu.memory_space<vmem>>
      %dma_wait3A_469 = tpu.memref_squeeze %dma_wait3A_468 : memref<1x128xi32, #tpu.memory_space<vmem>> -> memref<128xi32, #tpu.memory_space<vmem>>
      %dma_wait3A_470 = tpu.memref_slice %arg3[%mul3A_2] : memref<327680xi32, #tpu.memory_space<hbm>> -> memref<128xi32, #tpu.memory_space<hbm>>
      %dma_wait3A_471 = tpu.memref_slice %arg11[%add3A_466] : memref<4x!tpu.dma_semaphore, #tpu.memory_space<semaphore_mem>> -> memref<1x!tpu.dma_semaphore, #tpu.memory_space<semaphore_mem>>
      %dma_wait3A_472 = tpu.memref_squeeze %dma_wait3A_471 : memref<1x!tpu.dma_semaphore, #tpu.memory_space<semaphore_mem>> -> memref<!tpu.dma_semaphore, #tpu.memory_space<semaphore_mem>>
      %dma_wait3A_473 = arith.constant 0 : i32
      %dma_wait3A_474 = tpu.memref_slice %arg8[%add3A_466, %dma_wait3A_473] : memref<4x128xi32, #tpu.memory_space<vmem>> -> memref<1x128xi32, #tpu.memory_space<vmem>>
      %dma_wait3A_475 = tpu.memref_squeeze %dma_wait3A_474 : memref<1x128xi32, #tpu.memory_space<vmem>> -> memref<128xi32, #tpu.memory_space<vmem>>
      %dma_wait3A_476 = tpu.memref_slice %arg3[%mul3A_2] : memref<327680xi32, #tpu.memory_space<hbm>> -> memref<128xi32, #tpu.memory_space<hbm>>
      tpu.wait_dma2 semaphore(%dma_wait3A_472 : memref<!tpu.dma_semaphore, #tpu.memory_space<semaphore_mem>>) src(%dma_wait3A_476 : memref<128xi32, #tpu.memory_space<hbm>>) dst(%dma_wait3A_475 : memref<128xi32, #tpu.memory_space<vmem>>)
      %dma_wait3A_477 = arith.constant 0 : i32
      %dma_wait3A_478 = tpu.memref_slice %arg9[%add3A_466, %dma_wait3A_477] : memref<4x128xi32, #tpu.memory_space<vmem>> -> memref<1x128xi32, #tpu.memory_space<vmem>>
      %dma_wait3A_479 = tpu.memref_squeeze %dma_wait3A_478 : memref<1x128xi32, #tpu.memory_space<vmem>> -> memref<128xi32, #tpu.memory_space<vmem>>
      %dma_wait3A_480 = tpu.memref_slice %arg4[%mul3A_2] : memref<163840xi32, #tpu.memory_space<hbm>> -> memref<128xi32, #tpu.memory_space<hbm>>
      %dma_wait3A_481 = tpu.memref_slice %arg11[%add3A_466] : memref<4x!tpu.dma_semaphore, #tpu.memory_space<semaphore_mem>> -> memref<1x!tpu.dma_semaphore, #tpu.memory_space<semaphore_mem>>
      %dma_wait3A_482 = tpu.memref_squeeze %dma_wait3A_481 : memref<1x!tpu.dma_semaphore, #tpu.memory_space<semaphore_mem>> -> memref<!tpu.dma_semaphore, #tpu.memory_space<semaphore_mem>>
      %dma_wait3A_483 = arith.constant 0 : i32
      %dma_wait3A_484 = tpu.memref_slice %arg9[%add3A_466, %dma_wait3A_483] : memref<4x128xi32, #tpu.memory_space<vmem>> -> memref<1x128xi32, #tpu.memory_space<vmem>>
      %dma_wait3A_485 = tpu.memref_squeeze %dma_wait3A_484 : memref<1x128xi32, #tpu.memory_space<vmem>> -> memref<128xi32, #tpu.memory_space<vmem>>
      %dma_wait3A_486 = tpu.memref_slice %arg4[%mul3A_2] : memref<163840xi32, #tpu.memory_space<hbm>> -> memref<128xi32, #tpu.memory_space<hbm>>
      tpu.wait_dma2 semaphore(%dma_wait3A_482 : memref<!tpu.dma_semaphore, #tpu.memory_space<semaphore_mem>>) src(%dma_wait3A_486 : memref<128xi32, #tpu.memory_space<hbm>>) dst(%dma_wait3A_485 : memref<128xi32, #tpu.memory_space<vmem>>)
      %add3A_487 = arith.constant 0 : i32
      %add3A_488 = arith.addi %mul3A_386, %add3A_487 : i32
      %dma_start3A_489 = arith.constant 0 : i32
      %dma_start3A_490 = arith.constant 0 : i32
      %dma_start3A_491 = arith.constant 0 : i32
      %dma_start3A_492 = arith.constant 0 : i32
      %dma_start3A_493 = tpu.memref_slice %arg10[%dma_start3A_489, %dma_start3A_491, %dma_start3A_492] : memref<2x128x128xf32, #tpu.memory_space<vmem>> -> memref<1x128x128xf32, #tpu.memory_space<vmem>>
      %dma_start3A_494 = tpu.memref_squeeze %dma_start3A_493 : memref<1x128x128xf32, #tpu.memory_space<vmem>> -> memref<128x128xf32, #tpu.memory_space<vmem>>
      %dma_start3A_495 = arith.constant 0 : i32
      %dma_start3A_496 = tpu.memref_slice %arg8[%add3A_488, %dma_start3A_495] : memref<4x128xi32, #tpu.memory_space<vmem>> -> memref<1x128xi32, #tpu.memory_space<vmem>>
      %dma_start3A_497 = tpu.memref_squeeze %dma_start3A_496 : memref<1x128xi32, #tpu.memory_space<vmem>> -> memref<128xi32, #tpu.memory_space<vmem>>
      %dma_start3A_498 = arith.constant 0 : i32
      %dma_start3A_499 = arith.constant 0 : i32
      %dma_start3A_500 = tpu.memref_slice %arg2[%dma_start3A_498, %dma_start3A_499] : memref<80000x128xf32, #tpu.memory_space<hbm>> -> memref<80000x128xf32, #tpu.memory_space<hbm>>
      %dma_start3A_501 = tpu.memref_slice %arg12[%dma_start3A_490] : memref<2x!tpu.dma_semaphore, #tpu.memory_space<semaphore_mem>> -> memref<1x!tpu.dma_semaphore, #tpu.memory_space<semaphore_mem>>
      %dma_start3A_502 = tpu.memref_squeeze %dma_start3A_501 : memref<1x!tpu.dma_semaphore, #tpu.memory_space<semaphore_mem>> -> memref<!tpu.dma_semaphore, #tpu.memory_space<semaphore_mem>>
      tpu.enqueue_indirect_dma source(%dma_start3A_500 : memref<80000x128xf32, #tpu.memory_space<hbm>>) target(%dma_start3A_494 : memref<128x128xf32, #tpu.memory_space<vmem>>) offsets(%dma_start3A_497 : memref<128xi32, #tpu.memory_space<vmem>>) semaphore(%dma_start3A_502 : memref<!tpu.dma_semaphore, #tpu.memory_space<semaphore_mem>>)
      %add3A_503 = arith.constant 1 : i32
      %add3A_504 = arith.addi %mul3A_368, %add3A_503 : i32
      %dma_wait3A_505 = arith.constant 1 : i32
      %dma_wait3A_506 = arith.constant 1 : i32
      %dma_wait3A_507 = arith.constant 0 : i32
      %dma_wait3A_508 = arith.constant 0 : i32
      %dma_wait3A_509 = tpu.memref_slice %arg10[%dma_wait3A_505, %dma_wait3A_507, %dma_wait3A_508] : memref<2x128x128xf32, #tpu.memory_space<vmem>> -> memref<1x128x128xf32, #tpu.memory_space<vmem>>
      %dma_wait3A_510 = tpu.memref_squeeze %dma_wait3A_509 : memref<1x128x128xf32, #tpu.memory_space<vmem>> -> memref<128x128xf32, #tpu.memory_space<vmem>>
      %dma_wait3A_511 = arith.constant 0 : i32
      %dma_wait3A_512 = tpu.memref_slice %arg9[%add3A_504, %dma_wait3A_511] : memref<4x128xi32, #tpu.memory_space<vmem>> -> memref<1x128xi32, #tpu.memory_space<vmem>>
      %dma_wait3A_513 = tpu.memref_squeeze %dma_wait3A_512 : memref<1x128xi32, #tpu.memory_space<vmem>> -> memref<128xi32, #tpu.memory_space<vmem>>
      %dma_wait3A_514 = arith.constant 0 : i32
      %dma_wait3A_515 = arith.constant 0 : i32
      %dma_wait3A_516 = tpu.memref_slice %arg7[%dma_wait3A_514, %dma_wait3A_515] : memref<10112x128xf32, #tpu.memory_space<vmem_shared>> -> memref<10112x128xf32, #tpu.memory_space<vmem_shared>>
      %dma_wait3A_517 = tpu.memref_slice %arg13[%dma_wait3A_506] : memref<2x!tpu.dma_semaphore, #tpu.memory_space<semaphore_mem>> -> memref<1x!tpu.dma_semaphore, #tpu.memory_space<semaphore_mem>>
      %dma_wait3A_518 = tpu.memref_squeeze %dma_wait3A_517 : memref<1x!tpu.dma_semaphore, #tpu.memory_space<semaphore_mem>> -> memref<!tpu.dma_semaphore, #tpu.memory_space<semaphore_mem>>
      tpu.wait_indirect_dma semaphore(%dma_wait3A_518 : memref<!tpu.dma_semaphore, #tpu.memory_space<semaphore_mem>>) src(%dma_wait3A_510 : memref<128x128xf32, #tpu.memory_space<vmem>>) dst(%dma_wait3A_516 : memref<10112x128xf32, #tpu.memory_space<vmem_shared>>)
      %add3A_519 = arith.constant 1 : i32
      %add3A_520 = arith.addi %mul3A_386, %add3A_519 : i32
      %dma_wait3A_521 = arith.constant 0 : i32
      %dma_wait3A_522 = tpu.memref_slice %arg8[%add3A_520, %dma_wait3A_521] : memref<4x128xi32, #tpu.memory_space<vmem>> -> memref<1x128xi32, #tpu.memory_space<vmem>>
      %dma_wait3A_523 = tpu.memref_squeeze %dma_wait3A_522 : memref<1x128xi32, #tpu.memory_space<vmem>> -> memref<128xi32, #tpu.memory_space<vmem>>
      %dma_wait3A_524 = tpu.memref_slice %arg3[%mul3A_2] : memref<327680xi32, #tpu.memory_space<hbm>> -> memref<128xi32, #tpu.memory_space<hbm>>
      %dma_wait3A_525 = tpu.memref_slice %arg11[%add3A_520] : memref<4x!tpu.dma_semaphore, #tpu.memory_space<semaphore_mem>> -> memref<1x!tpu.dma_semaphore, #tpu.memory_space<semaphore_mem>>
      %dma_wait3A_526 = tpu.memref_squeeze %dma_wait3A_525 : memref<1x!tpu.dma_semaphore, #tpu.memory_space<semaphore_mem>> -> memref<!tpu.dma_semaphore, #tpu.memory_space<semaphore_mem>>
      %dma_wait3A_527 = arith.constant 0 : i32
      %dma_wait3A_528 = tpu.memref_slice %arg8[%add3A_520, %dma_wait3A_527] : memref<4x128xi32, #tpu.memory_space<vmem>> -> memref<1x128xi32, #tpu.memory_space<vmem>>
      %dma_wait3A_529 = tpu.memref_squeeze %dma_wait3A_528 : memref<1x128xi32, #tpu.memory_space<vmem>> -> memref<128xi32, #tpu.memory_space<vmem>>
      %dma_wait3A_530 = tpu.memref_slice %arg3[%mul3A_2] : memref<327680xi32, #tpu.memory_space<hbm>> -> memref<128xi32, #tpu.memory_space<hbm>>
      tpu.wait_dma2 semaphore(%dma_wait3A_526 : memref<!tpu.dma_semaphore, #tpu.memory_space<semaphore_mem>>) src(%dma_wait3A_530 : memref<128xi32, #tpu.memory_space<hbm>>) dst(%dma_wait3A_529 : memref<128xi32, #tpu.memory_space<vmem>>)
      %dma_wait3A_531 = arith.constant 0 : i32
      %dma_wait3A_532 = tpu.memref_slice %arg9[%add3A_520, %dma_wait3A_531] : memref<4x128xi32, #tpu.memory_space<vmem>> -> memref<1x128xi32, #tpu.memory_space<vmem>>
      %dma_wait3A_533 = tpu.memref_squeeze %dma_wait3A_532 : memref<1x128xi32, #tpu.memory_space<vmem>> -> memref<128xi32, #tpu.memory_space<vmem>>
      %dma_wait3A_534 = tpu.memref_slice %arg4[%mul3A_2] : memref<163840xi32, #tpu.memory_space<hbm>> -> memref<128xi32, #tpu.memory_space<hbm>>
      %dma_wait3A_535 = tpu.memref_slice %arg11[%add3A_520] : memref<4x!tpu.dma_semaphore, #tpu.memory_space<semaphore_mem>> -> memref<1x!tpu.dma_semaphore, #tpu.memory_space<semaphore_mem>>
      %dma_wait3A_536 = tpu.memref_squeeze %dma_wait3A_535 : memref<1x!tpu.dma_semaphore, #tpu.memory_space<semaphore_mem>> -> memref<!tpu.dma_semaphore, #tpu.memory_space<semaphore_mem>>
      %dma_wait3A_537 = arith.constant 0 : i32
      %dma_wait3A_538 = tpu.memref_slice %arg9[%add3A_520, %dma_wait3A_537] : memref<4x128xi32, #tpu.memory_space<vmem>> -> memref<1x128xi32, #tpu.memory_space<vmem>>
      %dma_wait3A_539 = tpu.memref_squeeze %dma_wait3A_538 : memref<1x128xi32, #tpu.memory_space<vmem>> -> memref<128xi32, #tpu.memory_space<vmem>>
      %dma_wait3A_540 = tpu.memref_slice %arg4[%mul3A_2] : memref<163840xi32, #tpu.memory_space<hbm>> -> memref<128xi32, #tpu.memory_space<hbm>>
      tpu.wait_dma2 semaphore(%dma_wait3A_536 : memref<!tpu.dma_semaphore, #tpu.memory_space<semaphore_mem>>) src(%dma_wait3A_540 : memref<128xi32, #tpu.memory_space<hbm>>) dst(%dma_wait3A_539 : memref<128xi32, #tpu.memory_space<vmem>>)
      %add3A_541 = arith.constant 1 : i32
      %add3A_542 = arith.addi %mul3A_386, %add3A_541 : i32
      %dma_start3A_543 = arith.constant 1 : i32
      %dma_start3A_544 = arith.constant 1 : i32
      %dma_start3A_545 = arith.constant 0 : i32
      %dma_start3A_546 = arith.constant 0 : i32
      %dma_start3A_547 = tpu.memref_slice %arg10[%dma_start3A_543, %dma_start3A_545, %dma_start3A_546] : memref<2x128x128xf32, #tpu.memory_space<vmem>> -> memref<1x128x128xf32, #tpu.memory_space<vmem>>
      %dma_start3A_548 = tpu.memref_squeeze %dma_start3A_547 : memref<1x128x128xf32, #tpu.memory_space<vmem>> -> memref<128x128xf32, #tpu.memory_space<vmem>>
      %dma_start3A_549 = arith.constant 0 : i32
      %dma_start3A_550 = tpu.memref_slice %arg8[%add3A_542, %dma_start3A_549] : memref<4x128xi32, #tpu.memory_space<vmem>> -> memref<1x128xi32, #tpu.memory_space<vmem>>
      %dma_start3A_551 = tpu.memref_squeeze %dma_start3A_550 : memref<1x128xi32, #tpu.memory_space<vmem>> -> memref<128xi32, #tpu.memory_space<vmem>>
      %dma_start3A_552 = arith.constant 0 : i32
      %dma_start3A_553 = arith.constant 0 : i32
      %dma_start3A_554 = tpu.memref_slice %arg2[%dma_start3A_552, %dma_start3A_553] : memref<80000x128xf32, #tpu.memory_space<hbm>> -> memref<80000x128xf32, #tpu.memory_space<hbm>>
      %dma_start3A_555 = tpu.memref_slice %arg12[%dma_start3A_544] : memref<2x!tpu.dma_semaphore, #tpu.memory_space<semaphore_mem>> -> memref<1x!tpu.dma_semaphore, #tpu.memory_space<semaphore_mem>>
      %dma_start3A_556 = tpu.memref_squeeze %dma_start3A_555 : memref<1x!tpu.dma_semaphore, #tpu.memory_space<semaphore_mem>> -> memref<!tpu.dma_semaphore, #tpu.memory_space<semaphore_mem>>
      tpu.enqueue_indirect_dma source(%dma_start3A_554 : memref<80000x128xf32, #tpu.memory_space<hbm>>) target(%dma_start3A_548 : memref<128x128xf32, #tpu.memory_space<vmem>>) offsets(%dma_start3A_551 : memref<128xi32, #tpu.memory_space<vmem>>) semaphore(%dma_start3A_556 : memref<!tpu.dma_semaphore, #tpu.memory_space<semaphore_mem>>)
      %add3A_557 = arith.constant 1 : i32
      %add3A_558 = arith.addi %scan3A_354, %add3A_557 : i32
      %mul3A_559 = arith.constant 2 : i32
      %mul3A_560 = arith.muli %add3A_558, %mul3A_559 : i32
      %add3A_561 = arith.constant 0 : i32
      %add3A_562 = arith.addi %mul3A_560, %add3A_561 : i32
      %min3A = arith.constant 79 : i32
      %min3A_563 = arith.minsi %add3A_562, %min3A : i32
      %add3A_564 = arith.constant 0 : i32
      %add3A_565 = arith.addi %mul3A_368, %add3A_564 : i32
      %mul3A_566 = arith.constant 163840 : i32
      %mul3A_567 = arith.muli %arg0, %mul3A_566 : i32
      %add3A_568 = arith.addi %mul3A_567, %mul3A_2 : i32
      %mul3A_569 = arith.constant 128 : i32
      %mul3A_570 = arith.muli %min3A_563, %mul3A_569 : i32
      %add3A_571 = arith.addi %add3A_568, %mul3A_570 : i32
      %dma_start3A_572 = arith.constant 0 : i32
      %dma_start3A_573 = tpu.memref_slice %arg8[%add3A_565, %dma_start3A_572] : memref<4x128xi32, #tpu.memory_space<vmem>> -> memref<1x128xi32, #tpu.memory_space<vmem>>
      %dma_start3A_574 = tpu.memref_squeeze %dma_start3A_573 : memref<1x128xi32, #tpu.memory_space<vmem>> -> memref<128xi32, #tpu.memory_space<vmem>>
      %dma_start3A_575 = tpu.memref_slice %arg3[%add3A_571] : memref<327680xi32, #tpu.memory_space<hbm>> -> memref<128xi32, #tpu.memory_space<hbm>>
      %dma_start3A_576 = tpu.memref_slice %arg11[%add3A_565] : memref<4x!tpu.dma_semaphore, #tpu.memory_space<semaphore_mem>> -> memref<1x!tpu.dma_semaphore, #tpu.memory_space<semaphore_mem>>
      %dma_start3A_577 = tpu.memref_squeeze %dma_start3A_576 : memref<1x!tpu.dma_semaphore, #tpu.memory_space<semaphore_mem>> -> memref<!tpu.dma_semaphore, #tpu.memory_space<semaphore_mem>>
      %dma_start3A_578 = arith.constant 0 : i32
      %dma_start3A_579 = tpu.memref_slice %arg8[%add3A_565, %dma_start3A_578] : memref<4x128xi32, #tpu.memory_space<vmem>> -> memref<1x128xi32, #tpu.memory_space<vmem>>
      %dma_start3A_580 = tpu.memref_squeeze %dma_start3A_579 : memref<1x128xi32, #tpu.memory_space<vmem>> -> memref<128xi32, #tpu.memory_space<vmem>>
      %dma_start3A_581 = tpu.memref_slice %arg3[%add3A_571] : memref<327680xi32, #tpu.memory_space<hbm>> -> memref<128xi32, #tpu.memory_space<hbm>>
      tpu.enqueue_dma source(%dma_start3A_581 : memref<128xi32, #tpu.memory_space<hbm>>) target(%dma_start3A_580 : memref<128xi32, #tpu.memory_space<vmem>>) target_semaphore(%dma_start3A_577 : memref<!tpu.dma_semaphore, #tpu.memory_space<semaphore_mem>>)
      %mul3A_582 = arith.constant 128 : i32
      %mul3A_583 = arith.muli %min3A_563, %mul3A_582 : i32
      %add3A_584 = arith.addi %mul3A_2, %mul3A_583 : i32
      %dma_start3A_585 = arith.constant 0 : i32
      %dma_start3A_586 = tpu.memref_slice %arg9[%add3A_565, %dma_start3A_585] : memref<4x128xi32, #tpu.memory_space<vmem>> -> memref<1x128xi32, #tpu.memory_space<vmem>>
      %dma_start3A_587 = tpu.memref_squeeze %dma_start3A_586 : memref<1x128xi32, #tpu.memory_space<vmem>> -> memref<128xi32, #tpu.memory_space<vmem>>
      %dma_start3A_588 = tpu.memref_slice %arg4[%add3A_584] : memref<163840xi32, #tpu.memory_space<hbm>> -> memref<128xi32, #tpu.memory_space<hbm>>
      %dma_start3A_589 = tpu.memref_slice %arg11[%add3A_565] : memref<4x!tpu.dma_semaphore, #tpu.memory_space<semaphore_mem>> -> memref<1x!tpu.dma_semaphore, #tpu.memory_space<semaphore_mem>>
      %dma_start3A_590 = tpu.memref_squeeze %dma_start3A_589 : memref<1x!tpu.dma_semaphore, #tpu.memory_space<semaphore_mem>> -> memref<!tpu.dma_semaphore, #tpu.memory_space<semaphore_mem>>
      %dma_start3A_591 = arith.constant 0 : i32
      %dma_start3A_592 = tpu.memref_slice %arg9[%add3A_565, %dma_start3A_591] : memref<4x128xi32, #tpu.memory_space<vmem>> -> memref<1x128xi32, #tpu.memory_space<vmem>>
      %dma_start3A_593 = tpu.memref_squeeze %dma_start3A_592 : memref<1x128xi32, #tpu.memory_space<vmem>> -> memref<128xi32, #tpu.memory_space<vmem>>
      %dma_start3A_594 = tpu.memref_slice %arg4[%add3A_584] : memref<163840xi32, #tpu.memory_space<hbm>> -> memref<128xi32, #tpu.memory_space<hbm>>
      tpu.enqueue_dma source(%dma_start3A_594 : memref<128xi32, #tpu.memory_space<hbm>>) target(%dma_start3A_593 : memref<128xi32, #tpu.memory_space<vmem>>) target_semaphore(%dma_start3A_590 : memref<!tpu.dma_semaphore, #tpu.memory_space<semaphore_mem>>)
      %add3A_595 = arith.constant 1 : i32
      %add3A_596 = arith.addi %scan3A_354, %add3A_595 : i32
      %mul3A_597 = arith.constant 2 : i32
      %mul3A_598 = arith.muli %add3A_596, %mul3A_597 : i32
      %add3A_599 = arith.constant 1 : i32
      %add3A_600 = arith.addi %mul3A_598, %add3A_599 : i32
      %min3A_601 = arith.constant 79 : i32
      %min3A_602 = arith.minsi %add3A_600, %min3A_601 : i32
      %add3A_603 = arith.constant 1 : i32
      %add3A_604 = arith.addi %mul3A_368, %add3A_603 : i32
      %mul3A_605 = arith.constant 163840 : i32
      %mul3A_606 = arith.muli %arg0, %mul3A_605 : i32
      %add3A_607 = arith.addi %mul3A_606, %mul3A_2 : i32
      %mul3A_608 = arith.constant 128 : i32
      %mul3A_609 = arith.muli %min3A_602, %mul3A_608 : i32
      %add3A_610 = arith.addi %add3A_607, %mul3A_609 : i32
      %dma_start3A_611 = arith.constant 0 : i32
      %dma_start3A_612 = tpu.memref_slice %arg8[%add3A_604, %dma_start3A_611] : memref<4x128xi32, #tpu.memory_space<vmem>> -> memref<1x128xi32, #tpu.memory_space<vmem>>
      %dma_start3A_613 = tpu.memref_squeeze %dma_start3A_612 : memref<1x128xi32, #tpu.memory_space<vmem>> -> memref<128xi32, #tpu.memory_space<vmem>>
      %dma_start3A_614 = tpu.memref_slice %arg3[%add3A_610] : memref<327680xi32, #tpu.memory_space<hbm>> -> memref<128xi32, #tpu.memory_space<hbm>>
      %dma_start3A_615 = tpu.memref_slice %arg11[%add3A_604] : memref<4x!tpu.dma_semaphore, #tpu.memory_space<semaphore_mem>> -> memref<1x!tpu.dma_semaphore, #tpu.memory_space<semaphore_mem>>
      %dma_start3A_616 = tpu.memref_squeeze %dma_start3A_615 : memref<1x!tpu.dma_semaphore, #tpu.memory_space<semaphore_mem>> -> memref<!tpu.dma_semaphore, #tpu.memory_space<semaphore_mem>>
      %dma_start3A_617 = arith.constant 0 : i32
      %dma_start3A_618 = tpu.memref_slice %arg8[%add3A_604, %dma_start3A_617] : memref<4x128xi32, #tpu.memory_space<vmem>> -> memref<1x128xi32, #tpu.memory_space<vmem>>
      %dma_start3A_619 = tpu.memref_squeeze %dma_start3A_618 : memref<1x128xi32, #tpu.memory_space<vmem>> -> memref<128xi32, #tpu.memory_space<vmem>>
      %dma_start3A_620 = tpu.memref_slice %arg3[%add3A_610] : memref<327680xi32, #tpu.memory_space<hbm>> -> memref<128xi32, #tpu.memory_space<hbm>>
      tpu.enqueue_dma source(%dma_start3A_620 : memref<128xi32, #tpu.memory_space<hbm>>) target(%dma_start3A_619 : memref<128xi32, #tpu.memory_space<vmem>>) target_semaphore(%dma_start3A_616 : memref<!tpu.dma_semaphore, #tpu.memory_space<semaphore_mem>>)
      %mul3A_621 = arith.constant 128 : i32
      %mul3A_622 = arith.muli %min3A_602, %mul3A_621 : i32
      %add3A_623 = arith.addi %mul3A_2, %mul3A_622 : i32
      %dma_start3A_624 = arith.constant 0 : i32
      %dma_start3A_625 = tpu.memref_slice %arg9[%add3A_604, %dma_start3A_624] : memref<4x128xi32, #tpu.memory_space<vmem>> -> memref<1x128xi32, #tpu.memory_space<vmem>>
      %dma_start3A_626 = tpu.memref_squeeze %dma_start3A_625 : memref<1x128xi32, #tpu.memory_space<vmem>> -> memref<128xi32, #tpu.memory_space<vmem>>
      %dma_start3A_627 = tpu.memref_slice %arg4[%add3A_623] : memref<163840xi32, #tpu.memory_space<hbm>> -> memref<128xi32, #tpu.memory_space<hbm>>
      %dma_start3A_628 = tpu.memref_slice %arg11[%add3A_604] : memref<4x!tpu.dma_semaphore, #tpu.memory_space<semaphore_mem>> -> memref<1x!tpu.dma_semaphore, #tpu.memory_space<semaphore_mem>>
      %dma_start3A_629 = tpu.memref_squeeze %dma_start3A_628 : memref<1x!tpu.dma_semaphore, #tpu.memory_space<semaphore_mem>> -> memref<!tpu.dma_semaphore, #tpu.memory_space<semaphore_mem>>
      %dma_start3A_630 = arith.constant 0 : i32
      %dma_start3A_631 = tpu.memref_slice %arg9[%add3A_604, %dma_start3A_630] : memref<4x128xi32, #tpu.memory_space<vmem>> -> memref<1x128xi32, #tpu.memory_space<vmem>>
      %dma_start3A_632 = tpu.memref_squeeze %dma_start3A_631 : memref<1x128xi32, #tpu.memory_space<vmem>> -> memref<128xi32, #tpu.memory_space<vmem>>
      %dma_start3A_633 = tpu.memref_slice %arg4[%add3A_623] : memref<163840xi32, #tpu.memory_space<hbm>> -> memref<128xi32, #tpu.memory_space<hbm>>
      tpu.enqueue_dma source(%dma_start3A_633 : memref<128xi32, #tpu.memory_space<hbm>>) target(%dma_start3A_632 : memref<128xi32, #tpu.memory_space<vmem>>) target_semaphore(%dma_start3A_629 : memref<!tpu.dma_semaphore, #tpu.memory_space<semaphore_mem>>)
    }
    %scan3A_208 = arith.constant 39 : i32
    %dma_wait3A_209 = arith.constant 0 : i32
    %dma_wait3A_210 = arith.constant 0 : i32
    %dma_wait3A_211 = arith.constant 0 : i32
    %dma_wait3A_212 = arith.constant 0 : i32
    %dma_wait3A_213 = arith.constant 0 : i32
    %dma_wait3A_214 = tpu.memref_slice %arg10[%dma_wait3A_210, %dma_wait3A_212, %dma_wait3A_213] : memref<2x128x128xf32, #tpu.memory_space<vmem>> -> memref<1x128x128xf32, #tpu.memory_space<vmem>>
    %dma_wait3A_215 = tpu.memref_squeeze %dma_wait3A_214 : memref<1x128x128xf32, #tpu.memory_space<vmem>> -> memref<128x128xf32, #tpu.memory_space<vmem>>
    %dma_wait3A_216 = arith.constant 0 : i32
    %dma_wait3A_217 = tpu.memref_slice %arg8[%dma_wait3A_209, %dma_wait3A_216] : memref<4x128xi32, #tpu.memory_space<vmem>> -> memref<1x128xi32, #tpu.memory_space<vmem>>
    %dma_wait3A_218 = tpu.memref_squeeze %dma_wait3A_217 : memref<1x128xi32, #tpu.memory_space<vmem>> -> memref<128xi32, #tpu.memory_space<vmem>>
    %dma_wait3A_219 = arith.constant 0 : i32
    %dma_wait3A_220 = arith.constant 0 : i32
    %dma_wait3A_221 = tpu.memref_slice %arg2[%dma_wait3A_219, %dma_wait3A_220] : memref<80000x128xf32, #tpu.memory_space<hbm>> -> memref<80000x128xf32, #tpu.memory_space<hbm>>
    %dma_wait3A_222 = tpu.memref_slice %arg12[%dma_wait3A_211] : memref<2x!tpu.dma_semaphore, #tpu.memory_space<semaphore_mem>> -> memref<1x!tpu.dma_semaphore, #tpu.memory_space<semaphore_mem>>
    %dma_wait3A_223 = tpu.memref_squeeze %dma_wait3A_222 : memref<1x!tpu.dma_semaphore, #tpu.memory_space<semaphore_mem>> -> memref<!tpu.dma_semaphore, #tpu.memory_space<semaphore_mem>>
    tpu.wait_indirect_dma semaphore(%dma_wait3A_223 : memref<!tpu.dma_semaphore, #tpu.memory_space<semaphore_mem>>) src(%dma_wait3A_221 : memref<80000x128xf32, #tpu.memory_space<hbm>>) dst(%dma_wait3A_215 : memref<128x128xf32, #tpu.memory_space<vmem>>)
    %dma_start3A_224 = arith.constant 0 : i32
    %dma_start3A_225 = arith.constant 2 : i32
    %dma_start3A_226 = arith.constant 0 : i32
    %dma_start3A_227 = arith.constant 0 : i32
    %dma_start3A_228 = arith.constant 0 : i32
    %dma_start3A_229 = tpu.memref_slice %arg10[%dma_start3A_224, %dma_start3A_227, %dma_start3A_228] : memref<2x128x128xf32, #tpu.memory_space<vmem>> -> memref<1x128x128xf32, #tpu.memory_space<vmem>>
    %dma_start3A_230 = tpu.memref_squeeze %dma_start3A_229 : memref<1x128x128xf32, #tpu.memory_space<vmem>> -> memref<128x128xf32, #tpu.memory_space<vmem>>
    %dma_start3A_231 = arith.constant 0 : i32
    %dma_start3A_232 = tpu.memref_slice %arg9[%dma_start3A_225, %dma_start3A_231] : memref<4x128xi32, #tpu.memory_space<vmem>> -> memref<1x128xi32, #tpu.memory_space<vmem>>
    %dma_start3A_233 = tpu.memref_squeeze %dma_start3A_232 : memref<1x128xi32, #tpu.memory_space<vmem>> -> memref<128xi32, #tpu.memory_space<vmem>>
    %dma_start3A_234 = arith.constant 0 : i32
    %dma_start3A_235 = arith.constant 0 : i32
    %dma_start3A_236 = tpu.memref_slice %arg7[%dma_start3A_234, %dma_start3A_235] : memref<10112x128xf32, #tpu.memory_space<vmem_shared>> -> memref<10112x128xf32, #tpu.memory_space<vmem_shared>>
    %dma_start3A_237 = tpu.memref_slice %arg13[%dma_start3A_226] : memref<2x!tpu.dma_semaphore, #tpu.memory_space<semaphore_mem>> -> memref<1x!tpu.dma_semaphore, #tpu.memory_space<semaphore_mem>>
    %dma_start3A_238 = tpu.memref_squeeze %dma_start3A_237 : memref<1x!tpu.dma_semaphore, #tpu.memory_space<semaphore_mem>> -> memref<!tpu.dma_semaphore, #tpu.memory_space<semaphore_mem>>
    tpu.enqueue_indirect_dma source(%dma_start3A_230 : memref<128x128xf32, #tpu.memory_space<vmem>>) target(%dma_start3A_236 : memref<10112x128xf32, #tpu.memory_space<vmem_shared>>) offsets(%dma_start3A_233 : memref<128xi32, #tpu.memory_space<vmem>>) semaphore(%dma_start3A_238 : memref<!tpu.dma_semaphore, #tpu.memory_space<semaphore_mem>>) {add = true}
    %dma_wait3A_239 = arith.constant 0 : i32
    %dma_wait3A_240 = arith.constant 1 : i32
    %dma_wait3A_241 = arith.constant 1 : i32
    %dma_wait3A_242 = arith.constant 0 : i32
    %dma_wait3A_243 = arith.constant 0 : i32
    %dma_wait3A_244 = tpu.memref_slice %arg10[%dma_wait3A_240, %dma_wait3A_242, %dma_wait3A_243] : memref<2x128x128xf32, #tpu.memory_space<vmem>> -> memref<1x128x128xf32, #tpu.memory_space<vmem>>
    %dma_wait3A_245 = tpu.memref_squeeze %dma_wait3A_244 : memref<1x128x128xf32, #tpu.memory_space<vmem>> -> memref<128x128xf32, #tpu.memory_space<vmem>>
    %dma_wait3A_246 = arith.constant 0 : i32
    %dma_wait3A_247 = tpu.memref_slice %arg8[%dma_wait3A_239, %dma_wait3A_246] : memref<4x128xi32, #tpu.memory_space<vmem>> -> memref<1x128xi32, #tpu.memory_space<vmem>>
    %dma_wait3A_248 = tpu.memref_squeeze %dma_wait3A_247 : memref<1x128xi32, #tpu.memory_space<vmem>> -> memref<128xi32, #tpu.memory_space<vmem>>
    %dma_wait3A_249 = arith.constant 0 : i32
    %dma_wait3A_250 = arith.constant 0 : i32
    %dma_wait3A_251 = tpu.memref_slice %arg2[%dma_wait3A_249, %dma_wait3A_250] : memref<80000x128xf32, #tpu.memory_space<hbm>> -> memref<80000x128xf32, #tpu.memory_space<hbm>>
    %dma_wait3A_252 = tpu.memref_slice %arg12[%dma_wait3A_241] : memref<2x!tpu.dma_semaphore, #tpu.memory_space<semaphore_mem>> -> memref<1x!tpu.dma_semaphore, #tpu.memory_space<semaphore_mem>>
    %dma_wait3A_253 = tpu.memref_squeeze %dma_wait3A_252 : memref<1x!tpu.dma_semaphore, #tpu.memory_space<semaphore_mem>> -> memref<!tpu.dma_semaphore, #tpu.memory_space<semaphore_mem>>
    tpu.wait_indirect_dma semaphore(%dma_wait3A_253 : memref<!tpu.dma_semaphore, #tpu.memory_space<semaphore_mem>>) src(%dma_wait3A_251 : memref<80000x128xf32, #tpu.memory_space<hbm>>) dst(%dma_wait3A_245 : memref<128x128xf32, #tpu.memory_space<vmem>>)
    %dma_start3A_254 = arith.constant 1 : i32
    %dma_start3A_255 = arith.constant 3 : i32
    %dma_start3A_256 = arith.constant 1 : i32
    %dma_start3A_257 = arith.constant 0 : i32
    %dma_start3A_258 = arith.constant 0 : i32
    %dma_start3A_259 = tpu.memref_slice %arg10[%dma_start3A_254, %dma_start3A_257, %dma_start3A_258] : memref<2x128x128xf32, #tpu.memory_space<vmem>> -> memref<1x128x128xf32, #tpu.memory_space<vmem>>
    %dma_start3A_260 = tpu.memref_squeeze %dma_start3A_259 : memref<1x128x128xf32, #tpu.memory_space<vmem>> -> memref<128x128xf32, #tpu.memory_space<vmem>>
    %dma_start3A_261 = arith.constant 0 : i32
    %dma_start3A_262 = tpu.memref_slice %arg9[%dma_start3A_255, %dma_start3A_261] : memref<4x128xi32, #tpu.memory_space<vmem>> -> memref<1x128xi32, #tpu.memory_space<vmem>>
    %dma_start3A_263 = tpu.memref_squeeze %dma_start3A_262 : memref<1x128xi32, #tpu.memory_space<vmem>> -> memref<128xi32, #tpu.memory_space<vmem>>
    %dma_start3A_264 = arith.constant 0 : i32
    %dma_start3A_265 = arith.constant 0 : i32
    %dma_start3A_266 = tpu.memref_slice %arg7[%dma_start3A_264, %dma_start3A_265] : memref<10112x128xf32, #tpu.memory_space<vmem_shared>> -> memref<10112x128xf32, #tpu.memory_space<vmem_shared>>
    %dma_start3A_267 = tpu.memref_slice %arg13[%dma_start3A_256] : memref<2x!tpu.dma_semaphore, #tpu.memory_space<semaphore_mem>> -> memref<1x!tpu.dma_semaphore, #tpu.memory_space<semaphore_mem>>
    %dma_start3A_268 = tpu.memref_squeeze %dma_start3A_267 : memref<1x!tpu.dma_semaphore, #tpu.memory_space<semaphore_mem>> -> memref<!tpu.dma_semaphore, #tpu.memory_space<semaphore_mem>>
    tpu.enqueue_indirect_dma source(%dma_start3A_260 : memref<128x128xf32, #tpu.memory_space<vmem>>) target(%dma_start3A_266 : memref<10112x128xf32, #tpu.memory_space<vmem_shared>>) offsets(%dma_start3A_263 : memref<128xi32, #tpu.memory_space<vmem>>) semaphore(%dma_start3A_268 : memref<!tpu.dma_semaphore, #tpu.memory_space<semaphore_mem>>) {add = true}
    %dma_wait3A_269 = arith.constant 0 : i32
    %dma_wait3A_270 = arith.constant 2 : i32
    %dma_wait3A_271 = arith.constant 0 : i32
    %dma_wait3A_272 = arith.constant 0 : i32
    %dma_wait3A_273 = arith.constant 0 : i32
    %dma_wait3A_274 = tpu.memref_slice %arg10[%dma_wait3A_269, %dma_wait3A_272, %dma_wait3A_273] : memref<2x128x128xf32, #tpu.memory_space<vmem>> -> memref<1x128x128xf32, #tpu.memory_space<vmem>>
    %dma_wait3A_275 = tpu.memref_squeeze %dma_wait3A_274 : memref<1x128x128xf32, #tpu.memory_space<vmem>> -> memref<128x128xf32, #tpu.memory_space<vmem>>
    %dma_wait3A_276 = arith.constant 0 : i32
    %dma_wait3A_277 = tpu.memref_slice %arg9[%dma_wait3A_270, %dma_wait3A_276] : memref<4x128xi32, #tpu.memory_space<vmem>> -> memref<1x128xi32, #tpu.memory_space<vmem>>
    %dma_wait3A_278 = tpu.memref_squeeze %dma_wait3A_277 : memref<1x128xi32, #tpu.memory_space<vmem>> -> memref<128xi32, #tpu.memory_space<vmem>>
    %dma_wait3A_279 = arith.constant 0 : i32
    %dma_wait3A_280 = arith.constant 0 : i32
    %dma_wait3A_281 = tpu.memref_slice %arg7[%dma_wait3A_279, %dma_wait3A_280] : memref<10112x128xf32, #tpu.memory_space<vmem_shared>> -> memref<10112x128xf32, #tpu.memory_space<vmem_shared>>
    %dma_wait3A_282 = tpu.memref_slice %arg13[%dma_wait3A_271] : memref<2x!tpu.dma_semaphore, #tpu.memory_space<semaphore_mem>> -> memref<1x!tpu.dma_semaphore, #tpu.memory_space<semaphore_mem>>
    %dma_wait3A_283 = tpu.memref_squeeze %dma_wait3A_282 : memref<1x!tpu.dma_semaphore, #tpu.memory_space<semaphore_mem>> -> memref<!tpu.dma_semaphore, #tpu.memory_space<semaphore_mem>>
    tpu.wait_indirect_dma semaphore(%dma_wait3A_283 : memref<!tpu.dma_semaphore, #tpu.memory_space<semaphore_mem>>) src(%dma_wait3A_275 : memref<128x128xf32, #tpu.memory_space<vmem>>) dst(%dma_wait3A_281 : memref<10112x128xf32, #tpu.memory_space<vmem_shared>>)
    %dma_wait3A_284 = arith.constant 1 : i32
    %dma_wait3A_285 = arith.constant 3 : i32
    %dma_wait3A_286 = arith.constant 1 : i32
    %dma_wait3A_287 = arith.constant 0 : i32
    %dma_wait3A_288 = arith.constant 0 : i32
    %dma_wait3A_289 = tpu.memref_slice %arg10[%dma_wait3A_284, %dma_wait3A_287, %dma_wait3A_288] : memref<2x128x128xf32, #tpu.memory_space<vmem>> -> memref<1x128x128xf32, #tpu.memory_space<vmem>>
    %dma_wait3A_290 = tpu.memref_squeeze %dma_wait3A_289 : memref<1x128x128xf32, #tpu.memory_space<vmem>> -> memref<128x128xf32, #tpu.memory_space<vmem>>
    %dma_wait3A_291 = arith.constant 0 : i32
    %dma_wait3A_292 = tpu.memref_slice %arg9[%dma_wait3A_285, %dma_wait3A_291] : memref<4x128xi32, #tpu.memory_space<vmem>> -> memref<1x128xi32, #tpu.memory_space<vmem>>
    %dma_wait3A_293 = tpu.memref_squeeze %dma_wait3A_292 : memref<1x128xi32, #tpu.memory_space<vmem>> -> memref<128xi32, #tpu.memory_space<vmem>>
    %dma_wait3A_294 = arith.constant 0 : i32
    %dma_wait3A_295 = arith.constant 0 : i32
    %dma_wait3A_296 = tpu.memref_slice %arg7[%dma_wait3A_294, %dma_wait3A_295] : memref<10112x128xf32, #tpu.memory_space<vmem_shared>> -> memref<10112x128xf32, #tpu.memory_space<vmem_shared>>
    %dma_wait3A_297 = tpu.memref_slice %arg13[%dma_wait3A_286] : memref<2x!tpu.dma_semaphore, #tpu.memory_space<semaphore_mem>> -> memref<1x!tpu.dma_semaphore, #tpu.memory_space<semaphore_mem>>
    %dma_wait3A_298 = tpu.memref_squeeze %dma_wait3A_297 : memref<1x!tpu.dma_semaphore, #tpu.memory_space<semaphore_mem>> -> memref<!tpu.dma_semaphore, #tpu.memory_space<semaphore_mem>>
    tpu.wait_indirect_dma semaphore(%dma_wait3A_298 : memref<!tpu.dma_semaphore, #tpu.memory_space<semaphore_mem>>) src(%dma_wait3A_290 : memref<128x128xf32, #tpu.memory_space<vmem>>) dst(%dma_wait3A_296 : memref<10112x128xf32, #tpu.memory_space<vmem_shared>>)
    %dma_wait3A_299 = arith.constant 0 : i32
    %dma_wait3A_300 = arith.constant 0 : i32
    %dma_wait3A_301 = arith.constant 0 : i32
    %dma_wait3A_302 = tpu.memref_slice %arg8[%dma_wait3A_299, %dma_wait3A_301] : memref<4x128xi32, #tpu.memory_space<vmem>> -> memref<1x128xi32, #tpu.memory_space<vmem>>
    %dma_wait3A_303 = tpu.memref_squeeze %dma_wait3A_302 : memref<1x128xi32, #tpu.memory_space<vmem>> -> memref<128xi32, #tpu.memory_space<vmem>>
    %dma_wait3A_304 = tpu.memref_slice %arg3[%mul3A_2] : memref<327680xi32, #tpu.memory_space<hbm>> -> memref<128xi32, #tpu.memory_space<hbm>>
    %dma_wait3A_305 = tpu.memref_slice %arg11[%dma_wait3A_300] : memref<4x!tpu.dma_semaphore, #tpu.memory_space<semaphore_mem>> -> memref<1x!tpu.dma_semaphore, #tpu.memory_space<semaphore_mem>>
    %dma_wait3A_306 = tpu.memref_squeeze %dma_wait3A_305 : memref<1x!tpu.dma_semaphore, #tpu.memory_space<semaphore_mem>> -> memref<!tpu.dma_semaphore, #tpu.memory_space<semaphore_mem>>
    %dma_wait3A_307 = arith.constant 0 : i32
    %dma_wait3A_308 = tpu.memref_slice %arg8[%dma_wait3A_299, %dma_wait3A_307] : memref<4x128xi32, #tpu.memory_space<vmem>> -> memref<1x128xi32, #tpu.memory_space<vmem>>
    %dma_wait3A_309 = tpu.memref_squeeze %dma_wait3A_308 : memref<1x128xi32, #tpu.memory_space<vmem>> -> memref<128xi32, #tpu.memory_space<vmem>>
    %dma_wait3A_310 = tpu.memref_slice %arg3[%mul3A_2] : memref<327680xi32, #tpu.memory_space<hbm>> -> memref<128xi32, #tpu.memory_space<hbm>>
    tpu.wait_dma2 semaphore(%dma_wait3A_306 : memref<!tpu.dma_semaphore, #tpu.memory_space<semaphore_mem>>) src(%dma_wait3A_310 : memref<128xi32, #tpu.memory_space<hbm>>) dst(%dma_wait3A_309 : memref<128xi32, #tpu.memory_space<vmem>>)
    %dma_wait3A_311 = arith.constant 0 : i32
    %dma_wait3A_312 = arith.constant 0 : i32
    %dma_wait3A_313 = arith.constant 0 : i32
    %dma_wait3A_314 = tpu.memref_slice %arg9[%dma_wait3A_311, %dma_wait3A_313] : memref<4x128xi32, #tpu.memory_space<vmem>> -> memref<1x128xi32, #tpu.memory_space<vmem>>
    %dma_wait3A_315 = tpu.memref_squeeze %dma_wait3A_314 : memref<1x128xi32, #tpu.memory_space<vmem>> -> memref<128xi32, #tpu.memory_space<vmem>>
    %dma_wait3A_316 = tpu.memref_slice %arg4[%mul3A_2] : memref<163840xi32, #tpu.memory_space<hbm>> -> memref<128xi32, #tpu.memory_space<hbm>>
    %dma_wait3A_317 = tpu.memref_slice %arg11[%dma_wait3A_312] : memref<4x!tpu.dma_semaphore, #tpu.memory_space<semaphore_mem>> -> memref<1x!tpu.dma_semaphore, #tpu.memory_space<semaphore_mem>>
    %dma_wait3A_318 = tpu.memref_squeeze %dma_wait3A_317 : memref<1x!tpu.dma_semaphore, #tpu.memory_space<semaphore_mem>> -> memref<!tpu.dma_semaphore, #tpu.memory_space<semaphore_mem>>
    %dma_wait3A_319 = arith.constant 0 : i32
    %dma_wait3A_320 = tpu.memref_slice %arg9[%dma_wait3A_311, %dma_wait3A_319] : memref<4x128xi32, #tpu.memory_space<vmem>> -> memref<1x128xi32, #tpu.memory_space<vmem>>
    %dma_wait3A_321 = tpu.memref_squeeze %dma_wait3A_320 : memref<1x128xi32, #tpu.memory_space<vmem>> -> memref<128xi32, #tpu.memory_space<vmem>>
    %dma_wait3A_322 = tpu.memref_slice %arg4[%mul3A_2] : memref<163840xi32, #tpu.memory_space<hbm>> -> memref<128xi32, #tpu.memory_space<hbm>>
    tpu.wait_dma2 semaphore(%dma_wait3A_318 : memref<!tpu.dma_semaphore, #tpu.memory_space<semaphore_mem>>) src(%dma_wait3A_322 : memref<128xi32, #tpu.memory_space<hbm>>) dst(%dma_wait3A_321 : memref<128xi32, #tpu.memory_space<vmem>>)
    %dma_wait3A_323 = arith.constant 1 : i32
    %dma_wait3A_324 = arith.constant 1 : i32
    %dma_wait3A_325 = arith.constant 0 : i32
    %dma_wait3A_326 = tpu.memref_slice %arg8[%dma_wait3A_323, %dma_wait3A_325] : memref<4x128xi32, #tpu.memory_space<vmem>> -> memref<1x128xi32, #tpu.memory_space<vmem>>
    %dma_wait3A_327 = tpu.memref_squeeze %dma_wait3A_326 : memref<1x128xi32, #tpu.memory_space<vmem>> -> memref<128xi32, #tpu.memory_space<vmem>>
    %dma_wait3A_328 = tpu.memref_slice %arg3[%mul3A_2] : memref<327680xi32, #tpu.memory_space<hbm>> -> memref<128xi32, #tpu.memory_space<hbm>>
    %dma_wait3A_329 = tpu.memref_slice %arg11[%dma_wait3A_324] : memref<4x!tpu.dma_semaphore, #tpu.memory_space<semaphore_mem>> -> memref<1x!tpu.dma_semaphore, #tpu.memory_space<semaphore_mem>>
    %dma_wait3A_330 = tpu.memref_squeeze %dma_wait3A_329 : memref<1x!tpu.dma_semaphore, #tpu.memory_space<semaphore_mem>> -> memref<!tpu.dma_semaphore, #tpu.memory_space<semaphore_mem>>
    %dma_wait3A_331 = arith.constant 0 : i32
    %dma_wait3A_332 = tpu.memref_slice %arg8[%dma_wait3A_323, %dma_wait3A_331] : memref<4x128xi32, #tpu.memory_space<vmem>> -> memref<1x128xi32, #tpu.memory_space<vmem>>
    %dma_wait3A_333 = tpu.memref_squeeze %dma_wait3A_332 : memref<1x128xi32, #tpu.memory_space<vmem>> -> memref<128xi32, #tpu.memory_space<vmem>>
    %dma_wait3A_334 = tpu.memref_slice %arg3[%mul3A_2] : memref<327680xi32, #tpu.memory_space<hbm>> -> memref<128xi32, #tpu.memory_space<hbm>>
    tpu.wait_dma2 semaphore(%dma_wait3A_330 : memref<!tpu.dma_semaphore, #tpu.memory_space<semaphore_mem>>) src(%dma_wait3A_334 : memref<128xi32, #tpu.memory_space<hbm>>) dst(%dma_wait3A_333 : memref<128xi32, #tpu.memory_space<vmem>>)
    %dma_wait3A_335 = arith.constant 1 : i32
    %dma_wait3A_336 = arith.constant 1 : i32
    %dma_wait3A_337 = arith.constant 0 : i32
    %dma_wait3A_338 = tpu.memref_slice %arg9[%dma_wait3A_335, %dma_wait3A_337] : memref<4x128xi32, #tpu.memory_space<vmem>> -> memref<1x128xi32, #tpu.memory_space<vmem>>
    %dma_wait3A_339 = tpu.memref_squeeze %dma_wait3A_338 : memref<1x128xi32, #tpu.memory_space<vmem>> -> memref<128xi32, #tpu.memory_space<vmem>>
    %dma_wait3A_340 = tpu.memref_slice %arg4[%mul3A_2] : memref<163840xi32, #tpu.memory_space<hbm>> -> memref<128xi32, #tpu.memory_space<hbm>>
    %dma_wait3A_341 = tpu.memref_slice %arg11[%dma_wait3A_336] : memref<4x!tpu.dma_semaphore, #tpu.memory_space<semaphore_mem>> -> memref<1x!tpu.dma_semaphore, #tpu.memory_space<semaphore_mem>>
    %dma_wait3A_342 = tpu.memref_squeeze %dma_wait3A_341 : memref<1x!tpu.dma_semaphore, #tpu.memory_space<semaphore_mem>> -> memref<!tpu.dma_semaphore, #tpu.memory_space<semaphore_mem>>
    %dma_wait3A_343 = arith.constant 0 : i32
    %dma_wait3A_344 = tpu.memref_slice %arg9[%dma_wait3A_335, %dma_wait3A_343] : memref<4x128xi32, #tpu.memory_space<vmem>> -> memref<1x128xi32, #tpu.memory_space<vmem>>
    %dma_wait3A_345 = tpu.memref_squeeze %dma_wait3A_344 : memref<1x128xi32, #tpu.memory_space<vmem>> -> memref<128xi32, #tpu.memory_space<vmem>>
    %dma_wait3A_346 = tpu.memref_slice %arg4[%mul3A_2] : memref<163840xi32, #tpu.memory_space<hbm>> -> memref<128xi32, #tpu.memory_space<hbm>>
    tpu.wait_dma2 semaphore(%dma_wait3A_342 : memref<!tpu.dma_semaphore, #tpu.memory_space<semaphore_mem>>) src(%dma_wait3A_346 : memref<128xi32, #tpu.memory_space<hbm>>) dst(%dma_wait3A_345 : memref<128xi32, #tpu.memory_space<vmem>>)
    %barrier3A_347 = arith.constant 0 : index
    tpu.barrier barrier_id(%barrier3A_347)
    %lt3A = arith.constant 15 : i32
    %lt3A_348 = arith.cmpi slt, %arg1, %lt3A : i32
    %convert_element_type3A = arith.extui %lt3A_348 : i1 to i32
    %cond3A = arith.constant 0 : i32
    %cond3A_349 = arith.cmpi ne, %convert_element_type3A, %cond3A : i32
    scf.if %cond3A_349 {
      %mul3A_354 = arith.constant 128 : i32
      %mul3A_355 = arith.muli %arg0, %mul3A_354 : i32
      %multiple_of3A = tpu.assume_multiple %mul3A_355, 128 : i32
      "tpu.region"() ({
        %run_scoped3A = tpu.sem_alloc : memref<!tpu.dma_semaphore, #tpu.memory_space<semaphore_mem>>
        %dma_start3A_356 = tpu.memref_slice %arg6[%mul3A_0, %multiple_of3A] : memref<10000x256xf32, #tpu.memory_space<hbm>> -> memref<632x128xf32, #tpu.memory_space<hbm>>
        %dma_start3A_357 = arith.constant 0 : i32
        %dma_start3A_358 = tpu.memref_slice %arg7[%mul3A_0, %dma_start3A_357] : memref<10112x128xf32, #tpu.memory_space<vmem_shared>> -> memref<632x128xf32, #tpu.memory_space<vmem_shared>>
        tpu.enqueue_dma source(%dma_start3A_358 : memref<632x128xf32, #tpu.memory_space<vmem_shared>>) target(%dma_start3A_356 : memref<632x128xf32, #tpu.memory_space<hbm>>) target_semaphore(%run_scoped3A : memref<!tpu.dma_semaphore, #tpu.memory_space<semaphore_mem>>)
        %dma_wait3A_359 = tpu.memref_slice %arg6[%mul3A_0, %multiple_of3A] : memref<10000x256xf32, #tpu.memory_space<hbm>> -> memref<632x128xf32, #tpu.memory_space<hbm>>
        %dma_wait3A_360 = arith.constant 0 : i32
        %dma_wait3A_361 = tpu.memref_slice %arg7[%mul3A_0, %dma_wait3A_360] : memref<10112x128xf32, #tpu.memory_space<vmem_shared>> -> memref<632x128xf32, #tpu.memory_space<vmem_shared>>
        tpu.wait_dma2 semaphore(%run_scoped3A : memref<!tpu.dma_semaphore, #tpu.memory_space<semaphore_mem>>) src(%dma_wait3A_361 : memref<632x128xf32, #tpu.memory_space<vmem_shared>>) dst(%dma_wait3A_359 : memref<632x128xf32, #tpu.memory_space<hbm>>)
        tpu.yield
      }) : () -> ()
    } else {
    }
    %eq3A = arith.constant 15 : i32
    %eq3A_350 = arith.cmpi eq, %arg1, %eq3A : i32
    %convert_element_type3A_351 = arith.extui %eq3A_350 : i1 to i32
    %cond3A_352 = arith.constant 0 : i32
    %cond3A_353 = arith.cmpi ne, %convert_element_type3A_351, %cond3A_352 : i32
    scf.if %cond3A_353 {
      %mul3A_354 = arith.constant 128 : i32
      %mul3A_355 = arith.muli %arg0, %mul3A_354 : i32
      %multiple_of3A = tpu.assume_multiple %mul3A_355, 128 : i32
      "tpu.region"() ({
        %run_scoped3A = tpu.sem_alloc : memref<!tpu.dma_semaphore, #tpu.memory_space<semaphore_mem>>
        %dma_start3A_356 = tpu.memref_slice %arg6[%mul3A_0, %multiple_of3A] : memref<10000x256xf32, #tpu.memory_space<hbm>> -> memref<520x128xf32, #tpu.memory_space<hbm>>
        %dma_start3A_357 = arith.constant 0 : i32
        %dma_start3A_358 = tpu.memref_slice %arg7[%mul3A_0, %dma_start3A_357] : memref<10112x128xf32, #tpu.memory_space<vmem_shared>> -> memref<520x128xf32, #tpu.memory_space<vmem_shared>>
        tpu.enqueue_dma source(%dma_start3A_358 : memref<520x128xf32, #tpu.memory_space<vmem_shared>>) target(%dma_start3A_356 : memref<520x128xf32, #tpu.memory_space<hbm>>) target_semaphore(%run_scoped3A : memref<!tpu.dma_semaphore, #tpu.memory_space<semaphore_mem>>)
        %dma_wait3A_359 = tpu.memref_slice %arg6[%mul3A_0, %multiple_of3A] : memref<10000x256xf32, #tpu.memory_space<hbm>> -> memref<520x128xf32, #tpu.memory_space<hbm>>
        %dma_wait3A_360 = arith.constant 0 : i32
        %dma_wait3A_361 = tpu.memref_slice %arg7[%mul3A_0, %dma_wait3A_360] : memref<10112x128xf32, #tpu.memory_space<vmem_shared>> -> memref<520x128xf32, #tpu.memory_space<vmem_shared>>
        tpu.wait_dma2 semaphore(%run_scoped3A : memref<!tpu.dma_semaphore, #tpu.memory_space<semaphore_mem>>) src(%dma_wait3A_361 : memref<520x128xf32, #tpu.memory_space<vmem_shared>>) dst(%dma_wait3A_359 : memref<520x128xf32, #tpu.memory_space<hbm>>)
        tpu.yield
      }) : () -> ()
    } else {
    }
    return
  }
}

module attributes {stable_mosaic.version = 14 : i64} {
  func.func @_mm1_body(%arg0: i32, %arg1: memref<1000x256xf32, #tpu.memory_space<vmem>>, %arg2: memref<256x1024xf32, #tpu.memory_space<vmem>>, %arg3: memref<1000x1024xf32, #tpu.memory_space<vmem>>) attributes {dimension_semantics = [#tpu.dimension_semantics<arbitrary>], iteration_bounds = array<i64: 10>, scalar_prefetch = 0 : i64, scratch_operands = 0 : i64, tpu.core_type = #tpu.core_type<tc>, window_params = [{transform_indices = @transform_0, window_bounds = array<i64: 1000, 256>}, {pipeline_mode = #tpu.pipeline_mode<synchronous>, transform_indices = @transform_1, window_bounds = array<i64: 256, 1024>}, {transform_indices = @transform_2, window_bounds = array<i64: 1000, 1024>}]} {
    %get3A = arith.constant 0 : index
    %get3A_0 = arith.constant 0 : index
    %get3A_1 = vector.load %arg1[%get3A, %get3A_0] : memref<1000x256xf32, #tpu.memory_space<vmem>>, vector<1000x256xf32>
    %get3A_2 = arith.constant 0 : index
    %get3A_3 = arith.constant 0 : index
    %get3A_4 = vector.load %arg2[%get3A_2, %get3A_3] : memref<256x1024xf32, #tpu.memory_space<vmem>>, vector<256x1024xf32>
    %dot_general3A = arith.constant dense<0.000000e+00> : vector<1000x1024xf32>
    %dot_general3A_5 = tpu.matmul %get3A_1, %get3A_4, %dot_general3A {dimension_numbers = #tpu.dot_dimension_numbers<[1], [0], [0], [1], [0, 0, 1, 1], [], []>, transpose_lhs_hint = false} : vector<1000x256xf32>, vector<256x1024xf32>, vector<1000x1024xf32> -> vector<1000x1024xf32>
    %swap3A = arith.constant 0 : index
    %swap3A_6 = arith.constant 0 : index
    %swap3A_7 = vector.load %arg3[%swap3A, %swap3A_6] : memref<1000x1024xf32, #tpu.memory_space<vmem>>, vector<1000x1024xf32>
    tpu.vector_store %arg3[%swap3A, %swap3A_6], %dot_general3A_5 {strides = array<i32>} : memref<1000x1024xf32, #tpu.memory_space<vmem>>, vector<1000x1024xf32>,
    return
  }
  func.func @transform_0(%arg0: i32) -> (i32, i32) {
    %c0_i32 = arith.constant 0 : i32
    %c0_i32_0 = arith.constant 0 : i32
    return %arg0, %c0_i32 : i32, i32
  }
  func.func @transform_1(%arg0: i32) -> (i32, i32) {
    %c0_i32 = arith.constant 0 : i32
    %c0_i32_0 = arith.constant 0 : i32
    %c0_i32_1 = arith.constant 0 : i32
    return %c0_i32, %c0_i32_0 : i32, i32
  }
  func.func @transform_2(%arg0: i32) -> (i32, i32) {
    %c0_i32 = arith.constant 0 : i32
    %c0_i32_0 = arith.constant 0 : i32
    return %arg0, %c0_i32 : i32, i32
  }
}

module attributes {stable_mosaic.version = 14 : i64} {
  func.func @_mm2_body(%arg0: i32, %arg1: memref<1000x256xf32, #tpu.memory_space<vmem>>, %arg2: memref<256x1024xf32, #tpu.memory_space<vmem>>, %arg3: memref<1000x1024xf32, #tpu.memory_space<vmem>>) attributes {dimension_semantics = [#tpu.dimension_semantics<arbitrary>], iteration_bounds = array<i64: 10>, scalar_prefetch = 0 : i64, scratch_operands = 0 : i64, tpu.core_type = #tpu.core_type<tc>, window_params = [{transform_indices = @transform_0, window_bounds = array<i64: 1000, 256>}, {pipeline_mode = #tpu.pipeline_mode<synchronous>, transform_indices = @transform_1, window_bounds = array<i64: 256, 1024>}, {transform_indices = @transform_2, window_bounds = array<i64: 1000, 1024>}]} {
    %get3A = arith.constant 0 : index
    %get3A_0 = arith.constant 0 : index
    %get3A_1 = vector.load %arg1[%get3A, %get3A_0] : memref<1000x256xf32, #tpu.memory_space<vmem>>, vector<1000x256xf32>
    %max3A = arith.constant 0.000000e+00 : f32
    %max3A_2 = vector.broadcast %max3A : f32 to vector<1000x256xf32>
    %max3A_3 = arith.maximumf %get3A_1, %max3A_2 : vector<1000x256xf32>
    %get3A_4 = arith.constant 0 : index
    %get3A_5 = arith.constant 0 : index
    %get3A_6 = vector.load %arg2[%get3A_4, %get3A_5] : memref<256x1024xf32, #tpu.memory_space<vmem>>, vector<256x1024xf32>
    %dot_general3A = arith.constant dense<0.000000e+00> : vector<1000x1024xf32>
    %dot_general3A_7 = tpu.matmul %max3A_3, %get3A_6, %dot_general3A {dimension_numbers = #tpu.dot_dimension_numbers<[1], [0], [0], [1], [0, 0, 1, 1], [], []>, transpose_lhs_hint = false} : vector<1000x256xf32>, vector<256x1024xf32>, vector<1000x1024xf32> -> vector<1000x1024xf32>
    %swap3A = arith.constant 0 : index
    %swap3A_8 = arith.constant 0 : index
    %swap3A_9 = vector.load %arg3[%swap3A, %swap3A_8] : memref<1000x1024xf32, #tpu.memory_space<vmem>>, vector<1000x1024xf32>
    tpu.vector_store %arg3[%swap3A, %swap3A_8], %dot_general3A_7 {strides = array<i32>} : memref<1000x1024xf32, #tpu.memory_space<vmem>>, vector<1000x1024xf32>,
    return
  }
  func.func @transform_0(%arg0: i32) -> (i32, i32) {
    %c0_i32 = arith.constant 0 : i32
    %c0_i32_0 = arith.constant 0 : i32
    return %arg0, %c0_i32 : i32, i32
  }
  func.func @transform_1(%arg0: i32) -> (i32, i32) {
    %c0_i32 = arith.constant 0 : i32
    %c0_i32_0 = arith.constant 0 : i32
    %c0_i32_1 = arith.constant 0 : i32
    return %c0_i32, %c0_i32_0 : i32, i32
  }
  func.func @transform_2(%arg0: i32) -> (i32, i32) {
    %c0_i32 = arith.constant 0 : i32
    %c0_i32_0 = arith.constant 0 : i32
    return %arg0, %c0_i32 : i32, i32
  }
}

</mosaic_0001>

<sc_bundles>
// kernel: kernel.6.cloned.1.call-start
scs
__scs_entry_jumppad:
0x0: {  	(pc) =	sbr.rel $0x88, $3  }
0x1: {  	(tag) =	ssettag $0x0;
	lr =	simm.s32 $0x1  }
0x2: {  	[smem:$0x3F9A] =	sst lr;
	_ =	strace $0xD0000000  }
0x3: {  	_ = 	snop  }
0x4: {  	_ = 	snop  }
0x5: {  	_ = 	snop  }
0x6: {  	_ = 	snop  }
0x7: {  	_ = 	snop  }
__scs_overlays_trampoline_lowered:
0x8: {  	[smem:$0x3FA9] =	sst s0  }
0x9: {  	[smem:$0x3FAA] =	sst s1  }
0xa: {  	[smem:$0x3FAB] =	sst s2  }
0xb: {  	[smem:$0x3FAC] =	sst s3  }
0xc: {  	[smem:$0x3FAD] =	sst s4  }
0xd: {  	[smem:$0x3FAE] =	sst s5  }
0xe: {  	[smem:$0x3FAF] =	sst s6  }
0xf: {  	[smem:$0x3FB0] =	sst s7  }
0x10: {  	[smem:$0x3FB1] =	sst s8  }
0x11: {  	[smem:$0x3FB2] =	sst s9;
	s0 =	simm.s32 @!p0 $0x0  }
0x12: {  	s1 =	sld [smem:$0x3F98];
	s0 =	simm.s32 @p0 $0x1  }
0x13: {  	[smem:$0x3FB3] =	sst s0;
	s0 =	simm.s32 @!p1 $0x0  }
0x14: {  	s2 =	sld [smem:$0x3F97];
	s0 =	simm.s32 @p1 $0x1  }
0x15: {  	[smem:$0x3FB4] =	sst s0;
	s0 =	simm.s32 @!p2 $0x0  }
0x16: {  	s3 =	sld [smem:$0x3FDB];
	s0 =	simm.s32 @p2 $0x1  }
0x17: {  	s4 =	simm.s32 $0x1BF5;
	[smem:$0x3FB6] =	sst s0  }
0x18: {  	s0 =	sld [smem:$0x3F99];
	_ =	swait.ge [sflag:s4], $0x0  }
0x19: {  	s7 =	sld [smem:$0x3F9A]  }
0x1a: {  	s8 =	sadd.s32 $0xFFFFE003, lr  }
0x1b: {  	s9 =	sadd.s32 $0xFFFFFEF7, lr;
	s5 =	simm.s32 $0xFFFFFFFF;
	p2 =	slt.u32 s8, $0xFFFFF086  }
0x1c: {  	p1 =	slt.u32 s9, $0xF7A;
	s5 =	simm.s32 @!p2 $0x0  }
0x1d: {  	s5 =	simm.s32 @p1 $0x1;
	p0 =	seq.s32 s7, s2  }
0x1e: {  	s7 =	smul.u32 @!p0 $0xF7A, s2;
	p2 =	seq.s32 @!p0 s5, $0x0  }
0x1f: {  	s9 =	smul.u32 $0xF7A, s1;
	s8 =	simm.s32 @!p0 $0x1BF5;
	p2 =	por !p2, p0  }
0x20: {  	[sflag:s8] =	ssyncset.s32 @!p0 $0xFFFFF086;
	s6 =	sadd.s32 @!p0 s3, s7;
	s7 =	simm.s32 @!p0 $0x108  }
0x21: {  	s3 =	sadd.s32 s3, s9;
	s6 =	sadd.s32 @!p0 $0x88, s6;
	s7 =	simm.s32 @p2 $0x1082  }
0x22: {  	[simem:s7], [sflag:s8] =	dma.local @!p0 [hbm:s6], $0xF7A  }
0x23: {  	s9 =	sor.u32 $0xD0000000, s2;
	s6 =	simm.s32 $0x108;
	_ =	swait.ge @!p0 [sflag:s8], $0x0  }
0x24: {  	s3 =	sadd.s32 $0x88, s3;
	s6 =	simm.s32 @!p1 $0x1082;
	[sflag:s4] =	ssyncset.s32 $0xFFFFF086  }
0x25: {  	[simem:s6], [sflag:s4] =	dma.local [hbm:s3], $0xF7A  }
0x26: {  	[smem:$0x3F9A] =	sst s1;
	(tag) =	ssettag s2;
	_ =	strace s9  }
0x27: {  	s1 =	sld [smem:$0x3FAA]  }
0x28: {  	s2 =	sld [smem:$0x3FAB]  }
0x29: {  	s4 =	sld [smem:$0x3FAD]  }
0x2a: {  	p0 =	seq.s32 s5, $0x0;
	s5 =	sld [smem:$0x3FAE]  }
0x2b: {  	s6 =	sld [smem:$0x3FAF]  }
0x2c: {  	s7 =	sld [smem:$0x3FB0]  }
0x2d: {  	s3 =	simm.s32 $0x108;
	s8 =	sld [smem:$0x3FB1]  }
0x2e: {  	s3 =	simm.s32 @!p0 $0x1082;
	s9 =	sld [smem:$0x3FB2]  }
0x2f: {  	lr =	sadd.s32 s0, s3;
	s0 =	sld [smem:$0x3FA9]  }
0x30: {  	s3 =	sld [smem:$0x3FAC]  }
0x31: {  	[smem:$0x3FB5] =	sst s10  }
0x32: {  	s10 =	sld [smem:$0x3FB3];
	_ =	sdelay $0x3  }
0x33: {  	p0 =	seq.s32 s10, $0x1;
	s10 =	sld [smem:$0x3FB5];
	_ =	sdelay $0x3  }
0x34: {  	[smem:$0x3FB5] =	sst s10  }
0x35: {  	s10 =	sld [smem:$0x3FB4];
	_ =	sdelay $0x3  }
0x36: {  	p1 =	seq.s32 s10, $0x1;
	s10 =	sld [smem:$0x3FB5];
	_ =	sdelay $0x3  }
0x37: {  	[smem:$0x3FB5] =	sst s10  }
0x38: {  	s10 =	sld [smem:$0x3FB6]  }
0x39: {  	_ = 	snop;
	(pc) =	sbr.ind lr, $3  }
0x3a: {  	_ = 	snop  }
0x3b: {  	_ = 	snop  }
0x3c: {  	p2 =	seq.s32 s10, $0x1;
	s10 =	sld [smem:$0x3FB5]  }
0x3d: {  	_ =	shalt  }
0x3e: {  	_ =	shalt  }
0x3f: {  	_ =	shalt  }
0x40: {  	_ =	shalt  }
0x41: {  	_ =	shalt  }
0x42: {  	_ =	shalt  }
0x43: {  	_ =	shalt  }
0x44: {  	_ =	shalt  }
0x45: {  	_ =	shalt  }
0x46: {  	_ =	shalt  }
0x47: {  	_ =	shalt  }
0x48: {  	_ =	shalt  }
0x49: {  	_ =	shalt  }
0x4a: {  	_ =	shalt  }
0x4b: {  	_ =	shalt  }
0x4c: {  	_ =	shalt  }
0x4d: {  	_ =	shalt  }
0x4e: {  	_ =	shalt  }
0x4f: {  	_ =	shalt  }
0x50: {  	_ =	shalt  }
0x51: {  	_ =	shalt  }
0x52: {  	_ =	shalt  }
0x53: {  	_ =	shalt  }
0x54: {  	_ =	shalt  }
0x55: {  	_ =	shalt  }
0x56: {  	_ =	shalt  }
0x57: {  	_ =	shalt  }
0x58: {  	_ =	shalt  }
0x59: {  	_ =	shalt  }
0x5a: {  	_ =	shalt  }
0x5b: {  	_ =	shalt  }
0x5c: {  	_ =	shalt  }
0x5d: {  	_ =	shalt  }
0x5e: {  	_ =	shalt  }
0x5f: {  	_ =	shalt  }
0x60: {  	_ =	shalt  }
0x61: {  	_ =	shalt  }
0x62: {  	_ =	shalt  }
0x63: {  	_ =	shalt  }
0x64: {  	_ =	shalt  }
0x65: {  	_ =	shalt  }
0x66: {  	_ =	shalt  }
0x67: {  	_ =	shalt  }
0x68: {  	_ =	shalt  }
0x69: {  	_ =	shalt  }
0x6a: {  	_ =	shalt  }
0x6b: {  	_ =	shalt  }
0x6c: {  	_ =	shalt  }
0x6d: {  	_ =	shalt  }
0x6e: {  	_ =	shalt  }
0x6f: {  	_ =	shalt  }
0x70: {  	_ =	shalt  }
0x71: {  	_ =	shalt  }
0x72: {  	_ =	shalt  }
0x73: {  	_ =	shalt  }
0x74: {  	_ =	shalt  }
0x75: {  	_ =	shalt  }
0x76: {  	_ =	shalt  }
0x77: {  	_ =	shalt  }
0x78: {  	_ =	shalt  }
0x79: {  	_ =	shalt  }
0x7a: {  	_ =	shalt  }
0x7b: {  	_ =	shalt  }
0x7c: {  	_ =	shalt  }
0x7d: {  	_ =	shalt  }
0x7e: {  	_ =	shalt  }
0x7f: {  	_ =	shalt  }
0x80: {  	_ =	shalt  }
0x81: {  	_ =	shalt  }
0x82: {  	_ =	shalt  }
0x83: {  	_ =	shalt  }
0x84: {  	_ =	shalt  }
0x85: {  	_ =	shalt  }
0x86: {  	_ =	shalt  }
0x87: {  	_ =	shalt  }
.Lfunc_end0:
.L_simem_size_0:
called_computation_lowered:
.L_overlay_start_0:
0x88: {  	s2 =	sld [smem:$0x3FD9]  }
0x89: {  	s3 =	sld [smem:$0x3FFE];
	_ =	sdelay $0x1  }
0x8a: {  	s1 =	srdreg.scid  }
0x8b: {  	s0 =	sand.u32 $0x1, s1  }
0x8c: {  	s17 =	sshll.u32 s0, $0xA;
	s2 =	sadd.s32 s3, s2  }
0x8d: {  	s2 =	sadd.s32 s2, s17  }
0x8e: {  	[smem:$0x3FC1] =	sst s2  }
0x8f: {  	_ = 	snop  }
0x90: {  	s2 =	sld [smem:$0x3FD0];
	(tm) =	ssettm $0x1  }
0x91: {  	s18 =	sld [smem:$0x3FFB];
	_ =	sdelay $0x3  }
0x92: {  	_ =	strace s18  }
0x93: {  	s3 =	sld [smem:$0x3FFC];
	_ =	sdelay $0x3  }
0x94: {  	_ =	strace s3  }
0x95: {  	s3 =	sld [smem:$0x3FFD];
	_ =	sdelay $0x3  }
0x96: {  	_ =	strace s3  }
0x97: {  	_ =	strace $0x8FFFFFFF  }
0x98: {  	s19 =	sld [smem:$0x3FDB];
	_ =	sdelay $0x1  }
0x99: {  	s4 =	simm.s32 $_scs_section_size  }
0x9a: {  	s5 =	simm.s32 $_size__tile_overlayer_lowered;
	s6 =	simm.s32 $_tile_overlayer_lowered  }
0x9b: {  	s22 =	simm.s32 $0x1BFF;
	s21 =	sshll.u32 s6, $0x1;
	s3 =	sadd.s32 s4, s19  }
0x9c: {  	s7 =	simm.s32 $0x0;
	s20 =	sshll.u32 s5, $0x1;
	s5 =	sadd.s32 s21, s3  }
0x9d: {  	[timem:s7], [sflag:s22] =	dma.local [hbm:s5], s20  }
0x9e: {  	_ =	swait.ge [sflag:s22], s20  }
0x9f: {  	s4 =	ssub.s32 $0x0, s20;
	[sflag:s22] =	ssyncset.done $0x0  }
0xa0: {  	[sflag:s22] =	ssyncadd.s32 s4;
	_ =	sdelay $0x1  }
0xa1: {  	s23 =	simm.s32 $0x1B8B  }
0xa2: {  	_ =	swait.ge [sflag:s23], $0x1  }
0xa3: {  	[sflag:s23] =	ssyncset.done $0x0  }
0xa4: {  	s25 =	simm.s32 $0x1B8E;
	s24 =	sld [smem:$0x3FFE];
	[sflag:s23] =	ssyncadd.s32 $0xFFFFFFFF  }
0xa5: {  	s26 =	simm.s32 $execute0_lowered;
	[smem:$0x3FD2] =	sst s25  }
0xa6: {  	s5 =	sshll.u32 s26, $0x1;
	_ =	strace $0x80000046;
	[dreg:$0x1] =	wrdreg $0xFFFFFFFF  }
0xa7: {  	s28 =	simm.s32 $_size_execute0_lowered;
	s3 =	sadd.s32 s3, s5;
	[dreg:$0x0] =	wrdreg $0x0  }
0xa8: {  	s5 =	sshll.u32 s28, $0x1;
	[dreg:$0x2] =	wrdreg s3  }
0xa9: {  	[dreg:$0x3] =	wrdreg s5  }
0xaa: {  	[dreg:$0x4] =	wrdreg $0xC0  }
0xab: {  	_ =	task [dreg:s7], $0x5FFFF  }
0xac: {  	[dreg:$0x1] =	wrdreg $0xFFFFFFFF  }
0xad: {  	[dreg:$0x0] =	wrdreg $0x60  }
0xae: {  	[dreg:$0x2] =	wrdreg s24  }
0xaf: {  	[dreg:$0x3] =	wrdreg s2  }
0xb0: {  	[dreg:$0x4] =	wrdreg $0x0  }
0xb1: {  	[dreg:$0x5] =	wrdreg $0x9  }
0xb2: {  	_ =	task.clear_ibuf [dreg:s7], $0x6FFFF;
	_ =	strace $0x90000046  }
0xb3: {  	s29 =	simm.s32 $0x9;
	_ =	strace $0x80000048  }
0xb4: {  	_ =	swait.ge [sflag:s29], $0x1  }
0xb5: {  	[sflag:s29] =	ssyncadd.s32 $0xFFFFFFFF  }
0xb6: {  	_ =	strace $0x90000048  }
0xb7: {  	_ =	sfence  }
0xb8: {  	s30 =	sld [smem:$0x0];
	_ =	sdelay $0x2  }
0xb9: {  	s31 =	sshll.u32 s1, $0xD;
	s1 =	sshrl.u32 s1, $0x2  }
0xba: {  	s3 =	sand.u32 $0x4000, s31;
	s1 =	sadd.s32 s1, s30  }
0xbb: {  	s0 =	sor.u32 s3, s0;
	s1 =	sshll.u32 s1, $0x11  }
0xbc: {  	s0 =	sor.u32 s1, s0  }
0xbd: {  	s0 =	sadd.s32 $0x8F2B, s0  }
0xbe: {  	[sflag:s0] =	ssyncadd.remote.s32 $0x1  }
0xbf: {  	_ =	sfence.sel $0xFFFF  }
0xc0: {  	[dreg:$0x0] =	wrdreg $0xFFFFFFFF;
	(pc) =	sbr.abs _section_cstart, $3  }
0xc1: {  	[dreg:$0x1] =	wrdreg $0xFFFFFFFF  }
0xc2: {  	_ =	task.clear_ibuf [dreg:s7], $0x2FFFF;
	_ =	strace $0x9FFFFFFF  }
0xc3: {  	(tm) =	ssettm $0x7FFFFFFF  }
tec
execute0_lowered:
.L_overlay_start_1:
0x0: {  	(tag) =	ssettag $0x1  }
0x1: {  	s0 =	rddreg [dreg:$0x0]  }
0x2: {  	s3 =	rddreg [dreg:$0x1]  }
0x3: {  	s1 =	rddreg [dreg:$0x2];
	s2 =	simm.s32 $0x0;
	s15 =	stileid.u32  }
0x4: {  	s4 =	srdreg.scid;
	s29 =	simm.s32 $0x80;
	s5 =	smul.u32 $0x2800, s15  }
0x5: {  	s30 =	simm.s32 $0x14000;
	[smem:$0x7FF] =	sst s2;
	s11 =	smul.u32 $0x4F000, s15  }
0x6: {  	s9 =	sand.u32 $0x1, s4;
	s4 =	sadd.s32 $0x139600, s0;
	s21 =	smul.u32 $0x27800, s15  }
0x7: {  	s6 =	sadd.s32 $0xE00, s0;
	s7 =	sadd.s32 $0xAE00, s0;
	s8 =	smul.u32 $0x2780, s9  }
0x8: {  	p0 =	seq.s32 s15, $0xF;
	s10 =	ssub.s32 $0x2, s9;
	s13 =	smul.u32 $0x28000, s9  }
0x9: {  	s24 =	sshll.u32 s9, $0xA;
	s9 =	sshll.u32 s9, $0x7;
	s14 =	sshrl.u32 s5, $0x3  }
0xa: {  	_ =	strace $0x80000047;
	s9 =	sadd.s32 s9, s3;
	s17 =	sadd.s32 s7, s14  }
0xb: {  	s0 =	sadd.s32 s8, s0;
	s26 =	sadd.s32 $0x4A100, s9;
	[dreg:$0x8] =	wrdreg s17  }
0xc: {  	s12 =	sshrl.u32 s10, $0x1;
	s0 =	sadd.s32 $0xFE00, s0;
	[dreg:$0x10] =	wrdreg s26  }
0xd: {  	s12 =	ssub.s32 s10, s12;
	s20 =	sadd.s32 $0x10, s17;
	[dreg:$0x5] =	wrdreg s0  }
0xe: {  	s10 =	sshrl.u32 s11, $0x2;
	s23 =	sadd.s32 $0x20, s17;
	[dreg:$0xa] =	wrdreg s20  }
0xf: {  	s11 =	sshll.u32 s15, $0x6;
	s25 =	sadd.s32 $0x30, s17;
	[dreg:$0xc] =	wrdreg s23  }
0x10: {  	s9 =	simm.s32 $0x18000;
	s28 =	smax.u32 s12, $0x1;
	[dreg:$0xe] =	wrdreg s25  }
0x11: {  	s14 =	simm.s32 $0x5;
	s8 =	sadd.s32 s10, s1;
	[dreg:$0x11] =	wrdreg s28  }
0x12: {  	s10 =	sadd.s32 s5, s13;
	s19 =	sor.u32 $0x1C09, s11;
	[dreg:$0x4] =	wrdreg s8  }
0x13: {  	s13 =	sshrl.u32 s10, $0x3;
	s31 =	sshrl.u32 s8, $0x3;
	[dreg:$0x6] =	wrdreg s19  }
0x14: {  	s15 =	simm.s32 $0x6;
	s16 =	sadd.s32 s6, s13;
	[dreg:$0x12] =	wrdreg s31  }
0x15: {  	s26 =	simm.s32 $0x1;
	s18 =	sadd.s32 $0x10, s16;
	[dreg:$0x7] =	wrdreg s16  }
0x16: {  	s0 =	sor.u32 s24, s21;
	s22 =	sadd.s32 $0x20, s16;
	[dreg:$0x9] =	wrdreg s18  }
0x17: {  	s0 =	sshrl.u32 s0, $0x3;
	s11 =	sadd.s32 $0x30, s16;
	[dreg:$0xb] =	wrdreg s22  }
0x18: {  	s17 =	simm.s32 $0x8;
	s0 =	sadd.s32 s3, s0;
	[dreg:$0xd] =	wrdreg s11  }
0x19: {  	s21 =	simm.s32 $0x13F00;
	s16 =	simm.s32 $0x7;
	[dreg:$0xf] =	wrdreg s0  }
0x1a: {  	s22 =	simm.s32 $0x13F80;
	s0 =	simm.s32 $0x2;
	s18 =	simm.s32 $0x0  }
.LBB2_1:
0x1b: {  	s3 =	rddreg [dreg:$0x5]  }
0x1c: {  	s8 =	rddreg [dreg:$0x12]  }
0x1d: {  	[spmem:s8], [sflag:s19] =	dma.local [hbm:s3], $0x2780  }
0x1e: {  	s19 =	simm.s32 $0x9  }
0x1f: {  	_ =	swait.ge [sflag:s19], $0x2780  }
0x20: {  	[sflag:s19] =	ssyncset.done $0x0  }
0x21: {  	[sflag:s19] =	ssyncadd.s32 $0xFFFFD880  }
0x22: {  	[bflag:$0x0] =	sbarrier.arrive $0xFFFF  }
0x23: {  	s8 =	simm.s32 $0x13C00;
	s20 =	rddreg [dreg:$0x7]  }
0x24: {  	[tilespmem:s8], [sflag:$0x1] =	stream.linear.gather [hbm4b:s20+s2], $0x80, $0x38;
	[tilespmem:$0x1C000] =	vst v63  }
0x25: {  	s11 =	simm.s32 $0x13E00;
	s23 =	rddreg [dreg:$0x8]  }
0x26: {  	[tilespmem:s11], [sflag:$0x1] =	stream.linear.gather [hbm4b:s23+s2], $0x80, $0x38;
	[tilespmem:$0x1C000] =	vst v63  }
0x27: {  	s24 =	rddreg [dreg:$0x9];
	s11 =	simm.s32 $0x13C80  }
0x28: {  	[tilespmem:s11], [sflag:$0x2] =	stream.linear.gather [hbm4b:s24+s2], $0x80, $0x38;
	[tilespmem:$0x1C000] =	vst v63  }
0x29: {  	s12 =	simm.s32 $0x13E80;
	s25 =	rddreg [dreg:$0xa]  }
0x2a: {  	[tilespmem:s12], [sflag:$0x2] =	stream.linear.gather [hbm4b:s25+s2], $0x80, $0x38;
	[tilespmem:$0x1C000] =	vst v63  }
0x2b: {  	s19 =	simm.s32 $0x13D00;
	s13 =	rddreg [dreg:$0xb]  }
0x2c: {  	[tilespmem:s19], [sflag:$0x3] =	stream.linear.gather [hbm4b:s13+s2], $0x80, $0x38;
	[tilespmem:$0x1C000] =	vst v63  }
0x2d: {  	s20 =	rddreg [dreg:$0xc]  }
0x2e: {  	[tilespmem:s21], [sflag:$0x3] =	stream.linear.gather [hbm4b:s20+s2], $0x80, $0x38;
	[tilespmem:$0x1C000] =	vst v63  }
0x2f: {  	s23 =	rddreg [dreg:$0xd];
	s24 =	simm.s32 $0x13D80  }
0x30: {  	[tilespmem:s24], [sflag:$0x4] =	stream.linear.gather [hbm4b:s23+s2], $0x80, $0x38;
	[tilespmem:$0x1C000] =	vst v63  }
0x31: {  	s25 =	rddreg [dreg:$0xe]  }
0x32: {  	[tilespmem:s22], [sflag:$0x4] =	stream.linear.gather [hbm4b:s25+s2], $0x80, $0x38;
	[tilespmem:$0x1C000] =	vst v63  }
0x33: {  	_ =	swait.ge [sflag:s26], $0x80  }
0x34: {  	[sflag:s26] =	ssyncset.done $0x0  }
0x35: {  	[sflag:s26] =	ssyncadd.s32 $0xFFFFFF80  }
0x36: {  	_ =	swait.ge [sflag:s26], $0x80  }
0x37: {  	[sflag:s26] =	ssyncset.done $0x0  }
0x38: {  	[sflag:s26] =	ssyncadd.s32 $0xFFFFFF80  }
0x39: {  	[tilespmem:s30], [sflag:$0x5] =	stream.indirect.gather [hbm4b:s4+s29], $0x80, s8, s29, $0xb8;
	[tilespmem:$0x1C000] =	vst v63  }
0x3a: {  	_ =	swait.ge [sflag:s0], $0x80  }
0x3b: {  	[sflag:s0] =	ssyncset.done $0x0  }
0x3c: {  	[sflag:s0] =	ssyncadd.s32 $0xFFFFFF80  }
0x3d: {  	_ =	swait.ge [sflag:s0], $0x80  }
0x3e: {  	s8 =	simm.s32 $0x2;
	[sflag:s0] =	ssyncset.done $0x0  }
0x3f: {  	s3 =	sand.u32 $0x2, s8;
	[sflag:s0] =	ssyncadd.s32 $0xFFFFFF80  }
0x40: {  	[tilespmem:s9], [sflag:$0x6] =	stream.indirect.gather [hbm4b:s4+s29], $0x80, s11, s29, $0xb8;
	[tilespmem:$0x1C000] =	vst v63  }
0x41: {  	s12 =	sxor.u32 $0x2, s3;
	_ =	swait.ge [sflag:s14], $0x4000  }
0x42: {  	s28 =	sshll.u32 s12, $0x7;
	[sflag:s14] =	ssyncset.done $0x0  }
0x43: {  	s21 =	sor.u32 $0x13E00, s28;
	[sflag:s14] =	ssyncadd.s32 $0xFFFFC000  }
0x44: {  	[spmem:s1] =	stream.indirect.scatter.add.f32 [tilespmem:s30], [sflag:$0x7], $0x80, s21, s29, $0xb8;
	[tilespmem:$0x1C000] =	vst v63  }
0x45: {  	s25 =	sxor.u32 $0x3, s3;
	_ =	swait.ge [sflag:s15], $0x4000  }
0x46: {  	s20 =	sshll.u32 s25, $0x7;
	[sflag:s15] =	ssyncset.done $0x0  }
0x47: {  	s22 =	sor.u32 $0x13E00, s20;
	[sflag:s15] =	ssyncadd.s32 $0xFFFFC000  }
0x48: {  	[spmem:s1] =	stream.indirect.scatter.add.f32 [tilespmem:s9], [sflag:$0x8], $0x80, s22, s29, $0xb8;
	[tilespmem:$0x1C000] =	vst v63  }
0x49: {  	_ =	swait.ge [sflag:s16], $0x4000  }
0x4a: {  	[sflag:s16] =	ssyncset.done $0x0  }
0x4b: {  	s11 =	sor.u32 $0x1, s3;
	[sflag:s16] =	ssyncadd.s32 $0xFFFFC000  }
0x4c: {  	_ =	swait.ge [sflag:s11], $0x80  }
0x4d: {  	[sflag:s11] =	ssyncset.done $0x0  }
0x4e: {  	[sflag:s11] =	ssyncadd.s32 $0xFFFFFF80  }
0x4f: {  	_ =	swait.ge [sflag:s11], $0x80  }
0x50: {  	s23 =	sshll.u32 s3, $0x7;
	[sflag:s11] =	ssyncset.done $0x0  }
0x51: {  	s23 =	sor.u32 $0x13C00, s23;
	[sflag:s11] =	ssyncadd.s32 $0xFFFFFF80  }
0x52: {  	[tilespmem:s30], [sflag:$0x5] =	stream.indirect.gather [hbm4b:s4+s29], $0x80, s23, s29, $0xb8;
	[tilespmem:$0x1C000] =	vst v63  }
0x53: {  	_ =	swait.ge [sflag:s17], $0x4000  }
0x54: {  	[sflag:s17] =	ssyncset.done $0x0  }
0x55: {  	s31 =	smin.u32 s14, $0x4F;
	s3 =	sadd.s32 $0x2, s3;
	[sflag:s17] =	ssyncadd.s32 $0xFFFFC000  }
0x56: {  	s31 =	sshll.u32 s31, $0x7;
	s19 =	sshll.u32 s11, $0x7;
	_ =	swait.ge [sflag:s3], $0x80  }
0x57: {  	s24 =	simm.s32 $0x4;
	s19 =	sor.u32 $0x13C00, s19;
	[sflag:s3] =	ssyncset.done $0x0  }
0x58: {  	s11 =	sor.u32 $0x13C00, s28;
	s23 =	smin.u32 s24, $0x4F;
	[sflag:s3] =	ssyncadd.s32 $0xFFFFFF80  }
0x59: {  	s28 =	simm.s32 $0x9;
	s13 =	sshll.u32 s23, $0x7;
	_ =	swait.ge [sflag:s3], $0x80  }
0x5a: {  	s23 =	sor.u32 $0x1, s12;
	s8 =	sadd.s32 s10, s13;
	[sflag:s3] =	ssyncset.done $0x0  }
0x5b: {  	s24 =	sadd.s32 s5, s13;
	[sflag:s3] =	ssyncadd.s32 $0xFFFFFF80;
	s3 =	sshrl.u32 s8, $0x3  }
0x5c: {  	[tilespmem:s9], [sflag:$0x6] =	stream.indirect.gather [hbm4b:s4+s29], $0x80, s19, s29, $0xb8;
	[tilespmem:$0x1C000] =	vst v63  }
0x5d: {  	s8 =	sadd.s32 s10, s31;
	s19 =	simm.s32 $0x7;
	s3 =	sadd.s32 s6, s3  }
0x5e: {  	[tilespmem:s11], [sflag:s23] =	stream.linear.gather [hbm4b:s3+s2], $0x80, $0x38;
	[tilespmem:$0x1C000] =	vst v63  }
0x5f: {  	s11 =	sadd.s32 s5, s31;
	s31 =	sshrl.u32 s24, $0x3;
	s24 =	sshrl.u32 s8, $0x3  }
0x60: {  	s3 =	sshrl.u32 s11, $0x3;
	s12 =	sadd.s32 s7, s31;
	s31 =	sadd.s32 s6, s24  }
.LBB2_2:
0x61: {  	[tilespmem:s21], [sflag:s23] =	stream.linear.gather [hbm4b:s12+s2], $0x80, $0x38;
	[tilespmem:$0x1C000] =	vst v63  }
0x62: {  	s12 =	sadd.s32 $0xFFFFFFFD, s19;
	s13 =	sadd.s32 $0x1, s25;
	s20 =	sor.u32 $0x13C00, s20  }
0x63: {  	[tilespmem:s20], [sflag:s13] =	stream.linear.gather [hbm4b:s31+s2], $0x80, $0x38;
	[tilespmem:$0x1C000] =	vst v63  }
0x64: {  	p1 =	sne.s32 s28, $0x51;
	s3 =	sadd.s32 s7, s3;
	s12 =	sand.u32 $0x2, s12  }
0x65: {  	[tilespmem:s22], [sflag:s13] =	stream.linear.gather [hbm4b:s3+s2], $0x80, $0x38;
	[tilespmem:$0x1C000] =	vst v63  }
0x66: {  	s23 =	sxor.u32 $0x2, s12;
	s25 =	sxor.u32 $0x3, s12;
	_ =	swait.ge [sflag:s14], $0x4000  }
0x67: {  	s31 =	sshll.u32 s23, $0x7;
	s20 =	sshll.u32 s25, $0x7;
	[sflag:s14] =	ssyncset.done $0x0  }
0x68: {  	s21 =	sor.u32 $0x13E00, s31;
	s3 =	sshll.u32 s12, $0x7;
	[sflag:s14] =	ssyncadd.s32 $0xFFFFC000  }
0x69: {  	[spmem:s1] =	stream.indirect.scatter.add.f32 [tilespmem:s30], [sflag:$0x7], $0x80, s21, s29, $0xb8;
	[tilespmem:$0x1C000] =	vst v63  }
0x6a: {  	s13 =	smov.u32 s28;
	s28 =	sadd.s32 $0x2, s28;
	_ =	swait.ge [sflag:s15], $0x4000  }
0x6b: {  	[sflag:s15] =	ssyncset.done $0x0  }
0x6c: {  	s22 =	sor.u32 $0x13E00, s20;
	[sflag:s15] =	ssyncadd.s32 $0xFFFFC000  }
0x6d: {  	[spmem:s1] =	stream.indirect.scatter.add.f32 [tilespmem:s9], [sflag:$0x8], $0x80, s22, s29, $0xb8;
	[tilespmem:$0x1C000] =	vst v63  }
0x6e: {  	_ =	swait.ge [sflag:s16], $0x4000  }
0x6f: {  	[sflag:s16] =	ssyncset.done $0x0  }
0x70: {  	s24 =	sor.u32 $0x1, s12;
	[sflag:s16] =	ssyncadd.s32 $0xFFFFC000  }
0x71: {  	_ =	swait.ge [sflag:s24], $0x80  }
0x72: {  	[sflag:s24] =	ssyncset.done $0x0  }
0x73: {  	[sflag:s24] =	ssyncadd.s32 $0xFFFFFF80  }
0x74: {  	_ =	swait.ge [sflag:s24], $0x80  }
0x75: {  	[sflag:s24] =	ssyncset.done $0x0  }
0x76: {  	s3 =	sor.u32 $0x13C00, s3;
	[sflag:s24] =	ssyncadd.s32 $0xFFFFFF80  }
0x77: {  	[tilespmem:s30], [sflag:$0x5] =	stream.indirect.gather [hbm4b:s4+s29], $0x80, s3, s29, $0xb8;
	[tilespmem:$0x1C000] =	vst v63  }
0x78: {  	_ =	swait.ge [sflag:s17], $0x4000  }
0x79: {  	s3 =	sadd.s32 $0x2, s12;
	[sflag:s17] =	ssyncset.done $0x0  }
0x7a: {  	s12 =	sadd.s32 $0xFFFFFFFF, s19;
	s19 =	smin.u32 s19, $0x4F;
	[sflag:s17] =	ssyncadd.s32 $0xFFFFC000  }
0x7b: {  	s12 =	smin.u32 s12, $0x4F;
	s8 =	sshll.u32 s19, $0x7;
	_ =	swait.ge [sflag:s3], $0x80  }
0x7c: {  	s19 =	smov.u32 s13;
	s12 =	sshll.u32 s12, $0x7;
	[sflag:s3] =	ssyncset.done $0x0  }
0x7d: {  	s13 =	sshll.u32 s24, $0x7;
	s11 =	sadd.s32 s10, s12;
	[sflag:s3] =	ssyncadd.s32 $0xFFFFFF80  }
0x7e: {  	s13 =	sor.u32 $0x13C00, s13;
	s12 =	sadd.s32 s5, s12;
	s11 =	sshrl.u32 s11, $0x3  }
0x7f: {  	s24 =	sadd.s32 s5, s8;
	s8 =	sadd.s32 s10, s8;
	_ =	swait.ge [sflag:s3], $0x80  }
0x80: {  	s12 =	sshrl.u32 s12, $0x3;
	s11 =	sadd.s32 s6, s11;
	[sflag:s3] =	ssyncset.done $0x0  }
.Ltmp0:
0x81: {  	[sflag:s3] =	ssyncadd.s32 $0xFFFFFF80;
	s3 =	sshrl.u32 s24, $0x3;
	(pc) =	sbr.rel @p1 .LBB2_2-.Ltmp0, $4  }
0x82: {  	[tilespmem:s9], [sflag:$0x6] =	stream.indirect.gather [hbm4b:s4+s29], $0x80, s13, s29, $0xb8;
	[tilespmem:$0x1C000] =	vst v63  }
0x83: {  	s23 =	sor.u32 $0x1, s23;
	s8 =	sshrl.u32 s8, $0x3;
	s13 =	sor.u32 $0x13C00, s31  }
0x84: {  	[tilespmem:s13], [sflag:s23] =	stream.linear.gather [hbm4b:s11+s2], $0x80, $0x38;
	[tilespmem:$0x1C000] =	vst v63  }
0x85: {  	s12 =	sadd.s32 s7, s12;
	s31 =	sadd.s32 s6, s8  }
0x86: {  	[tilespmem:s21], [sflag:s23] =	stream.linear.gather [hbm4b:s12+s2], $0x80, $0x38;
	[tilespmem:$0x1C000] =	vst v63  }
0x87: {  	s8 =	sadd.s32 $0xFFFFFFFD, s19;
	s11 =	sadd.s32 $0x1, s25;
	s28 =	sor.u32 $0x13C00, s20  }
0x88: {  	[tilespmem:s28], [sflag:s11] =	stream.linear.gather [hbm4b:s31+s2], $0x80, $0x38;
	[tilespmem:$0x1C000] =	vst v63  }
0x89: {  	s3 =	sadd.s32 s7, s3;
	s8 =	sand.u32 $0x2, s8  }
0x8a: {  	[tilespmem:s22], [sflag:s11] =	stream.linear.gather [hbm4b:s3+s2], $0x80, $0x38;
	[tilespmem:$0x1C000] =	vst v63  }
0x8b: {  	s3 =	sxor.u32 $0x2, s8;
	_ =	swait.ge [sflag:s14], $0x4000  }
0x8c: {  	s11 =	sshll.u32 s3, $0x7;
	[sflag:s14] =	ssyncset.done $0x0  }
0x8d: {  	s12 =	sor.u32 $0x13E00, s11;
	[sflag:s14] =	ssyncadd.s32 $0xFFFFC000  }
0x8e: {  	[spmem:s1] =	stream.indirect.scatter.add.f32 [tilespmem:s30], [sflag:$0x7], $0x80, s12, s29, $0xb8;
	[tilespmem:$0x1C000] =	vst v63  }
0x8f: {  	s13 =	sxor.u32 $0x3, s8;
	_ =	swait.ge [sflag:s15], $0x4000  }
0x90: {  	s20 =	sshll.u32 s13, $0x7;
	[sflag:s15] =	ssyncset.done $0x0  }
0x91: {  	s21 =	sor.u32 $0x13E00, s20;
	[sflag:s15] =	ssyncadd.s32 $0xFFFFC000  }
0x92: {  	[spmem:s1] =	stream.indirect.scatter.add.f32 [tilespmem:s9], [sflag:$0x8], $0x80, s21, s29, $0xb8;
	[tilespmem:$0x1C000] =	vst v63  }
0x93: {  	_ =	swait.ge [sflag:s16], $0x4000  }
0x94: {  	[sflag:s16] =	ssyncset.done $0x0  }
0x95: {  	s31 =	sor.u32 $0x1, s8;
	[sflag:s16] =	ssyncadd.s32 $0xFFFFC000  }
0x96: {  	_ =	swait.ge [sflag:s31], $0x80  }
0x97: {  	[sflag:s31] =	ssyncset.done $0x0  }
0x98: {  	[sflag:s31] =	ssyncadd.s32 $0xFFFFFF80  }
0x99: {  	_ =	swait.ge [sflag:s31], $0x80  }
0x9a: {  	s24 =	sshll.u32 s8, $0x7;
	[sflag:s31] =	ssyncset.done $0x0  }
0x9b: {  	s23 =	sor.u32 $0x13C00, s24;
	[sflag:s31] =	ssyncadd.s32 $0xFFFFFF80  }
0x9c: {  	[tilespmem:s30], [sflag:$0x5] =	stream.indirect.gather [hbm4b:s4+s29], $0x80, s23, s29, $0xb8;
	[tilespmem:$0x1C000] =	vst v63  }
0x9d: {  	_ =	swait.ge [sflag:s17], $0x4000  }
0x9e: {  	[sflag:s17] =	ssyncset.done $0x0  }
0x9f: {  	s8 =	sadd.s32 $0x2, s8;
	[sflag:s17] =	ssyncadd.s32 $0xFFFFC000  }
0xa0: {  	_ =	swait.ge [sflag:s8], $0x80  }
0xa1: {  	[sflag:s8] =	ssyncset.done $0x0  }
0xa2: {  	s25 =	sadd.s32 $0xFFFFFFFF, s19;
	[sflag:s8] =	ssyncadd.s32 $0xFFFFFF80  }
0xa3: {  	s23 =	smin.u32 s25, $0x4F;
	_ =	swait.ge [sflag:s8], $0x80  }
0xa4: {  	s22 =	sshll.u32 s31, $0x7;
	s28 =	sshll.u32 s23, $0x7;
	[sflag:s8] =	ssyncset.done $0x0  }
0xa5: {  	s22 =	sor.u32 $0x13C00, s22;
	s31 =	sadd.s32 s10, s28;
	[sflag:s8] =	ssyncadd.s32 $0xFFFFFF80  }
0xa6: {  	[tilespmem:s9], [sflag:$0x6] =	stream.indirect.gather [hbm4b:s4+s29], $0x80, s22, s29, $0xb8;
	[tilespmem:$0x1C000] =	vst v63  }
0xa7: {  	s3 =	sor.u32 $0x1, s3;
	s8 =	sadd.s32 s5, s28;
	s22 =	sshrl.u32 s31, $0x3  }
0xa8: {  	s11 =	sor.u32 $0x13C00, s11;
	s8 =	sshrl.u32 s8, $0x3;
	s22 =	sadd.s32 s6, s22  }
0xa9: {  	[tilespmem:s11], [sflag:s3] =	stream.linear.gather [hbm4b:s22+s2], $0x80, $0x38;
	[tilespmem:$0x1C000] =	vst v63  }
0xaa: {  	s23 =	smin.u32 s19, $0x4F;
	s8 =	sadd.s32 s7, s8  }
0xab: {  	[tilespmem:s12], [sflag:s3] =	stream.linear.gather [hbm4b:s8+s2], $0x80, $0x38;
	[tilespmem:$0x1C000] =	vst v63  }
0xac: {  	s3 =	sshll.u32 s23, $0x7  }
0xad: {  	s24 =	sadd.s32 s10, s3  }
0xae: {  	s25 =	sadd.s32 $0x1, s13;
	s3 =	sadd.s32 s5, s3;
	s8 =	sshrl.u32 s24, $0x3  }
0xaf: {  	s28 =	sor.u32 $0x13C00, s20;
	s3 =	sshrl.u32 s3, $0x3;
	s8 =	sadd.s32 s6, s8  }
0xb0: {  	[tilespmem:s28], [sflag:s25] =	stream.linear.gather [hbm4b:s8+s2], $0x80, $0x38;
	[tilespmem:$0x1C000] =	vst v63  }
0xb1: {  	s3 =	sadd.s32 s7, s3  }
0xb2: {  	[tilespmem:s21], [sflag:s25] =	stream.linear.gather [hbm4b:s3+s2], $0x80, $0x38;
	[tilespmem:$0x1C000] =	vst v63  }
0xb3: {  	_ =	swait.ge [sflag:s14], $0x4000  }
0xb4: {  	[sflag:s14] =	ssyncset.done $0x0  }
0xb5: {  	s21 =	simm.s32 $0x13F00;
	[sflag:s14] =	ssyncadd.s32 $0xFFFFC000  }
0xb6: {  	[spmem:s1] =	stream.indirect.scatter.add.f32 [tilespmem:s30], [sflag:$0x7], $0x80, s21, s29, $0xb8;
	[tilespmem:$0x1C000] =	vst v63  }
0xb7: {  	_ =	swait.ge [sflag:s15], $0x4000  }
0xb8: {  	[sflag:s15] =	ssyncset.done $0x0  }
0xb9: {  	s22 =	simm.s32 $0x13F80;
	[sflag:s15] =	ssyncadd.s32 $0xFFFFC000  }
0xba: {  	[spmem:s1] =	stream.indirect.scatter.add.f32 [tilespmem:s9], [sflag:$0x8], $0x80, s22, s29, $0xb8;
	[tilespmem:$0x1C000] =	vst v63  }
0xbb: {  	_ =	swait.ge [sflag:s16], $0x4000  }
0xbc: {  	[sflag:s16] =	ssyncset.done $0x0  }
0xbd: {  	[sflag:s16] =	ssyncadd.s32 $0xFFFFC000  }
0xbe: {  	_ =	swait.ge [sflag:s17], $0x4000  }
0xbf: {  	[sflag:s17] =	ssyncset.done $0x0  }
0xc0: {  	[sflag:s17] =	ssyncadd.s32 $0xFFFFC000  }
0xc1: {  	_ =	swait.ge [sflag:s26], $0x80  }
0xc2: {  	[sflag:s26] =	ssyncset.done $0x0  }
0xc3: {  	[sflag:s26] =	ssyncadd.s32 $0xFFFFFF80  }
0xc4: {  	_ =	swait.ge [sflag:s26], $0x80  }
0xc5: {  	[sflag:s26] =	ssyncset.done $0x0  }
0xc6: {  	[sflag:s26] =	ssyncadd.s32 $0xFFFFFF80  }
0xc7: {  	_ =	swait.ge [sflag:s0], $0x80  }
0xc8: {  	[sflag:s0] =	ssyncset.done $0x0  }
0xc9: {  	[sflag:s0] =	ssyncadd.s32 $0xFFFFFF80  }
0xca: {  	_ =	swait.ge [sflag:s0], $0x80  }
0xcb: {  	[sflag:s0] =	ssyncset.done $0x0  }
0xcc: {  	[sflag:s0] =	ssyncadd.s32 $0xFFFFFF80  }
0xcd: {  	[bflag:$0x0] =	sbarrier.arrive $0xFFFF  }
0xce: {  	s13 =	rddreg [dreg:$0x4]  }
0xcf: {  	s11 =	simm.s32 @p0 $0x100;
	s12 =	simm.s32 @p0 $0x80;
	s19 =	rddreg [dreg:$0x6]  }
0xd0: {  	s8 =	simm.s32 @p0 $0x8;
	s20 =	rddreg [dreg:$0x10];
	s3 =	sshrl.u32 @p0 s13, $0x3  }
0xd1: {  	[hbm:s20@s11], [sflag:s19] =	dma.strided @p0 [spmem:s3@s12], $0x2080, s8, $0x10   }
0xd2: {  	s3 =	simm.s32 @p0 $0x9  }
0xd3: {  	s8 =	simm.s32 @!p0 $0x8;
	_ =	swait.ge @p0 [sflag:s3], $0x2080  }
0xd4: {  	s11 =	simm.s32 @!p0 $0x100;
	s12 =	simm.s32 @!p0 $0x80;
	[sflag:s3] =	ssyncset.done @p0 $0x0  }
0xd5: {  	[sflag:s3] =	ssyncadd.s32 @p0 $0xFFFFDF80;
	s3 =	sshrl.u32 @!p0 s13, $0x3;
	s13 =	rddreg [dreg:$0xf]  }
0xd6: {  	[hbm:s13@s11], [sflag:s19] =	dma.strided @!p0 [spmem:s3@s12], $0x2780, s8, $0x10   }
0xd7: {  	s3 =	simm.s32 @!p0 $0x9  }
0xd8: {  	_ =	swait.ge @!p0 [sflag:s3], $0x2780  }
0xd9: {  	s18 =	sadd.s32 $0x1, s18;
	s31 =	rddreg [dreg:$0x11]  }
0xda: {  	p1 =	sne.s32 s18, s31  }
.Ltmp1:
0xdb: {  	_ = 	snop;
	(pc) =	sbr.rel @p1 .LBB2_1-.Ltmp1, $3  }
0xdc: {  	_ =	sdelay $0x1  }
0xdd: {  	[sflag:s3] =	ssyncset.done @!p0 $0x0  }
0xde: {  	[sflag:s3] =	ssyncadd.s32 @!p0 $0xFFFFD880  }
0xdf: {  	_ =	sfence.sel $0x180000  }
0xe0: {  	[bflag:$0x0] =	sbarrier.arrive $0xFFFF  }
0xe1: {  	_ =	strace $0x90000047  }
0xe2: {  	s0 =	stileid.u32;
	[bflag:$0x2] =	sbarrier.arrive $0xFFFF  }
0xe3: {  	p0 =	sne.s32 s0, $0x0;
	s0 =	rddreg [dreg:$0x3]  }
0xe4: {  	s0 =	sadd.s32 @!p0 $0x100000, s0  }
0xe5: {  	[sflag:s0] =	ssyncadd.tile.s32 @!p0 $0x1;
	_ =	shalt  }
.Lfunc_end2:
_tile_overlayer_lowered:
.L_overlay_start_2:
0xe6: {  	(tag) =	ssettag $0x2  }
0xe7: {  	s0 =	rddreg [dreg:$0x0];
	s2 =	stileid.u32  }
0xe8: {  	s1 =	rddreg [dreg:$0x1];
	p0 =	sne.s32 s2, $0x0  }
0xe9: {  	s3 =	rddreg [dreg:$0x2];
	[bflag:$0x3] =	sbarrier.arrive $0xFFFF;
	s2 =	simm.s32 @!p0 $0x1C09  }
0xea: {  	[timem:s3], [sflag:s2] =	dma.local @!p0 [hbm:s0], s1  }
0xeb: {  	s0 =	simm.s32 @!p0 $0x9  }
0xec: {  	_ =	swait.ge @!p0 [sflag:s0], s1  }
0xed: {  	s1 =	ssub.s32 @!p0 $0x0, s1;
	[sflag:s0] =	ssyncset.done @!p0 $0x0  }
0xee: {  	[sflag:s0] =	ssyncadd.s32 @!p0 s1  }
0xef: {  	[bflag:$0x3] =	sbarrier.arrive $0xFFFF  }
0xf0: {  	_ =	shalt  }

// kernel: kernel.9.cloned.1.call-start
scs
__scs_entry_jumppad:
0x0: {  	(pc) =	sbr.rel $0x88, $3  }
0x1: {  	(tag) =	ssettag $0x0;
	lr =	simm.s32 $0x1  }
0x2: {  	[smem:$0x3F9A] =	sst lr;
	_ =	strace $0xD0000000  }
0x3: {  	_ = 	snop  }
0x4: {  	_ = 	snop  }
0x5: {  	_ = 	snop  }
0x6: {  	_ = 	snop  }
0x7: {  	_ = 	snop  }
__scs_overlays_trampoline_lowered:
0x8: {  	[smem:$0x3FA9] =	sst s0  }
0x9: {  	[smem:$0x3FAA] =	sst s1  }
0xa: {  	[smem:$0x3FAB] =	sst s2  }
0xb: {  	[smem:$0x3FAC] =	sst s3  }
0xc: {  	[smem:$0x3FAD] =	sst s4  }
0xd: {  	[smem:$0x3FAE] =	sst s5  }
0xe: {  	[smem:$0x3FAF] =	sst s6  }
0xf: {  	[smem:$0x3FB0] =	sst s7  }
0x10: {  	[smem:$0x3FB1] =	sst s8  }
0x11: {  	[smem:$0x3FB2] =	sst s9;
	s0 =	simm.s32 @!p0 $0x0  }
0x12: {  	s1 =	sld [smem:$0x3F98];
	s0 =	simm.s32 @p0 $0x1  }
0x13: {  	[smem:$0x3FB3] =	sst s0;
	s0 =	simm.s32 @!p1 $0x0  }
0x14: {  	s2 =	sld [smem:$0x3F97];
	s0 =	simm.s32 @p1 $0x1  }
0x15: {  	[smem:$0x3FB4] =	sst s0;
	s0 =	simm.s32 @!p2 $0x0  }
0x16: {  	s3 =	sld [smem:$0x3FDB];
	s0 =	simm.s32 @p2 $0x1  }
0x17: {  	s4 =	simm.s32 $0x1BF5;
	[smem:$0x3FB6] =	sst s0  }
0x18: {  	s0 =	sld [smem:$0x3F99];
	_ =	swait.ge [sflag:s4], $0x0  }
0x19: {  	s7 =	sld [smem:$0x3F9A]  }
0x1a: {  	s8 =	sadd.s32 $0xFFFFE003, lr  }
0x1b: {  	s9 =	sadd.s32 $0xFFFFFEF7, lr;
	s5 =	simm.s32 $0xFFFFFFFF;
	p2 =	slt.u32 s8, $0xFFFFF086  }
0x1c: {  	p1 =	slt.u32 s9, $0xF7A;
	s5 =	simm.s32 @!p2 $0x0  }
0x1d: {  	s5 =	simm.s32 @p1 $0x1;
	p0 =	seq.s32 s7, s2  }
0x1e: {  	s7 =	smul.u32 @!p0 $0xF7A, s2;
	p2 =	seq.s32 @!p0 s5, $0x0  }
0x1f: {  	s9 =	smul.u32 $0xF7A, s1;
	s8 =	simm.s32 @!p0 $0x1BF5;
	p2 =	por !p2, p0  }
0x20: {  	[sflag:s8] =	ssyncset.s32 @!p0 $0xFFFFF086;
	s6 =	sadd.s32 @!p0 s3, s7;
	s7 =	simm.s32 @!p0 $0x108  }
0x21: {  	s3 =	sadd.s32 s3, s9;
	s6 =	sadd.s32 @!p0 $0x88, s6;
	s7 =	simm.s32 @p2 $0x1082  }
0x22: {  	[simem:s7], [sflag:s8] =	dma.local @!p0 [hbm:s6], $0xF7A  }
0x23: {  	s9 =	sor.u32 $0xD0000000, s2;
	s6 =	simm.s32 $0x108;
	_ =	swait.ge @!p0 [sflag:s8], $0x0  }
0x24: {  	s3 =	sadd.s32 $0x88, s3;
	s6 =	simm.s32 @!p1 $0x1082;
	[sflag:s4] =	ssyncset.s32 $0xFFFFF086  }
0x25: {  	[simem:s6], [sflag:s4] =	dma.local [hbm:s3], $0xF7A  }
0x26: {  	[smem:$0x3F9A] =	sst s1;
	(tag) =	ssettag s2;
	_ =	strace s9  }
0x27: {  	s1 =	sld [smem:$0x3FAA]  }
0x28: {  	s2 =	sld [smem:$0x3FAB]  }
0x29: {  	s4 =	sld [smem:$0x3FAD]  }
0x2a: {  	p0 =	seq.s32 s5, $0x0;
	s5 =	sld [smem:$0x3FAE]  }
0x2b: {  	s6 =	sld [smem:$0x3FAF]  }
0x2c: {  	s7 =	sld [smem:$0x3FB0]  }
0x2d: {  	s3 =	simm.s32 $0x108;
	s8 =	sld [smem:$0x3FB1]  }
0x2e: {  	s3 =	simm.s32 @!p0 $0x1082;
	s9 =	sld [smem:$0x3FB2]  }
0x2f: {  	lr =	sadd.s32 s0, s3;
	s0 =	sld [smem:$0x3FA9]  }
0x30: {  	s3 =	sld [smem:$0x3FAC]  }
0x31: {  	[smem:$0x3FB5] =	sst s10  }
0x32: {  	s10 =	sld [smem:$0x3FB3];
	_ =	sdelay $0x3  }
0x33: {  	p0 =	seq.s32 s10, $0x1;
	s10 =	sld [smem:$0x3FB5];
	_ =	sdelay $0x3  }
0x34: {  	[smem:$0x3FB5] =	sst s10  }
0x35: {  	s10 =	sld [smem:$0x3FB4];
	_ =	sdelay $0x3  }
0x36: {  	p1 =	seq.s32 s10, $0x1;
	s10 =	sld [smem:$0x3FB5];
	_ =	sdelay $0x3  }
0x37: {  	[smem:$0x3FB5] =	sst s10  }
0x38: {  	s10 =	sld [smem:$0x3FB6]  }
0x39: {  	_ = 	snop;
	(pc) =	sbr.ind lr, $3  }
0x3a: {  	_ = 	snop  }
0x3b: {  	_ = 	snop  }
0x3c: {  	p2 =	seq.s32 s10, $0x1;
	s10 =	sld [smem:$0x3FB5]  }
0x3d: {  	_ =	shalt  }
0x3e: {  	_ =	shalt  }
0x3f: {  	_ =	shalt  }
0x40: {  	_ =	shalt  }
0x41: {  	_ =	shalt  }
0x42: {  	_ =	shalt  }
0x43: {  	_ =	shalt  }
0x44: {  	_ =	shalt  }
0x45: {  	_ =	shalt  }
0x46: {  	_ =	shalt  }
0x47: {  	_ =	shalt  }
0x48: {  	_ =	shalt  }
0x49: {  	_ =	shalt  }
0x4a: {  	_ =	shalt  }
0x4b: {  	_ =	shalt  }
0x4c: {  	_ =	shalt  }
0x4d: {  	_ =	shalt  }
0x4e: {  	_ =	shalt  }
0x4f: {  	_ =	shalt  }
0x50: {  	_ =	shalt  }
0x51: {  	_ =	shalt  }
0x52: {  	_ =	shalt  }
0x53: {  	_ =	shalt  }
0x54: {  	_ =	shalt  }
0x55: {  	_ =	shalt  }
0x56: {  	_ =	shalt  }
0x57: {  	_ =	shalt  }
0x58: {  	_ =	shalt  }
0x59: {  	_ =	shalt  }
0x5a: {  	_ =	shalt  }
0x5b: {  	_ =	shalt  }
0x5c: {  	_ =	shalt  }
0x5d: {  	_ =	shalt  }
0x5e: {  	_ =	shalt  }
0x5f: {  	_ =	shalt  }
0x60: {  	_ =	shalt  }
0x61: {  	_ =	shalt  }
0x62: {  	_ =	shalt  }
0x63: {  	_ =	shalt  }
0x64: {  	_ =	shalt  }
0x65: {  	_ =	shalt  }
0x66: {  	_ =	shalt  }
0x67: {  	_ =	shalt  }
0x68: {  	_ =	shalt  }
0x69: {  	_ =	shalt  }
0x6a: {  	_ =	shalt  }
0x6b: {  	_ =	shalt  }
0x6c: {  	_ =	shalt  }
0x6d: {  	_ =	shalt  }
0x6e: {  	_ =	shalt  }
0x6f: {  	_ =	shalt  }
0x70: {  	_ =	shalt  }
0x71: {  	_ =	shalt  }
0x72: {  	_ =	shalt  }
0x73: {  	_ =	shalt  }
0x74: {  	_ =	shalt  }
0x75: {  	_ =	shalt  }
0x76: {  	_ =	shalt  }
0x77: {  	_ =	shalt  }
0x78: {  	_ =	shalt  }
0x79: {  	_ =	shalt  }
0x7a: {  	_ =	shalt  }
0x7b: {  	_ =	shalt  }
0x7c: {  	_ =	shalt  }
0x7d: {  	_ =	shalt  }
0x7e: {  	_ =	shalt  }
0x7f: {  	_ =	shalt  }
0x80: {  	_ =	shalt  }
0x81: {  	_ =	shalt  }
0x82: {  	_ =	shalt  }
0x83: {  	_ =	shalt  }
0x84: {  	_ =	shalt  }
0x85: {  	_ =	shalt  }
0x86: {  	_ =	shalt  }
0x87: {  	_ =	shalt  }
.Lfunc_end0:
.L_simem_size_0:
called_computation.1_lowered:
.L_overlay_start_0:
0x88: {  	s2 =	sld [smem:$0x3FD9]  }
0x89: {  	s3 =	sld [smem:$0x3FFE];
	_ =	sdelay $0x1  }
0x8a: {  	s1 =	srdreg.scid  }
0x8b: {  	s0 =	sand.u32 $0x1, s1  }
0x8c: {  	s17 =	sshll.u32 s0, $0xA;
	s2 =	sadd.s32 s3, s2  }
0x8d: {  	s2 =	sadd.s32 s2, s17  }
0x8e: {  	[smem:$0x3FC1] =	sst s2  }
0x8f: {  	_ = 	snop  }
0x90: {  	s2 =	sld [smem:$0x3FD0];
	(tm) =	ssettm $0x1  }
0x91: {  	s18 =	sld [smem:$0x3FFB];
	_ =	sdelay $0x3  }
0x92: {  	_ =	strace s18  }
0x93: {  	s3 =	sld [smem:$0x3FFC];
	_ =	sdelay $0x3  }
0x94: {  	_ =	strace s3  }
0x95: {  	s3 =	sld [smem:$0x3FFD];
	_ =	sdelay $0x3  }
0x96: {  	_ =	strace s3  }
0x97: {  	_ =	strace $0x8FFFFFFF  }
0x98: {  	s19 =	sld [smem:$0x3FDB];
	_ =	sdelay $0x1  }
0x99: {  	s4 =	simm.s32 $_scs_section_size  }
0x9a: {  	s5 =	simm.s32 $_size__tile_overlayer_lowered;
	s6 =	simm.s32 $_tile_overlayer_lowered  }
0x9b: {  	s22 =	simm.s32 $0x1BFF;
	s21 =	sshll.u32 s6, $0x1;
	s3 =	sadd.s32 s4, s19  }
0x9c: {  	s7 =	simm.s32 $0x0;
	s20 =	sshll.u32 s5, $0x1;
	s5 =	sadd.s32 s21, s3  }
0x9d: {  	[timem:s7], [sflag:s22] =	dma.local [hbm:s5], s20  }
0x9e: {  	_ =	swait.ge [sflag:s22], s20  }
0x9f: {  	s4 =	ssub.s32 $0x0, s20;
	[sflag:s22] =	ssyncset.done $0x0  }
0xa0: {  	[sflag:s22] =	ssyncadd.s32 s4;
	_ =	sdelay $0x1  }
0xa1: {  	s23 =	simm.s32 $0x1B8B  }
0xa2: {  	_ =	swait.ge [sflag:s23], $0x1  }
0xa3: {  	[sflag:s23] =	ssyncset.done $0x0  }
0xa4: {  	s25 =	simm.s32 $0x1B8E;
	s24 =	sld [smem:$0x3FFE];
	[sflag:s23] =	ssyncadd.s32 $0xFFFFFFFF  }
0xa5: {  	s26 =	simm.s32 $execute0_lowered;
	[smem:$0x3FD2] =	sst s25  }
0xa6: {  	s5 =	sshll.u32 s26, $0x1;
	_ =	strace $0x80000049;
	[dreg:$0x1] =	wrdreg $0xFFFFFFFF  }
0xa7: {  	s28 =	simm.s32 $_size_execute0_lowered;
	s3 =	sadd.s32 s3, s5;
	[dreg:$0x0] =	wrdreg $0x0  }
0xa8: {  	s5 =	sshll.u32 s28, $0x1;
	[dreg:$0x2] =	wrdreg s3  }
0xa9: {  	[dreg:$0x3] =	wrdreg s5  }
0xaa: {  	[dreg:$0x4] =	wrdreg $0xC0  }
0xab: {  	_ =	task [dreg:s7], $0x5FFFF  }
0xac: {  	[dreg:$0x1] =	wrdreg $0xFFFFFFFF  }
0xad: {  	[dreg:$0x0] =	wrdreg $0x60  }
0xae: {  	[dreg:$0x2] =	wrdreg s24  }
0xaf: {  	[dreg:$0x3] =	wrdreg s2  }
0xb0: {  	[dreg:$0x4] =	wrdreg $0x0  }
0xb1: {  	[dreg:$0x5] =	wrdreg $0x9  }
0xb2: {  	_ =	task.clear_ibuf [dreg:s7], $0x6FFFF;
	_ =	strace $0x90000049  }
0xb3: {  	s29 =	simm.s32 $0x9;
	_ =	strace $0x8000004B  }
0xb4: {  	_ =	swait.ge [sflag:s29], $0x1  }
0xb5: {  	[sflag:s29] =	ssyncadd.s32 $0xFFFFFFFF  }
0xb6: {  	_ =	strace $0x9000004B  }
0xb7: {  	_ =	sfence  }
0xb8: {  	s30 =	sld [smem:$0x0];
	_ =	sdelay $0x2  }
0xb9: {  	s31 =	sshll.u32 s1, $0xD;
	s1 =	sshrl.u32 s1, $0x2  }
0xba: {  	s3 =	sand.u32 $0x4000, s31;
	s1 =	sadd.s32 s1, s30  }
0xbb: {  	s0 =	sor.u32 s3, s0;
	s1 =	sshll.u32 s1, $0x11  }
0xbc: {  	s0 =	sor.u32 s1, s0  }
0xbd: {  	s0 =	sadd.s32 $0x8F2B, s0  }
0xbe: {  	[sflag:s0] =	ssyncadd.remote.s32 $0x1  }
0xbf: {  	_ =	sfence.sel $0xFFFF  }
0xc0: {  	[dreg:$0x0] =	wrdreg $0xFFFFFFFF;
	(pc) =	sbr.abs _section_cstart, $3  }
0xc1: {  	[dreg:$0x1] =	wrdreg $0xFFFFFFFF  }
0xc2: {  	_ =	task.clear_ibuf [dreg:s7], $0x2FFFF;
	_ =	strace $0x9FFFFFFF  }
0xc3: {  	(tm) =	ssettm $0x7FFFFFFF  }
tec
execute0_lowered:
.L_overlay_start_1:
0x0: {  	(tag) =	ssettag $0x1  }
0x1: {  	s0 =	rddreg [dreg:$0x0]  }
0x2: {  	s3 =	rddreg [dreg:$0x1]  }
0x3: {  	s1 =	rddreg [dreg:$0x2];
	s2 =	simm.s32 $0x0;
	s15 =	stileid.u32  }
0x4: {  	s4 =	srdreg.scid;
	s29 =	simm.s32 $0x80;
	s5 =	smul.u32 $0x2800, s15  }
0x5: {  	s30 =	simm.s32 $0x14000;
	[smem:$0x7FF] =	sst s2;
	s11 =	smul.u32 $0x4F000, s15  }
0x6: {  	s9 =	sand.u32 $0x1, s4;
	s4 =	sadd.s32 $0x148600, s0;
	s21 =	smul.u32 $0x27800, s15  }
0x7: {  	s6 =	sadd.s32 $0xE00, s0;
	s7 =	sadd.s32 $0xAE00, s0;
	s8 =	smul.u32 $0x2780, s9  }
0x8: {  	p0 =	seq.s32 s15, $0xF;
	s10 =	ssub.s32 $0x2, s9;
	s13 =	smul.u32 $0x28000, s9  }
0x9: {  	s24 =	sshll.u32 s9, $0xA;
	s9 =	sshll.u32 s9, $0x7;
	s14 =	sshrl.u32 s5, $0x3  }
0xa: {  	_ =	strace $0x8000004A;
	s9 =	sadd.s32 s9, s3;
	s17 =	sadd.s32 s7, s14  }
0xb: {  	s0 =	sadd.s32 s8, s0;
	s26 =	sadd.s32 $0x4A100, s9;
	[dreg:$0x8] =	wrdreg s17  }
0xc: {  	s12 =	sshrl.u32 s10, $0x1;
	s0 =	sadd.s32 $0xFE00, s0;
	[dreg:$0x10] =	wrdreg s26  }
0xd: {  	s12 =	ssub.s32 s10, s12;
	s20 =	sadd.s32 $0x10, s17;
	[dreg:$0x5] =	wrdreg s0  }
0xe: {  	s10 =	sshrl.u32 s11, $0x2;
	s23 =	sadd.s32 $0x20, s17;
	[dreg:$0xa] =	wrdreg s20  }
0xf: {  	s11 =	sshll.u32 s15, $0x6;
	s25 =	sadd.s32 $0x30, s17;
	[dreg:$0xc] =	wrdreg s23  }
0x10: {  	s9 =	simm.s32 $0x18000;
	s28 =	smax.u32 s12, $0x1;
	[dreg:$0xe] =	wrdreg s25  }
0x11: {  	s14 =	simm.s32 $0x5;
	s8 =	sadd.s32 s10, s1;
	[dreg:$0x11] =	wrdreg s28  }
0x12: {  	s10 =	sadd.s32 s5, s13;
	s19 =	sor.u32 $0x1C09, s11;
	[dreg:$0x4] =	wrdreg s8  }
0x13: {  	s13 =	sshrl.u32 s10, $0x3;
	s31 =	sshrl.u32 s8, $0x3;
	[dreg:$0x6] =	wrdreg s19  }
0x14: {  	s15 =	simm.s32 $0x6;
	s16 =	sadd.s32 s6, s13;
	[dreg:$0x12] =	wrdreg s31  }
0x15: {  	s26 =	simm.s32 $0x1;
	s18 =	sadd.s32 $0x10, s16;
	[dreg:$0x7] =	wrdreg s16  }
0x16: {  	s0 =	sor.u32 s24, s21;
	s22 =	sadd.s32 $0x20, s16;
	[dreg:$0x9] =	wrdreg s18  }
0x17: {  	s0 =	sshrl.u32 s0, $0x3;
	s11 =	sadd.s32 $0x30, s16;
	[dreg:$0xb] =	wrdreg s22  }
0x18: {  	s17 =	simm.s32 $0x8;
	s0 =	sadd.s32 s3, s0;
	[dreg:$0xd] =	wrdreg s11  }
0x19: {  	s21 =	simm.s32 $0x13F00;
	s16 =	simm.s32 $0x7;
	[dreg:$0xf] =	wrdreg s0  }
0x1a: {  	s22 =	simm.s32 $0x13F80;
	s0 =	simm.s32 $0x2;
	s18 =	simm.s32 $0x0  }
.LBB2_1:
0x1b: {  	s3 =	rddreg [dreg:$0x5]  }
0x1c: {  	s8 =	rddreg [dreg:$0x12]  }
0x1d: {  	[spmem:s8], [sflag:s19] =	dma.local [hbm:s3], $0x2780  }
0x1e: {  	s19 =	simm.s32 $0x9  }
0x1f: {  	_ =	swait.ge [sflag:s19], $0x2780  }
0x20: {  	[sflag:s19] =	ssyncset.done $0x0  }
0x21: {  	[sflag:s19] =	ssyncadd.s32 $0xFFFFD880  }
0x22: {  	[bflag:$0x0] =	sbarrier.arrive $0xFFFF  }
0x23: {  	s8 =	simm.s32 $0x13C00;
	s20 =	rddreg [dreg:$0x7]  }
0x24: {  	[tilespmem:s8], [sflag:$0x1] =	stream.linear.gather [hbm4b:s20+s2], $0x80, $0x38;
	[tilespmem:$0x1C000] =	vst v63  }
0x25: {  	s11 =	simm.s32 $0x13E00;
	s23 =	rddreg [dreg:$0x8]  }
0x26: {  	[tilespmem:s11], [sflag:$0x1] =	stream.linear.gather [hbm4b:s23+s2], $0x80, $0x38;
	[tilespmem:$0x1C000] =	vst v63  }
0x27: {  	s24 =	rddreg [dreg:$0x9];
	s11 =	simm.s32 $0x13C80  }
0x28: {  	[tilespmem:s11], [sflag:$0x2] =	stream.linear.gather [hbm4b:s24+s2], $0x80, $0x38;
	[tilespmem:$0x1C000] =	vst v63  }
0x29: {  	s12 =	simm.s32 $0x13E80;
	s25 =	rddreg [dreg:$0xa]  }
0x2a: {  	[tilespmem:s12], [sflag:$0x2] =	stream.linear.gather [hbm4b:s25+s2], $0x80, $0x38;
	[tilespmem:$0x1C000] =	vst v63  }
0x2b: {  	s19 =	simm.s32 $0x13D00;
	s13 =	rddreg [dreg:$0xb]  }
0x2c: {  	[tilespmem:s19], [sflag:$0x3] =	stream.linear.gather [hbm4b:s13+s2], $0x80, $0x38;
	[tilespmem:$0x1C000] =	vst v63  }
0x2d: {  	s20 =	rddreg [dreg:$0xc]  }
0x2e: {  	[tilespmem:s21], [sflag:$0x3] =	stream.linear.gather [hbm4b:s20+s2], $0x80, $0x38;
	[tilespmem:$0x1C000] =	vst v63  }
0x2f: {  	s23 =	rddreg [dreg:$0xd];
	s24 =	simm.s32 $0x13D80  }
0x30: {  	[tilespmem:s24], [sflag:$0x4] =	stream.linear.gather [hbm4b:s23+s2], $0x80, $0x38;
	[tilespmem:$0x1C000] =	vst v63  }
0x31: {  	s25 =	rddreg [dreg:$0xe]  }
0x32: {  	[tilespmem:s22], [sflag:$0x4] =	stream.linear.gather [hbm4b:s25+s2], $0x80, $0x38;
	[tilespmem:$0x1C000] =	vst v63  }
0x33: {  	_ =	swait.ge [sflag:s26], $0x80  }
0x34: {  	[sflag:s26] =	ssyncset.done $0x0  }
0x35: {  	[sflag:s26] =	ssyncadd.s32 $0xFFFFFF80  }
0x36: {  	_ =	swait.ge [sflag:s26], $0x80  }
0x37: {  	[sflag:s26] =	ssyncset.done $0x0  }
0x38: {  	[sflag:s26] =	ssyncadd.s32 $0xFFFFFF80  }
0x39: {  	[tilespmem:s30], [sflag:$0x5] =	stream.indirect.gather [hbm4b:s4+s29], $0x80, s8, s29, $0xb8;
	[tilespmem:$0x1C000] =	vst v63  }
0x3a: {  	_ =	swait.ge [sflag:s0], $0x80  }
0x3b: {  	[sflag:s0] =	ssyncset.done $0x0  }
0x3c: {  	[sflag:s0] =	ssyncadd.s32 $0xFFFFFF80  }
0x3d: {  	_ =	swait.ge [sflag:s0], $0x80  }
0x3e: {  	s8 =	simm.s32 $0x2;
	[sflag:s0] =	ssyncset.done $0x0  }
0x3f: {  	s3 =	sand.u32 $0x2, s8;
	[sflag:s0] =	ssyncadd.s32 $0xFFFFFF80  }
0x40: {  	[tilespmem:s9], [sflag:$0x6] =	stream.indirect.gather [hbm4b:s4+s29], $0x80, s11, s29, $0xb8;
	[tilespmem:$0x1C000] =	vst v63  }
0x41: {  	s12 =	sxor.u32 $0x2, s3;
	_ =	swait.ge [sflag:s14], $0x4000  }
0x42: {  	s28 =	sshll.u32 s12, $0x7;
	[sflag:s14] =	ssyncset.done $0x0  }
0x43: {  	s21 =	sor.u32 $0x13E00, s28;
	[sflag:s14] =	ssyncadd.s32 $0xFFFFC000  }
0x44: {  	[spmem:s1] =	stream.indirect.scatter.add.f32 [tilespmem:s30], [sflag:$0x7], $0x80, s21, s29, $0xb8;
	[tilespmem:$0x1C000] =	vst v63  }
0x45: {  	s25 =	sxor.u32 $0x3, s3;
	_ =	swait.ge [sflag:s15], $0x4000  }
0x46: {  	s20 =	sshll.u32 s25, $0x7;
	[sflag:s15] =	ssyncset.done $0x0  }
0x47: {  	s22 =	sor.u32 $0x13E00, s20;
	[sflag:s15] =	ssyncadd.s32 $0xFFFFC000  }
0x48: {  	[spmem:s1] =	stream.indirect.scatter.add.f32 [tilespmem:s9], [sflag:$0x8], $0x80, s22, s29, $0xb8;
	[tilespmem:$0x1C000] =	vst v63  }
0x49: {  	_ =	swait.ge [sflag:s16], $0x4000  }
0x4a: {  	[sflag:s16] =	ssyncset.done $0x0  }
0x4b: {  	s11 =	sor.u32 $0x1, s3;
	[sflag:s16] =	ssyncadd.s32 $0xFFFFC000  }
0x4c: {  	_ =	swait.ge [sflag:s11], $0x80  }
0x4d: {  	[sflag:s11] =	ssyncset.done $0x0  }
0x4e: {  	[sflag:s11] =	ssyncadd.s32 $0xFFFFFF80  }
0x4f: {  	_ =	swait.ge [sflag:s11], $0x80  }
0x50: {  	s23 =	sshll.u32 s3, $0x7;
	[sflag:s11] =	ssyncset.done $0x0  }
0x51: {  	s23 =	sor.u32 $0x13C00, s23;
	[sflag:s11] =	ssyncadd.s32 $0xFFFFFF80  }
0x52: {  	[tilespmem:s30], [sflag:$0x5] =	stream.indirect.gather [hbm4b:s4+s29], $0x80, s23, s29, $0xb8;
	[tilespmem:$0x1C000] =	vst v63  }
0x53: {  	_ =	swait.ge [sflag:s17], $0x4000  }
0x54: {  	[sflag:s17] =	ssyncset.done $0x0  }
0x55: {  	s31 =	smin.u32 s14, $0x4F;
	s3 =	sadd.s32 $0x2, s3;
	[sflag:s17] =	ssyncadd.s32 $0xFFFFC000  }
0x56: {  	s31 =	sshll.u32 s31, $0x7;
	s19 =	sshll.u32 s11, $0x7;
	_ =	swait.ge [sflag:s3], $0x80  }
0x57: {  	s24 =	simm.s32 $0x4;
	s19 =	sor.u32 $0x13C00, s19;
	[sflag:s3] =	ssyncset.done $0x0  }
0x58: {  	s11 =	sor.u32 $0x13C00, s28;
	s23 =	smin.u32 s24, $0x4F;
	[sflag:s3] =	ssyncadd.s32 $0xFFFFFF80  }
0x59: {  	s28 =	simm.s32 $0x9;
	s13 =	sshll.u32 s23, $0x7;
	_ =	swait.ge [sflag:s3], $0x80  }
0x5a: {  	s23 =	sor.u32 $0x1, s12;
	s8 =	sadd.s32 s10, s13;
	[sflag:s3] =	ssyncset.done $0x0  }
0x5b: {  	s24 =	sadd.s32 s5, s13;
	[sflag:s3] =	ssyncadd.s32 $0xFFFFFF80;
	s3 =	sshrl.u32 s8, $0x3  }
0x5c: {  	[tilespmem:s9], [sflag:$0x6] =	stream.indirect.gather [hbm4b:s4+s29], $0x80, s19, s29, $0xb8;
	[tilespmem:$0x1C000] =	vst v63  }
0x5d: {  	s8 =	sadd.s32 s10, s31;
	s19 =	simm.s32 $0x7;
	s3 =	sadd.s32 s6, s3  }
0x5e: {  	[tilespmem:s11], [sflag:s23] =	stream.linear.gather [hbm4b:s3+s2], $0x80, $0x38;
	[tilespmem:$0x1C000] =	vst v63  }
0x5f: {  	s11 =	sadd.s32 s5, s31;
	s31 =	sshrl.u32 s24, $0x3;
	s24 =	sshrl.u32 s8, $0x3  }
0x60: {  	s3 =	sshrl.u32 s11, $0x3;
	s12 =	sadd.s32 s7, s31;
	s31 =	sadd.s32 s6, s24  }
.LBB2_2:
0x61: {  	[tilespmem:s21], [sflag:s23] =	stream.linear.gather [hbm4b:s12+s2], $0x80, $0x38;
	[tilespmem:$0x1C000] =	vst v63  }
0x62: {  	s12 =	sadd.s32 $0xFFFFFFFD, s19;
	s13 =	sadd.s32 $0x1, s25;
	s20 =	sor.u32 $0x13C00, s20  }
0x63: {  	[tilespmem:s20], [sflag:s13] =	stream.linear.gather [hbm4b:s31+s2], $0x80, $0x38;
	[tilespmem:$0x1C000] =	vst v63  }
0x64: {  	p1 =	sne.s32 s28, $0x51;
	s3 =	sadd.s32 s7, s3;
	s12 =	sand.u32 $0x2, s12  }
0x65: {  	[tilespmem:s22], [sflag:s13] =	stream.linear.gather [hbm4b:s3+s2], $0x80, $0x38;
	[tilespmem:$0x1C000] =	vst v63  }
0x66: {  	s23 =	sxor.u32 $0x2, s12;
	s25 =	sxor.u32 $0x3, s12;
	_ =	swait.ge [sflag:s14], $0x4000  }
0x67: {  	s31 =	sshll.u32 s23, $0x7;
	s20 =	sshll.u32 s25, $0x7;
	[sflag:s14] =	ssyncset.done $0x0  }
0x68: {  	s21 =	sor.u32 $0x13E00, s31;
	s3 =	sshll.u32 s12, $0x7;
	[sflag:s14] =	ssyncadd.s32 $0xFFFFC000  }
0x69: {  	[spmem:s1] =	stream.indirect.scatter.add.f32 [tilespmem:s30], [sflag:$0x7], $0x80, s21, s29, $0xb8;
	[tilespmem:$0x1C000] =	vst v63  }
0x6a: {  	s13 =	smov.u32 s28;
	s28 =	sadd.s32 $0x2, s28;
	_ =	swait.ge [sflag:s15], $0x4000  }
0x6b: {  	[sflag:s15] =	ssyncset.done $0x0  }
0x6c: {  	s22 =	sor.u32 $0x13E00, s20;
	[sflag:s15] =	ssyncadd.s32 $0xFFFFC000  }
0x6d: {  	[spmem:s1] =	stream.indirect.scatter.add.f32 [tilespmem:s9], [sflag:$0x8], $0x80, s22, s29, $0xb8;
	[tilespmem:$0x1C000] =	vst v63  }
0x6e: {  	_ =	swait.ge [sflag:s16], $0x4000  }
0x6f: {  	[sflag:s16] =	ssyncset.done $0x0  }
0x70: {  	s24 =	sor.u32 $0x1, s12;
	[sflag:s16] =	ssyncadd.s32 $0xFFFFC000  }
0x71: {  	_ =	swait.ge [sflag:s24], $0x80  }
0x72: {  	[sflag:s24] =	ssyncset.done $0x0  }
0x73: {  	[sflag:s24] =	ssyncadd.s32 $0xFFFFFF80  }
0x74: {  	_ =	swait.ge [sflag:s24], $0x80  }
0x75: {  	[sflag:s24] =	ssyncset.done $0x0  }
0x76: {  	s3 =	sor.u32 $0x13C00, s3;
	[sflag:s24] =	ssyncadd.s32 $0xFFFFFF80  }
0x77: {  	[tilespmem:s30], [sflag:$0x5] =	stream.indirect.gather [hbm4b:s4+s29], $0x80, s3, s29, $0xb8;
	[tilespmem:$0x1C000] =	vst v63  }
0x78: {  	_ =	swait.ge [sflag:s17], $0x4000  }
0x79: {  	s3 =	sadd.s32 $0x2, s12;
	[sflag:s17] =	ssyncset.done $0x0  }
0x7a: {  	s12 =	sadd.s32 $0xFFFFFFFF, s19;
	s19 =	smin.u32 s19, $0x4F;
	[sflag:s17] =	ssyncadd.s32 $0xFFFFC000  }
0x7b: {  	s12 =	smin.u32 s12, $0x4F;
	s8 =	sshll.u32 s19, $0x7;
	_ =	swait.ge [sflag:s3], $0x80  }
0x7c: {  	s19 =	smov.u32 s13;
	s12 =	sshll.u32 s12, $0x7;
	[sflag:s3] =	ssyncset.done $0x0  }
0x7d: {  	s13 =	sshll.u32 s24, $0x7;
	s11 =	sadd.s32 s10, s12;
	[sflag:s3] =	ssyncadd.s32 $0xFFFFFF80  }
0x7e: {  	s13 =	sor.u32 $0x13C00, s13;
	s12 =	sadd.s32 s5, s12;
	s11 =	sshrl.u32 s11, $0x3  }
0x7f: {  	s24 =	sadd.s32 s5, s8;
	s8 =	sadd.s32 s10, s8;
	_ =	swait.ge [sflag:s3], $0x80  }
0x80: {  	s12 =	sshrl.u32 s12, $0x3;
	s11 =	sadd.s32 s6, s11;
	[sflag:s3] =	ssyncset.done $0x0  }
.Ltmp0:
0x81: {  	[sflag:s3] =	ssyncadd.s32 $0xFFFFFF80;
	s3 =	sshrl.u32 s24, $0x3;
	(pc) =	sbr.rel @p1 .LBB2_2-.Ltmp0, $4  }
0x82: {  	[tilespmem:s9], [sflag:$0x6] =	stream.indirect.gather [hbm4b:s4+s29], $0x80, s13, s29, $0xb8;
	[tilespmem:$0x1C000] =	vst v63  }
0x83: {  	s23 =	sor.u32 $0x1, s23;
	s8 =	sshrl.u32 s8, $0x3;
	s13 =	sor.u32 $0x13C00, s31  }
0x84: {  	[tilespmem:s13], [sflag:s23] =	stream.linear.gather [hbm4b:s11+s2], $0x80, $0x38;
	[tilespmem:$0x1C000] =	vst v63  }
0x85: {  	s12 =	sadd.s32 s7, s12;
	s31 =	sadd.s32 s6, s8  }
0x86: {  	[tilespmem:s21], [sflag:s23] =	stream.linear.gather [hbm4b:s12+s2], $0x80, $0x38;
	[tilespmem:$0x1C000] =	vst v63  }
0x87: {  	s8 =	sadd.s32 $0xFFFFFFFD, s19;
	s11 =	sadd.s32 $0x1, s25;
	s28 =	sor.u32 $0x13C00, s20  }
0x88: {  	[tilespmem:s28], [sflag:s11] =	stream.linear.gather [hbm4b:s31+s2], $0x80, $0x38;
	[tilespmem:$0x1C000] =	vst v63  }
0x89: {  	s3 =	sadd.s32 s7, s3;
	s8 =	sand.u32 $0x2, s8  }
0x8a: {  	[tilespmem:s22], [sflag:s11] =	stream.linear.gather [hbm4b:s3+s2], $0x80, $0x38;
	[tilespmem:$0x1C000] =	vst v63  }
0x8b: {  	s3 =	sxor.u32 $0x2, s8;
	_ =	swait.ge [sflag:s14], $0x4000  }
0x8c: {  	s11 =	sshll.u32 s3, $0x7;
	[sflag:s14] =	ssyncset.done $0x0  }
0x8d: {  	s12 =	sor.u32 $0x13E00, s11;
	[sflag:s14] =	ssyncadd.s32 $0xFFFFC000  }
0x8e: {  	[spmem:s1] =	stream.indirect.scatter.add.f32 [tilespmem:s30], [sflag:$0x7], $0x80, s12, s29, $0xb8;
	[tilespmem:$0x1C000] =	vst v63  }
0x8f: {  	s13 =	sxor.u32 $0x3, s8;
	_ =	swait.ge [sflag:s15], $0x4000  }
0x90: {  	s20 =	sshll.u32 s13, $0x7;
	[sflag:s15] =	ssyncset.done $0x0  }
0x91: {  	s21 =	sor.u32 $0x13E00, s20;
	[sflag:s15] =	ssyncadd.s32 $0xFFFFC000  }
0x92: {  	[spmem:s1] =	stream.indirect.scatter.add.f32 [tilespmem:s9], [sflag:$0x8], $0x80, s21, s29, $0xb8;
	[tilespmem:$0x1C000] =	vst v63  }
0x93: {  	_ =	swait.ge [sflag:s16], $0x4000  }
0x94: {  	[sflag:s16] =	ssyncset.done $0x0  }
0x95: {  	s31 =	sor.u32 $0x1, s8;
	[sflag:s16] =	ssyncadd.s32 $0xFFFFC000  }
0x96: {  	_ =	swait.ge [sflag:s31], $0x80  }
0x97: {  	[sflag:s31] =	ssyncset.done $0x0  }
0x98: {  	[sflag:s31] =	ssyncadd.s32 $0xFFFFFF80  }
0x99: {  	_ =	swait.ge [sflag:s31], $0x80  }
0x9a: {  	s24 =	sshll.u32 s8, $0x7;
	[sflag:s31] =	ssyncset.done $0x0  }
0x9b: {  	s23 =	sor.u32 $0x13C00, s24;
	[sflag:s31] =	ssyncadd.s32 $0xFFFFFF80  }
0x9c: {  	[tilespmem:s30], [sflag:$0x5] =	stream.indirect.gather [hbm4b:s4+s29], $0x80, s23, s29, $0xb8;
	[tilespmem:$0x1C000] =	vst v63  }
0x9d: {  	_ =	swait.ge [sflag:s17], $0x4000  }
0x9e: {  	[sflag:s17] =	ssyncset.done $0x0  }
0x9f: {  	s8 =	sadd.s32 $0x2, s8;
	[sflag:s17] =	ssyncadd.s32 $0xFFFFC000  }
0xa0: {  	_ =	swait.ge [sflag:s8], $0x80  }
0xa1: {  	[sflag:s8] =	ssyncset.done $0x0  }
0xa2: {  	s25 =	sadd.s32 $0xFFFFFFFF, s19;
	[sflag:s8] =	ssyncadd.s32 $0xFFFFFF80  }
0xa3: {  	s23 =	smin.u32 s25, $0x4F;
	_ =	swait.ge [sflag:s8], $0x80  }
0xa4: {  	s22 =	sshll.u32 s31, $0x7;
	s28 =	sshll.u32 s23, $0x7;
	[sflag:s8] =	ssyncset.done $0x0  }
0xa5: {  	s22 =	sor.u32 $0x13C00, s22;
	s31 =	sadd.s32 s10, s28;
	[sflag:s8] =	ssyncadd.s32 $0xFFFFFF80  }
0xa6: {  	[tilespmem:s9], [sflag:$0x6] =	stream.indirect.gather [hbm4b:s4+s29], $0x80, s22, s29, $0xb8;
	[tilespmem:$0x1C000] =	vst v63  }
0xa7: {  	s3 =	sor.u32 $0x1, s3;
	s8 =	sadd.s32 s5, s28;
	s22 =	sshrl.u32 s31, $0x3  }
0xa8: {  	s11 =	sor.u32 $0x13C00, s11;
	s8 =	sshrl.u32 s8, $0x3;
	s22 =	sadd.s32 s6, s22  }
0xa9: {  	[tilespmem:s11], [sflag:s3] =	stream.linear.gather [hbm4b:s22+s2], $0x80, $0x38;
	[tilespmem:$0x1C000] =	vst v63  }
0xaa: {  	s23 =	smin.u32 s19, $0x4F;
	s8 =	sadd.s32 s7, s8  }
0xab: {  	[tilespmem:s12], [sflag:s3] =	stream.linear.gather [hbm4b:s8+s2], $0x80, $0x38;
	[tilespmem:$0x1C000] =	vst v63  }
0xac: {  	s3 =	sshll.u32 s23, $0x7  }
0xad: {  	s24 =	sadd.s32 s10, s3  }
0xae: {  	s25 =	sadd.s32 $0x1, s13;
	s3 =	sadd.s32 s5, s3;
	s8 =	sshrl.u32 s24, $0x3  }
0xaf: {  	s28 =	sor.u32 $0x13C00, s20;
	s3 =	sshrl.u32 s3, $0x3;
	s8 =	sadd.s32 s6, s8  }
0xb0: {  	[tilespmem:s28], [sflag:s25] =	stream.linear.gather [hbm4b:s8+s2], $0x80, $0x38;
	[tilespmem:$0x1C000] =	vst v63  }
0xb1: {  	s3 =	sadd.s32 s7, s3  }
0xb2: {  	[tilespmem:s21], [sflag:s25] =	stream.linear.gather [hbm4b:s3+s2], $0x80, $0x38;
	[tilespmem:$0x1C000] =	vst v63  }
0xb3: {  	_ =	swait.ge [sflag:s14], $0x4000  }
0xb4: {  	[sflag:s14] =	ssyncset.done $0x0  }
0xb5: {  	s21 =	simm.s32 $0x13F00;
	[sflag:s14] =	ssyncadd.s32 $0xFFFFC000  }
0xb6: {  	[spmem:s1] =	stream.indirect.scatter.add.f32 [tilespmem:s30], [sflag:$0x7], $0x80, s21, s29, $0xb8;
	[tilespmem:$0x1C000] =	vst v63  }
0xb7: {  	_ =	swait.ge [sflag:s15], $0x4000  }
0xb8: {  	[sflag:s15] =	ssyncset.done $0x0  }
0xb9: {  	s22 =	simm.s32 $0x13F80;
	[sflag:s15] =	ssyncadd.s32 $0xFFFFC000  }
0xba: {  	[spmem:s1] =	stream.indirect.scatter.add.f32 [tilespmem:s9], [sflag:$0x8], $0x80, s22, s29, $0xb8;
	[tilespmem:$0x1C000] =	vst v63  }
0xbb: {  	_ =	swait.ge [sflag:s16], $0x4000  }
0xbc: {  	[sflag:s16] =	ssyncset.done $0x0  }
0xbd: {  	[sflag:s16] =	ssyncadd.s32 $0xFFFFC000  }
0xbe: {  	_ =	swait.ge [sflag:s17], $0x4000  }
0xbf: {  	[sflag:s17] =	ssyncset.done $0x0  }
0xc0: {  	[sflag:s17] =	ssyncadd.s32 $0xFFFFC000  }
0xc1: {  	_ =	swait.ge [sflag:s26], $0x80  }
0xc2: {  	[sflag:s26] =	ssyncset.done $0x0  }
0xc3: {  	[sflag:s26] =	ssyncadd.s32 $0xFFFFFF80  }
0xc4: {  	_ =	swait.ge [sflag:s26], $0x80  }
0xc5: {  	[sflag:s26] =	ssyncset.done $0x0  }
0xc6: {  	[sflag:s26] =	ssyncadd.s32 $0xFFFFFF80  }
0xc7: {  	_ =	swait.ge [sflag:s0], $0x80  }
0xc8: {  	[sflag:s0] =	ssyncset.done $0x0  }
0xc9: {  	[sflag:s0] =	ssyncadd.s32 $0xFFFFFF80  }
0xca: {  	_ =	swait.ge [sflag:s0], $0x80  }
0xcb: {  	[sflag:s0] =	ssyncset.done $0x0  }
0xcc: {  	[sflag:s0] =	ssyncadd.s32 $0xFFFFFF80  }
0xcd: {  	[bflag:$0x0] =	sbarrier.arrive $0xFFFF  }
0xce: {  	s13 =	rddreg [dreg:$0x4]  }
0xcf: {  	s11 =	simm.s32 @p0 $0x100;
	s12 =	simm.s32 @p0 $0x80;
	s19 =	rddreg [dreg:$0x6]  }
0xd0: {  	s8 =	simm.s32 @p0 $0x8;
	s20 =	rddreg [dreg:$0x10];
	s3 =	sshrl.u32 @p0 s13, $0x3  }
0xd1: {  	[hbm:s20@s11], [sflag:s19] =	dma.strided @p0 [spmem:s3@s12], $0x2080, s8, $0x10   }
0xd2: {  	s3 =	simm.s32 @p0 $0x9  }
0xd3: {  	s8 =	simm.s32 @!p0 $0x8;
	_ =	swait.ge @p0 [sflag:s3], $0x2080  }
0xd4: {  	s11 =	simm.s32 @!p0 $0x100;
	s12 =	simm.s32 @!p0 $0x80;
	[sflag:s3] =	ssyncset.done @p0 $0x0  }
0xd5: {  	[sflag:s3] =	ssyncadd.s32 @p0 $0xFFFFDF80;
	s3 =	sshrl.u32 @!p0 s13, $0x3;
	s13 =	rddreg [dreg:$0xf]  }
0xd6: {  	[hbm:s13@s11], [sflag:s19] =	dma.strided @!p0 [spmem:s3@s12], $0x2780, s8, $0x10   }
0xd7: {  	s3 =	simm.s32 @!p0 $0x9  }
0xd8: {  	_ =	swait.ge @!p0 [sflag:s3], $0x2780  }
0xd9: {  	s18 =	sadd.s32 $0x1, s18;
	s31 =	rddreg [dreg:$0x11]  }
0xda: {  	p1 =	sne.s32 s18, s31  }
.Ltmp1:
0xdb: {  	_ = 	snop;
	(pc) =	sbr.rel @p1 .LBB2_1-.Ltmp1, $3  }
0xdc: {  	_ =	sdelay $0x1  }
0xdd: {  	[sflag:s3] =	ssyncset.done @!p0 $0x0  }
0xde: {  	[sflag:s3] =	ssyncadd.s32 @!p0 $0xFFFFD880  }
0xdf: {  	_ =	sfence.sel $0x180000  }
0xe0: {  	[bflag:$0x0] =	sbarrier.arrive $0xFFFF  }
0xe1: {  	_ =	strace $0x9000004A  }
0xe2: {  	s0 =	stileid.u32;
	[bflag:$0x2] =	sbarrier.arrive $0xFFFF  }
0xe3: {  	p0 =	sne.s32 s0, $0x0;
	s0 =	rddreg [dreg:$0x3]  }
0xe4: {  	s0 =	sadd.s32 @!p0 $0x100000, s0  }
0xe5: {  	[sflag:s0] =	ssyncadd.tile.s32 @!p0 $0x1;
	_ =	shalt  }
.Lfunc_end2:
_tile_overlayer_lowered:
.L_overlay_start_2:
0xe6: {  	(tag) =	ssettag $0x2  }
0xe7: {  	s0 =	rddreg [dreg:$0x0];
	s2 =	stileid.u32  }
0xe8: {  	s1 =	rddreg [dreg:$0x1];
	p0 =	sne.s32 s2, $0x0  }
0xe9: {  	s3 =	rddreg [dreg:$0x2];
	[bflag:$0x3] =	sbarrier.arrive $0xFFFF;
	s2 =	simm.s32 @!p0 $0x1C09  }
0xea: {  	[timem:s3], [sflag:s2] =	dma.local @!p0 [hbm:s0], s1  }
0xeb: {  	s0 =	simm.s32 @!p0 $0x9  }
0xec: {  	_ =	swait.ge @!p0 [sflag:s0], s1  }
0xed: {  	s1 =	ssub.s32 @!p0 $0x0, s1;
	[sflag:s0] =	ssyncset.done @!p0 $0x0  }
0xee: {  	[sflag:s0] =	ssyncadd.s32 @!p0 s1  }
0xef: {  	[bflag:$0x3] =	sbarrier.arrive $0xFFFF  }
0xf0: {  	_ =	shalt  }

</sc_bundles>
